<compile_context>
chip_gen: v7x
topology: tpu7x:2x2x1
jax: 0.10.2.dev20260603
libtpu: 0.0.44.dev20260713+nightly
codegen_flags: <defaults>
</compile_context>

<pallas_src>
import functools

import jax
import jax.numpy as jnp
from jax import lax
from jax.experimental import pallas as pl
from jax.experimental.pallas import tpu as pltpu
from jax.experimental.pallas import tpu_sc as plsc

ROWS = 64
N = 32768
L = 16
NSLICES = N // L
WORKERS = 32
ROWS_PER_WORKER = ROWS // WORKERS
NEG = -3.0e38
U = 16
NU = 4
CHUNKS = 4
CHUNK = N // CHUNKS
CGROUPS = CHUNK // (U * L)


def _compact_row(buf, cand_v):

    def cpt_body(i, carry):
        off, w, gmax = carry
        vs = [buf[pl.ds((i * U + u) * L, L)] for u in range(U)]
        ps = [v > w for v in vs]
        for u in range(U):
            pc = plsc.cumsum(jnp.where(ps[u], 1, 0))
            plsc.store_scatter(cand_v, [off + pc], vs[u], mask=ps[u])
            off = off + plsc.all_reduce_population_count(ps[u])
        ms = list(vs)
        while len(ms) > 1:
            ms = [jnp.maximum(ms[2 * j], ms[2 * j + 1])
                  for j in range(len(ms) // 2)]
        gmax = jnp.maximum(gmax, ms[0])
        w = jnp.maximum(w, ms[0] - 1.0)
        return (off, w, gmax)

    off16, _, gmax16 = lax.fori_loop(
        0,
        NSLICES // U,
        cpt_body,
        (
            jnp.full((L,), -1, jnp.int32),
            jnp.full((L,), NEG, jnp.float32),
            jnp.full((L,), NEG, jnp.float32),
        ),
        unroll=1,
    )
    return off16[0] + 1, gmax16


def _process_row(out_hbm, row, buf, cand_v, in_copy, sem_out):
    in_copy.wait()
    k_count, gmax16 = _compact_row(buf, cand_v)
    neg16 = jnp.full((L,), NEG, jnp.float32)
    for u in range(NU):
        cand_v[pl.ds(k_count + u * L, L)] = neg16
    ng = (k_count + (NU * L - 1)) >> 6

    m = lax.broadcast_in_dim(jnp.max(gmax16), (L,), ())

    def n_cond(carry):
        t, t_prev = carry
        return jnp.all(t > t_prev)

    def n_body(carry):
        t, _ = carry

        def pass_body(i, acc):
            sa, ca = acc
            for u in range(NU):
                d = cand_v[pl.ds((i * NU + u) * L, L)] - t
                sa = sa + jnp.maximum(d, 0.0)
                ca = ca + plsc.all_reduce_population_count(d > 0.0)
            return (sa, ca)

        sa, ca = lax.fori_loop(
            0,
            ng,
            pass_body,
            (jnp.zeros((L,), jnp.float32), jnp.zeros((L,), jnp.int32)),
        )
        s = lax.broadcast_in_dim(jnp.sum(sa), (L,), ())
        c = ca.astype(jnp.float32)
        t_new = t + (s - 1.0) / c
        return (jnp.where(t_new > t, t_new, t), t)

    tau, _ = lax.while_loop(
        n_cond, n_body, (m - 1.0, jnp.full((L,), NEG, jnp.float32))
    )

    def out_body(i, carry):
        for u in range(U):
            sl = pl.ds((i * U + u) * L, L)
            buf[sl] = jnp.maximum(buf[sl] - tau, 0.0)
        return carry

    lax.fori_loop(0, NSLICES // U, out_body, 0, unroll=1)
    return pltpu.async_copy(buf, out_hbm.at[row], sem_out)


def _sparsemax_body(x_hbm, out_hbm, buf_a, buf_b, cand_v, sem_a, sem_b,
                    sem_oa, sem_ob):
    wid = lax.axis_index("s") * 2 + lax.axis_index("c")
    row0 = wid * ROWS_PER_WORKER
    row1 = row0 + 1
    in_a = pltpu.async_copy(x_hbm.at[row0], buf_a, sem_a)
    in_b = pltpu.async_copy(x_hbm.at[row1], buf_b, sem_b)
    out_a = _process_row(out_hbm, row0, buf_a, cand_v, in_a, sem_oa)
    out_b = _process_row(out_hbm, row1, buf_b, cand_v, in_b, sem_ob)
    out_a.wait()
    out_b.wait()


@jax.jit
def kernel(x):
    return pl.kernel(
        _sparsemax_body,
        out_type=jax.ShapeDtypeStruct((ROWS, N), jnp.float32),
        mesh=plsc.VectorSubcoreMesh(core_axis_name="c", subcore_axis_name="s"),
        scratch_types=[
            pltpu.VMEM((N,), jnp.float32),
            pltpu.VMEM((N,), jnp.float32),
            pltpu.VMEM((N + 4 * L,), jnp.float32),
            pltpu.SemaphoreType.DMA,
            pltpu.SemaphoreType.DMA,
            pltpu.SemaphoreType.DMA,
            pltpu.SemaphoreType.DMA,
        ],
        compiler_params=pltpu.CompilerParams(needs_layout_passes=False),
    )(x)

# --- scband reference (transcript-rebuilt; emitter-appended) ---
"""Pipeline reference for scband-sparsemax-17497696764646 (READ-ONLY COPY).

The authoritative reference and input builder live on the scoring server;
editing this copy changes nothing except your own understanding.
"""

import jax, jax.numpy as jnp
import numpy as np


def setup_inputs(seed: int = 0) -> dict:
    key = jax.random.key(seed)
    x = jax.random.normal(key, (64, 32768), dtype=jnp.float32)
    return {"x": x}


def reference(x):
    # Row-wise sparsemax: Euclidean projection of each row onto the probability simplex.
    # Faithful to project_simplex: sort descending, cumulative sums, support size rho,
    # threshold tau = cssv[rho-1]/rho, then clamp(v - tau, min=0).
    z = jnp.float32(1.0)
    n = x.shape[1]

    def row(v):
        v_sorted = jnp.sort(v)[::-1]  # descending sort
        cssv = jnp.cumsum(v_sorted) - z
        ind = jnp.arange(1, n + 1, dtype=v.dtype)
        cond = (v_sorted - cssv / ind) > 0
        rho = jnp.sum(cond)  # support size: cond is True exactly for first rho entries
        tau = cssv[rho - 1] / rho.astype(v.dtype)
        return jnp.clip(v - tau, 0.0, None)

    return jax.vmap(row)(x)

if __name__ == "__main__":
    import jax
    _d = setup_inputs()
    print(jax.jit(kernel)(*tuple(_d.values())))

</pallas_src>

<mosaic_0001>
#map = affine_map<(d0, d1) -> (0, 0)>
module attributes {stable_mosaic.version = 14 : i64} {
  func.func @_sparsemax_body(%arg0: i32, %arg1: i32, %arg2: memref<64x32768xf32, #tpu.memory_space<hbm>>, %arg3: memref<64x32768xf32, #tpu.memory_space<hbm>>, %arg4: memref<32768xf32, #tpu.memory_space<vmem>>, %arg5: memref<32768xf32, #tpu.memory_space<vmem>>, %arg6: memref<32832xf32, #tpu.memory_space<vmem>>, %arg7: memref<!tpu.dma_semaphore, #tpu.memory_space<semaphore_mem>>, %arg8: memref<!tpu.dma_semaphore, #tpu.memory_space<semaphore_mem>>, %arg9: memref<!tpu.dma_semaphore, #tpu.memory_space<semaphore_mem>>, %arg10: memref<!tpu.dma_semaphore, #tpu.memory_space<semaphore_mem>>) attributes {dimension_semantics = [#tpu.dimension_semantics<core_parallel>, #tpu.dimension_semantics<subcore_parallel>], iteration_bounds = array<i64: 2, 16>, scalar_prefetch = 0 : i64, scratch_operands = 7 : i64, tpu.core_type = #tpu.core_type<sc_vector_subcore>, window_params = [{transform_indices = #map}, {transform_indices = #map}]} {
    %mul3A = arith.constant 2 : i32
    %mul3A_0 = arith.muli %arg1, %mul3A : i32
    %add3A = arith.addi %mul3A_0, %arg0 : i32
    %mul3A_1 = arith.constant 2 : i32
    %mul3A_2 = arith.muli %add3A, %mul3A_1 : i32
    %add3A_3 = arith.constant 1 : i32
    %add3A_4 = arith.addi %mul3A_2, %add3A_3 : i32
    %dma_start3A = arith.constant 0 : i32
    %dma_start3A_5 = tpu.memref_slice %arg2[%mul3A_2, %dma_start3A] : memref<64x32768xf32, #tpu.memory_space<hbm>> -> memref<1x32768xf32, #tpu.memory_space<hbm>>
    %dma_start3A_6 = tpu.memref_squeeze %dma_start3A_5 : memref<1x32768xf32, #tpu.memory_space<hbm>> -> memref<32768xf32, #tpu.memory_space<hbm>>
    %dma_start3A_7 = arith.constant 0 : i32
    %dma_start3A_8 = tpu.memref_slice %arg2[%mul3A_2, %dma_start3A_7] : memref<64x32768xf32, #tpu.memory_space<hbm>> -> memref<1x32768xf32, #tpu.memory_space<hbm>>
    %dma_start3A_9 = tpu.memref_squeeze %dma_start3A_8 : memref<1x32768xf32, #tpu.memory_space<hbm>> -> memref<32768xf32, #tpu.memory_space<hbm>>
    tpu.enqueue_dma source(%dma_start3A_9 : memref<32768xf32, #tpu.memory_space<hbm>>) target(%arg4 : memref<32768xf32, #tpu.memory_space<vmem>>) target_semaphore(%arg7 : memref<!tpu.dma_semaphore, #tpu.memory_space<semaphore_mem>>)
    %dma_start3A_10 = arith.constant 0 : i32
    %dma_start3A_11 = tpu.memref_slice %arg2[%add3A_4, %dma_start3A_10] : memref<64x32768xf32, #tpu.memory_space<hbm>> -> memref<1x32768xf32, #tpu.memory_space<hbm>>
    %dma_start3A_12 = tpu.memref_squeeze %dma_start3A_11 : memref<1x32768xf32, #tpu.memory_space<hbm>> -> memref<32768xf32, #tpu.memory_space<hbm>>
    %dma_start3A_13 = arith.constant 0 : i32
    %dma_start3A_14 = tpu.memref_slice %arg2[%add3A_4, %dma_start3A_13] : memref<64x32768xf32, #tpu.memory_space<hbm>> -> memref<1x32768xf32, #tpu.memory_space<hbm>>
    %dma_start3A_15 = tpu.memref_squeeze %dma_start3A_14 : memref<1x32768xf32, #tpu.memory_space<hbm>> -> memref<32768xf32, #tpu.memory_space<hbm>>
    tpu.enqueue_dma source(%dma_start3A_15 : memref<32768xf32, #tpu.memory_space<hbm>>) target(%arg5 : memref<32768xf32, #tpu.memory_space<vmem>>) target_semaphore(%arg8 : memref<!tpu.dma_semaphore, #tpu.memory_space<semaphore_mem>>)
    %dma_wait3A = arith.constant 0 : i32
    %dma_wait3A_16 = tpu.memref_slice %arg2[%mul3A_2, %dma_wait3A] : memref<64x32768xf32, #tpu.memory_space<hbm>> -> memref<1x32768xf32, #tpu.memory_space<hbm>>
    %dma_wait3A_17 = tpu.memref_squeeze %dma_wait3A_16 : memref<1x32768xf32, #tpu.memory_space<hbm>> -> memref<32768xf32, #tpu.memory_space<hbm>>
    %dma_wait3A_18 = arith.constant 0 : i32
    %dma_wait3A_19 = tpu.memref_slice %arg2[%mul3A_2, %dma_wait3A_18] : memref<64x32768xf32, #tpu.memory_space<hbm>> -> memref<1x32768xf32, #tpu.memory_space<hbm>>
    %dma_wait3A_20 = tpu.memref_squeeze %dma_wait3A_19 : memref<1x32768xf32, #tpu.memory_space<hbm>> -> memref<32768xf32, #tpu.memory_space<hbm>>
    tpu.wait_dma2 semaphore(%arg7 : memref<!tpu.dma_semaphore, #tpu.memory_space<semaphore_mem>>) src(%dma_wait3A_20 : memref<32768xf32, #tpu.memory_space<hbm>>) dst(%arg4 : memref<32768xf32, #tpu.memory_space<vmem>>)
    %broadcast_in_dim3A = arith.constant -1 : i32
    %broadcast_in_dim3A_21 = vector.broadcast %broadcast_in_dim3A : i32 to vector<16xi32>
    %broadcast_in_dim3A_22 = arith.constant -3.000000e+38 : f32
    %broadcast_in_dim3A_23 = vector.broadcast %broadcast_in_dim3A_22 : f32 to vector<16xf32>
    %broadcast_in_dim3A_24 = arith.constant -3.000000e+38 : f32
    %broadcast_in_dim3A_25 = vector.broadcast %broadcast_in_dim3A_24 : f32 to vector<16xf32>
    %scan3A = arith.constant 0 : i32
    %scan3A_26 = arith.constant 128 : i32
    %scan3A_27 = arith.addi %scan3A, %scan3A_26 : i32
    %scan3A_28 = arith.constant 1 : i32
    %scan3A_29:3 = scf.for %scan3A_152 = %scan3A to %scan3A_27 step %scan3A_28 iter_args(%scan3A_153 = %broadcast_in_dim3A_21, %scan3A_154 = %broadcast_in_dim3A_23, %scan3A_155 = %broadcast_in_dim3A_25) -> (vector<16xi32>, vector<16xf32>, vector<16xf32>)  : i32 {
      %mul3A_156 = arith.constant 16 : i32
      %mul3A_157 = arith.muli %scan3A_152, %mul3A_156 : i32
      %add3A_158 = arith.constant 0 : i32
      %add3A_159 = arith.addi %mul3A_157, %add3A_158 : i32
      %mul3A_160 = arith.constant 16 : i32
      %mul3A_161 = arith.muli %add3A_159, %mul3A_160 : i32
      %get3A = arith.index_cast %mul3A_161 : i32 to index
      %get3A_162 = tpu.vector_load %arg4[%get3A] {strides = array<i32>} : memref<32768xf32, #tpu.memory_space<vmem>>, vector<16xf32>,
      %mul3A_163 = arith.constant 16 : i32
      %mul3A_164 = arith.muli %scan3A_152, %mul3A_163 : i32
      %add3A_165 = arith.constant 1 : i32
      %add3A_166 = arith.addi %mul3A_164, %add3A_165 : i32
      %mul3A_167 = arith.constant 16 : i32
      %mul3A_168 = arith.muli %add3A_166, %mul3A_167 : i32
      %get3A_169 = arith.index_cast %mul3A_168 : i32 to index
      %get3A_170 = tpu.vector_load %arg4[%get3A_169] {strides = array<i32>} : memref<32768xf32, #tpu.memory_space<vmem>>, vector<16xf32>,
      %mul3A_171 = arith.constant 16 : i32
      %mul3A_172 = arith.muli %scan3A_152, %mul3A_171 : i32
      %add3A_173 = arith.constant 2 : i32
      %add3A_174 = arith.addi %mul3A_172, %add3A_173 : i32
      %mul3A_175 = arith.constant 16 : i32
      %mul3A_176 = arith.muli %add3A_174, %mul3A_175 : i32
      %get3A_177 = arith.index_cast %mul3A_176 : i32 to index
      %get3A_178 = tpu.vector_load %arg4[%get3A_177] {strides = array<i32>} : memref<32768xf32, #tpu.memory_space<vmem>>, vector<16xf32>,
      %mul3A_179 = arith.constant 16 : i32
      %mul3A_180 = arith.muli %scan3A_152, %mul3A_179 : i32
      %add3A_181 = arith.constant 3 : i32
      %add3A_182 = arith.addi %mul3A_180, %add3A_181 : i32
      %mul3A_183 = arith.constant 16 : i32
      %mul3A_184 = arith.muli %add3A_182, %mul3A_183 : i32
      %get3A_185 = arith.index_cast %mul3A_184 : i32 to index
      %get3A_186 = tpu.vector_load %arg4[%get3A_185] {strides = array<i32>} : memref<32768xf32, #tpu.memory_space<vmem>>, vector<16xf32>,
      %mul3A_187 = arith.constant 16 : i32
      %mul3A_188 = arith.muli %scan3A_152, %mul3A_187 : i32
      %add3A_189 = arith.constant 4 : i32
      %add3A_190 = arith.addi %mul3A_188, %add3A_189 : i32
      %mul3A_191 = arith.constant 16 : i32
      %mul3A_192 = arith.muli %add3A_190, %mul3A_191 : i32
      %get3A_193 = arith.index_cast %mul3A_192 : i32 to index
      %get3A_194 = tpu.vector_load %arg4[%get3A_193] {strides = array<i32>} : memref<32768xf32, #tpu.memory_space<vmem>>, vector<16xf32>,
      %mul3A_195 = arith.constant 16 : i32
      %mul3A_196 = arith.muli %scan3A_152, %mul3A_195 : i32
      %add3A_197 = arith.constant 5 : i32
      %add3A_198 = arith.addi %mul3A_196, %add3A_197 : i32
      %mul3A_199 = arith.constant 16 : i32
      %mul3A_200 = arith.muli %add3A_198, %mul3A_199 : i32
      %get3A_201 = arith.index_cast %mul3A_200 : i32 to index
      %get3A_202 = tpu.vector_load %arg4[%get3A_201] {strides = array<i32>} : memref<32768xf32, #tpu.memory_space<vmem>>, vector<16xf32>,
      %mul3A_203 = arith.constant 16 : i32
      %mul3A_204 = arith.muli %scan3A_152, %mul3A_203 : i32
      %add3A_205 = arith.constant 6 : i32
      %add3A_206 = arith.addi %mul3A_204, %add3A_205 : i32
      %mul3A_207 = arith.constant 16 : i32
      %mul3A_208 = arith.muli %add3A_206, %mul3A_207 : i32
      %get3A_209 = arith.index_cast %mul3A_208 : i32 to index
      %get3A_210 = tpu.vector_load %arg4[%get3A_209] {strides = array<i32>} : memref<32768xf32, #tpu.memory_space<vmem>>, vector<16xf32>,
      %mul3A_211 = arith.constant 16 : i32
      %mul3A_212 = arith.muli %scan3A_152, %mul3A_211 : i32
      %add3A_213 = arith.constant 7 : i32
      %add3A_214 = arith.addi %mul3A_212, %add3A_213 : i32
      %mul3A_215 = arith.constant 16 : i32
      %mul3A_216 = arith.muli %add3A_214, %mul3A_215 : i32
      %get3A_217 = arith.index_cast %mul3A_216 : i32 to index
      %get3A_218 = tpu.vector_load %arg4[%get3A_217] {strides = array<i32>} : memref<32768xf32, #tpu.memory_space<vmem>>, vector<16xf32>,
      %mul3A_219 = arith.constant 16 : i32
      %mul3A_220 = arith.muli %scan3A_152, %mul3A_219 : i32
      %add3A_221 = arith.constant 8 : i32
      %add3A_222 = arith.addi %mul3A_220, %add3A_221 : i32
      %mul3A_223 = arith.constant 16 : i32
      %mul3A_224 = arith.muli %add3A_222, %mul3A_223 : i32
      %get3A_225 = arith.index_cast %mul3A_224 : i32 to index
      %get3A_226 = tpu.vector_load %arg4[%get3A_225] {strides = array<i32>} : memref<32768xf32, #tpu.memory_space<vmem>>, vector<16xf32>,
      %mul3A_227 = arith.constant 16 : i32
      %mul3A_228 = arith.muli %scan3A_152, %mul3A_227 : i32
      %add3A_229 = arith.constant 9 : i32
      %add3A_230 = arith.addi %mul3A_228, %add3A_229 : i32
      %mul3A_231 = arith.constant 16 : i32
      %mul3A_232 = arith.muli %add3A_230, %mul3A_231 : i32
      %get3A_233 = arith.index_cast %mul3A_232 : i32 to index
      %get3A_234 = tpu.vector_load %arg4[%get3A_233] {strides = array<i32>} : memref<32768xf32, #tpu.memory_space<vmem>>, vector<16xf32>,
      %mul3A_235 = arith.constant 16 : i32
      %mul3A_236 = arith.muli %scan3A_152, %mul3A_235 : i32
      %add3A_237 = arith.constant 10 : i32
      %add3A_238 = arith.addi %mul3A_236, %add3A_237 : i32
      %mul3A_239 = arith.constant 16 : i32
      %mul3A_240 = arith.muli %add3A_238, %mul3A_239 : i32
      %get3A_241 = arith.index_cast %mul3A_240 : i32 to index
      %get3A_242 = tpu.vector_load %arg4[%get3A_241] {strides = array<i32>} : memref<32768xf32, #tpu.memory_space<vmem>>, vector<16xf32>,
      %mul3A_243 = arith.constant 16 : i32
      %mul3A_244 = arith.muli %scan3A_152, %mul3A_243 : i32
      %add3A_245 = arith.constant 11 : i32
      %add3A_246 = arith.addi %mul3A_244, %add3A_245 : i32
      %mul3A_247 = arith.constant 16 : i32
      %mul3A_248 = arith.muli %add3A_246, %mul3A_247 : i32
      %get3A_249 = arith.index_cast %mul3A_248 : i32 to index
      %get3A_250 = tpu.vector_load %arg4[%get3A_249] {strides = array<i32>} : memref<32768xf32, #tpu.memory_space<vmem>>, vector<16xf32>,
      %mul3A_251 = arith.constant 16 : i32
      %mul3A_252 = arith.muli %scan3A_152, %mul3A_251 : i32
      %add3A_253 = arith.constant 12 : i32
      %add3A_254 = arith.addi %mul3A_252, %add3A_253 : i32
      %mul3A_255 = arith.constant 16 : i32
      %mul3A_256 = arith.muli %add3A_254, %mul3A_255 : i32
      %get3A_257 = arith.index_cast %mul3A_256 : i32 to index
      %get3A_258 = tpu.vector_load %arg4[%get3A_257] {strides = array<i32>} : memref<32768xf32, #tpu.memory_space<vmem>>, vector<16xf32>,
      %mul3A_259 = arith.constant 16 : i32
      %mul3A_260 = arith.muli %scan3A_152, %mul3A_259 : i32
      %add3A_261 = arith.constant 13 : i32
      %add3A_262 = arith.addi %mul3A_260, %add3A_261 : i32
      %mul3A_263 = arith.constant 16 : i32
      %mul3A_264 = arith.muli %add3A_262, %mul3A_263 : i32
      %get3A_265 = arith.index_cast %mul3A_264 : i32 to index
      %get3A_266 = tpu.vector_load %arg4[%get3A_265] {strides = array<i32>} : memref<32768xf32, #tpu.memory_space<vmem>>, vector<16xf32>,
      %mul3A_267 = arith.constant 16 : i32
      %mul3A_268 = arith.muli %scan3A_152, %mul3A_267 : i32
      %add3A_269 = arith.constant 14 : i32
      %add3A_270 = arith.addi %mul3A_268, %add3A_269 : i32
      %mul3A_271 = arith.constant 16 : i32
      %mul3A_272 = arith.muli %add3A_270, %mul3A_271 : i32
      %get3A_273 = arith.index_cast %mul3A_272 : i32 to index
      %get3A_274 = tpu.vector_load %arg4[%get3A_273] {strides = array<i32>} : memref<32768xf32, #tpu.memory_space<vmem>>, vector<16xf32>,
      %mul3A_275 = arith.constant 16 : i32
      %mul3A_276 = arith.muli %scan3A_152, %mul3A_275 : i32
      %add3A_277 = arith.constant 15 : i32
      %add3A_278 = arith.addi %mul3A_276, %add3A_277 : i32
      %mul3A_279 = arith.constant 16 : i32
      %mul3A_280 = arith.muli %add3A_278, %mul3A_279 : i32
      %get3A_281 = arith.index_cast %mul3A_280 : i32 to index
      %get3A_282 = tpu.vector_load %arg4[%get3A_281] {strides = array<i32>} : memref<32768xf32, #tpu.memory_space<vmem>>, vector<16xf32>,
      %gt3A = arith.cmpf ogt, %get3A_162, %scan3A_154 : vector<16xf32>
      %gt3A_283 = arith.cmpf ogt, %get3A_170, %scan3A_154 : vector<16xf32>
      %gt3A_284 = arith.cmpf ogt, %get3A_178, %scan3A_154 : vector<16xf32>
      %gt3A_285 = arith.cmpf ogt, %get3A_186, %scan3A_154 : vector<16xf32>
      %gt3A_286 = arith.cmpf ogt, %get3A_194, %scan3A_154 : vector<16xf32>
      %gt3A_287 = arith.cmpf ogt, %get3A_202, %scan3A_154 : vector<16xf32>
      %gt3A_288 = arith.cmpf ogt, %get3A_210, %scan3A_154 : vector<16xf32>
      %gt3A_289 = arith.cmpf ogt, %get3A_218, %scan3A_154 : vector<16xf32>
      %gt3A_290 = arith.cmpf ogt, %get3A_226, %scan3A_154 : vector<16xf32>
      %gt3A_291 = arith.cmpf ogt, %get3A_234, %scan3A_154 : vector<16xf32>
      %gt3A_292 = arith.cmpf ogt, %get3A_242, %scan3A_154 : vector<16xf32>
      %gt3A_293 = arith.cmpf ogt, %get3A_250, %scan3A_154 : vector<16xf32>
      %gt3A_294 = arith.cmpf ogt, %get3A_258, %scan3A_154 : vector<16xf32>
      %gt3A_295 = arith.cmpf ogt, %get3A_266, %scan3A_154 : vector<16xf32>
      %gt3A_296 = arith.cmpf ogt, %get3A_274, %scan3A_154 : vector<16xf32>
      %gt3A_297 = arith.cmpf ogt, %get3A_282, %scan3A_154 : vector<16xf32>
      %jit3A = arith.constant 1 : i32
      %jit3A_298 = arith.constant 0 : i32
      %broadcast_in_dim3A_299 = vector.broadcast %jit3A : i32 to vector<16xi32>
      %broadcast_in_dim3A_300 = vector.broadcast %jit3A_298 : i32 to vector<16xi32>
      %select_n3A = arith.select %gt3A, %broadcast_in_dim3A_299, %broadcast_in_dim3A_300 : vector<16xi1>, vector<16xi32>
      %broadcast_in_dim3A_301 = arith.constant true
      %broadcast_in_dim3A_302 = vector.broadcast %broadcast_in_dim3A_301 : i1 to vector<16xi1>
      %masked_cumsum3A = tpu.scan <sum>, %select_n3A masked %broadcast_in_dim3A_302 : vector<16xi32>, vector<16xi1> -> vector<16xi32>
      %add3A_303 = arith.addi %scan3A_153, %masked_cumsum3A : vector<16xi32>
      tpu.vector_store_idx %arg6[%add3A_303], %get3A_162 masked %gt3A : memref<32832xf32, #tpu.memory_space<vmem>>[vector<16xi32>], vector<16xf32>, vector<16xi1>
      %all_reduce_population_count3A = tpu.all_reduce %gt3A {dim = 0 : i64, kind = #tpu.reduction_kind<sum>} : vector<16xi1> -> vector<16xi32>
      %add3A_304 = arith.addi %scan3A_153, %all_reduce_population_count3A : vector<16xi32>
      %jit3A_305 = arith.constant 1 : i32
      %jit3A_306 = arith.constant 0 : i32
      %broadcast_in_dim3A_307 = vector.broadcast %jit3A_305 : i32 to vector<16xi32>
      %broadcast_in_dim3A_308 = vector.broadcast %jit3A_306 : i32 to vector<16xi32>
      %select_n3A_309 = arith.select %gt3A_283, %broadcast_in_dim3A_307, %broadcast_in_dim3A_308 : vector<16xi1>, vector<16xi32>
      %broadcast_in_dim3A_310 = arith.constant true
      %broadcast_in_dim3A_311 = vector.broadcast %broadcast_in_dim3A_310 : i1 to vector<16xi1>
      %masked_cumsum3A_312 = tpu.scan <sum>, %select_n3A_309 masked %broadcast_in_dim3A_311 : vector<16xi32>, vector<16xi1> -> vector<16xi32>
      %add3A_313 = arith.addi %add3A_304, %masked_cumsum3A_312 : vector<16xi32>
      tpu.vector_store_idx %arg6[%add3A_313], %get3A_170 masked %gt3A_283 : memref<32832xf32, #tpu.memory_space<vmem>>[vector<16xi32>], vector<16xf32>, vector<16xi1>
      %all_reduce_population_count3A_314 = tpu.all_reduce %gt3A_283 {dim = 0 : i64, kind = #tpu.reduction_kind<sum>} : vector<16xi1> -> vector<16xi32>
      %add3A_315 = arith.addi %add3A_304, %all_reduce_population_count3A_314 : vector<16xi32>
      %jit3A_316 = arith.constant 1 : i32
      %jit3A_317 = arith.constant 0 : i32
      %broadcast_in_dim3A_318 = vector.broadcast %jit3A_316 : i32 to vector<16xi32>
      %broadcast_in_dim3A_319 = vector.broadcast %jit3A_317 : i32 to vector<16xi32>
      %select_n3A_320 = arith.select %gt3A_284, %broadcast_in_dim3A_318, %broadcast_in_dim3A_319 : vector<16xi1>, vector<16xi32>
      %broadcast_in_dim3A_321 = arith.constant true
      %broadcast_in_dim3A_322 = vector.broadcast %broadcast_in_dim3A_321 : i1 to vector<16xi1>
      %masked_cumsum3A_323 = tpu.scan <sum>, %select_n3A_320 masked %broadcast_in_dim3A_322 : vector<16xi32>, vector<16xi1> -> vector<16xi32>
      %add3A_324 = arith.addi %add3A_315, %masked_cumsum3A_323 : vector<16xi32>
      tpu.vector_store_idx %arg6[%add3A_324], %get3A_178 masked %gt3A_284 : memref<32832xf32, #tpu.memory_space<vmem>>[vector<16xi32>], vector<16xf32>, vector<16xi1>
      %all_reduce_population_count3A_325 = tpu.all_reduce %gt3A_284 {dim = 0 : i64, kind = #tpu.reduction_kind<sum>} : vector<16xi1> -> vector<16xi32>
      %add3A_326 = arith.addi %add3A_315, %all_reduce_population_count3A_325 : vector<16xi32>
      %jit3A_327 = arith.constant 1 : i32
      %jit3A_328 = arith.constant 0 : i32
      %broadcast_in_dim3A_329 = vector.broadcast %jit3A_327 : i32 to vector<16xi32>
      %broadcast_in_dim3A_330 = vector.broadcast %jit3A_328 : i32 to vector<16xi32>
      %select_n3A_331 = arith.select %gt3A_285, %broadcast_in_dim3A_329, %broadcast_in_dim3A_330 : vector<16xi1>, vector<16xi32>
      %broadcast_in_dim3A_332 = arith.constant true
      %broadcast_in_dim3A_333 = vector.broadcast %broadcast_in_dim3A_332 : i1 to vector<16xi1>
      %masked_cumsum3A_334 = tpu.scan <sum>, %select_n3A_331 masked %broadcast_in_dim3A_333 : vector<16xi32>, vector<16xi1> -> vector<16xi32>
      %add3A_335 = arith.addi %add3A_326, %masked_cumsum3A_334 : vector<16xi32>
      tpu.vector_store_idx %arg6[%add3A_335], %get3A_186 masked %gt3A_285 : memref<32832xf32, #tpu.memory_space<vmem>>[vector<16xi32>], vector<16xf32>, vector<16xi1>
      %all_reduce_population_count3A_336 = tpu.all_reduce %gt3A_285 {dim = 0 : i64, kind = #tpu.reduction_kind<sum>} : vector<16xi1> -> vector<16xi32>
      %add3A_337 = arith.addi %add3A_326, %all_reduce_population_count3A_336 : vector<16xi32>
      %jit3A_338 = arith.constant 1 : i32
      %jit3A_339 = arith.constant 0 : i32
      %broadcast_in_dim3A_340 = vector.broadcast %jit3A_338 : i32 to vector<16xi32>
      %broadcast_in_dim3A_341 = vector.broadcast %jit3A_339 : i32 to vector<16xi32>
      %select_n3A_342 = arith.select %gt3A_286, %broadcast_in_dim3A_340, %broadcast_in_dim3A_341 : vector<16xi1>, vector<16xi32>
      %broadcast_in_dim3A_343 = arith.constant true
      %broadcast_in_dim3A_344 = vector.broadcast %broadcast_in_dim3A_343 : i1 to vector<16xi1>
      %masked_cumsum3A_345 = tpu.scan <sum>, %select_n3A_342 masked %broadcast_in_dim3A_344 : vector<16xi32>, vector<16xi1> -> vector<16xi32>
      %add3A_346 = arith.addi %add3A_337, %masked_cumsum3A_345 : vector<16xi32>
      tpu.vector_store_idx %arg6[%add3A_346], %get3A_194 masked %gt3A_286 : memref<32832xf32, #tpu.memory_space<vmem>>[vector<16xi32>], vector<16xf32>, vector<16xi1>
      %all_reduce_population_count3A_347 = tpu.all_reduce %gt3A_286 {dim = 0 : i64, kind = #tpu.reduction_kind<sum>} : vector<16xi1> -> vector<16xi32>
      %add3A_348 = arith.addi %add3A_337, %all_reduce_population_count3A_347 : vector<16xi32>
      %jit3A_349 = arith.constant 1 : i32
      %jit3A_350 = arith.constant 0 : i32
      %broadcast_in_dim3A_351 = vector.broadcast %jit3A_349 : i32 to vector<16xi32>
      %broadcast_in_dim3A_352 = vector.broadcast %jit3A_350 : i32 to vector<16xi32>
      %select_n3A_353 = arith.select %gt3A_287, %broadcast_in_dim3A_351, %broadcast_in_dim3A_352 : vector<16xi1>, vector<16xi32>
      %broadcast_in_dim3A_354 = arith.constant true
      %broadcast_in_dim3A_355 = vector.broadcast %broadcast_in_dim3A_354 : i1 to vector<16xi1>
      %masked_cumsum3A_356 = tpu.scan <sum>, %select_n3A_353 masked %broadcast_in_dim3A_355 : vector<16xi32>, vector<16xi1> -> vector<16xi32>
      %add3A_357 = arith.addi %add3A_348, %masked_cumsum3A_356 : vector<16xi32>
      tpu.vector_store_idx %arg6[%add3A_357], %get3A_202 masked %gt3A_287 : memref<32832xf32, #tpu.memory_space<vmem>>[vector<16xi32>], vector<16xf32>, vector<16xi1>
      %all_reduce_population_count3A_358 = tpu.all_reduce %gt3A_287 {dim = 0 : i64, kind = #tpu.reduction_kind<sum>} : vector<16xi1> -> vector<16xi32>
      %add3A_359 = arith.addi %add3A_348, %all_reduce_population_count3A_358 : vector<16xi32>
      %jit3A_360 = arith.constant 1 : i32
      %jit3A_361 = arith.constant 0 : i32
      %broadcast_in_dim3A_362 = vector.broadcast %jit3A_360 : i32 to vector<16xi32>
      %broadcast_in_dim3A_363 = vector.broadcast %jit3A_361 : i32 to vector<16xi32>
      %select_n3A_364 = arith.select %gt3A_288, %broadcast_in_dim3A_362, %broadcast_in_dim3A_363 : vector<16xi1>, vector<16xi32>
      %broadcast_in_dim3A_365 = arith.constant true
      %broadcast_in_dim3A_366 = vector.broadcast %broadcast_in_dim3A_365 : i1 to vector<16xi1>
      %masked_cumsum3A_367 = tpu.scan <sum>, %select_n3A_364 masked %broadcast_in_dim3A_366 : vector<16xi32>, vector<16xi1> -> vector<16xi32>
      %add3A_368 = arith.addi %add3A_359, %masked_cumsum3A_367 : vector<16xi32>
      tpu.vector_store_idx %arg6[%add3A_368], %get3A_210 masked %gt3A_288 : memref<32832xf32, #tpu.memory_space<vmem>>[vector<16xi32>], vector<16xf32>, vector<16xi1>
      %all_reduce_population_count3A_369 = tpu.all_reduce %gt3A_288 {dim = 0 : i64, kind = #tpu.reduction_kind<sum>} : vector<16xi1> -> vector<16xi32>
      %add3A_370 = arith.addi %add3A_359, %all_reduce_population_count3A_369 : vector<16xi32>
      %jit3A_371 = arith.constant 1 : i32
      %jit3A_372 = arith.constant 0 : i32
      %broadcast_in_dim3A_373 = vector.broadcast %jit3A_371 : i32 to vector<16xi32>
      %broadcast_in_dim3A_374 = vector.broadcast %jit3A_372 : i32 to vector<16xi32>
      %select_n3A_375 = arith.select %gt3A_289, %broadcast_in_dim3A_373, %broadcast_in_dim3A_374 : vector<16xi1>, vector<16xi32>
      %broadcast_in_dim3A_376 = arith.constant true
      %broadcast_in_dim3A_377 = vector.broadcast %broadcast_in_dim3A_376 : i1 to vector<16xi1>
      %masked_cumsum3A_378 = tpu.scan <sum>, %select_n3A_375 masked %broadcast_in_dim3A_377 : vector<16xi32>, vector<16xi1> -> vector<16xi32>
      %add3A_379 = arith.addi %add3A_370, %masked_cumsum3A_378 : vector<16xi32>
      tpu.vector_store_idx %arg6[%add3A_379], %get3A_218 masked %gt3A_289 : memref<32832xf32, #tpu.memory_space<vmem>>[vector<16xi32>], vector<16xf32>, vector<16xi1>
      %all_reduce_population_count3A_380 = tpu.all_reduce %gt3A_289 {dim = 0 : i64, kind = #tpu.reduction_kind<sum>} : vector<16xi1> -> vector<16xi32>
      %add3A_381 = arith.addi %add3A_370, %all_reduce_population_count3A_380 : vector<16xi32>
      %jit3A_382 = arith.constant 1 : i32
      %jit3A_383 = arith.constant 0 : i32
      %broadcast_in_dim3A_384 = vector.broadcast %jit3A_382 : i32 to vector<16xi32>
      %broadcast_in_dim3A_385 = vector.broadcast %jit3A_383 : i32 to vector<16xi32>
      %select_n3A_386 = arith.select %gt3A_290, %broadcast_in_dim3A_384, %broadcast_in_dim3A_385 : vector<16xi1>, vector<16xi32>
      %broadcast_in_dim3A_387 = arith.constant true
      %broadcast_in_dim3A_388 = vector.broadcast %broadcast_in_dim3A_387 : i1 to vector<16xi1>
      %masked_cumsum3A_389 = tpu.scan <sum>, %select_n3A_386 masked %broadcast_in_dim3A_388 : vector<16xi32>, vector<16xi1> -> vector<16xi32>
      %add3A_390 = arith.addi %add3A_381, %masked_cumsum3A_389 : vector<16xi32>
      tpu.vector_store_idx %arg6[%add3A_390], %get3A_226 masked %gt3A_290 : memref<32832xf32, #tpu.memory_space<vmem>>[vector<16xi32>], vector<16xf32>, vector<16xi1>
      %all_reduce_population_count3A_391 = tpu.all_reduce %gt3A_290 {dim = 0 : i64, kind = #tpu.reduction_kind<sum>} : vector<16xi1> -> vector<16xi32>
      %add3A_392 = arith.addi %add3A_381, %all_reduce_population_count3A_391 : vector<16xi32>
      %jit3A_393 = arith.constant 1 : i32
      %jit3A_394 = arith.constant 0 : i32
      %broadcast_in_dim3A_395 = vector.broadcast %jit3A_393 : i32 to vector<16xi32>
      %broadcast_in_dim3A_396 = vector.broadcast %jit3A_394 : i32 to vector<16xi32>
      %select_n3A_397 = arith.select %gt3A_291, %broadcast_in_dim3A_395, %broadcast_in_dim3A_396 : vector<16xi1>, vector<16xi32>
      %broadcast_in_dim3A_398 = arith.constant true
      %broadcast_in_dim3A_399 = vector.broadcast %broadcast_in_dim3A_398 : i1 to vector<16xi1>
      %masked_cumsum3A_400 = tpu.scan <sum>, %select_n3A_397 masked %broadcast_in_dim3A_399 : vector<16xi32>, vector<16xi1> -> vector<16xi32>
      %add3A_401 = arith.addi %add3A_392, %masked_cumsum3A_400 : vector<16xi32>
      tpu.vector_store_idx %arg6[%add3A_401], %get3A_234 masked %gt3A_291 : memref<32832xf32, #tpu.memory_space<vmem>>[vector<16xi32>], vector<16xf32>, vector<16xi1>
      %all_reduce_population_count3A_402 = tpu.all_reduce %gt3A_291 {dim = 0 : i64, kind = #tpu.reduction_kind<sum>} : vector<16xi1> -> vector<16xi32>
      %add3A_403 = arith.addi %add3A_392, %all_reduce_population_count3A_402 : vector<16xi32>
      %jit3A_404 = arith.constant 1 : i32
      %jit3A_405 = arith.constant 0 : i32
      %broadcast_in_dim3A_406 = vector.broadcast %jit3A_404 : i32 to vector<16xi32>
      %broadcast_in_dim3A_407 = vector.broadcast %jit3A_405 : i32 to vector<16xi32>
      %select_n3A_408 = arith.select %gt3A_292, %broadcast_in_dim3A_406, %broadcast_in_dim3A_407 : vector<16xi1>, vector<16xi32>
      %broadcast_in_dim3A_409 = arith.constant true
      %broadcast_in_dim3A_410 = vector.broadcast %broadcast_in_dim3A_409 : i1 to vector<16xi1>
      %masked_cumsum3A_411 = tpu.scan <sum>, %select_n3A_408 masked %broadcast_in_dim3A_410 : vector<16xi32>, vector<16xi1> -> vector<16xi32>
      %add3A_412 = arith.addi %add3A_403, %masked_cumsum3A_411 : vector<16xi32>
      tpu.vector_store_idx %arg6[%add3A_412], %get3A_242 masked %gt3A_292 : memref<32832xf32, #tpu.memory_space<vmem>>[vector<16xi32>], vector<16xf32>, vector<16xi1>
      %all_reduce_population_count3A_413 = tpu.all_reduce %gt3A_292 {dim = 0 : i64, kind = #tpu.reduction_kind<sum>} : vector<16xi1> -> vector<16xi32>
      %add3A_414 = arith.addi %add3A_403, %all_reduce_population_count3A_413 : vector<16xi32>
      %jit3A_415 = arith.constant 1 : i32
      %jit3A_416 = arith.constant 0 : i32
      %broadcast_in_dim3A_417 = vector.broadcast %jit3A_415 : i32 to vector<16xi32>
      %broadcast_in_dim3A_418 = vector.broadcast %jit3A_416 : i32 to vector<16xi32>
      %select_n3A_419 = arith.select %gt3A_293, %broadcast_in_dim3A_417, %broadcast_in_dim3A_418 : vector<16xi1>, vector<16xi32>
      %broadcast_in_dim3A_420 = arith.constant true
      %broadcast_in_dim3A_421 = vector.broadcast %broadcast_in_dim3A_420 : i1 to vector<16xi1>
      %masked_cumsum3A_422 = tpu.scan <sum>, %select_n3A_419 masked %broadcast_in_dim3A_421 : vector<16xi32>, vector<16xi1> -> vector<16xi32>
      %add3A_423 = arith.addi %add3A_414, %masked_cumsum3A_422 : vector<16xi32>
      tpu.vector_store_idx %arg6[%add3A_423], %get3A_250 masked %gt3A_293 : memref<32832xf32, #tpu.memory_space<vmem>>[vector<16xi32>], vector<16xf32>, vector<16xi1>
      %all_reduce_population_count3A_424 = tpu.all_reduce %gt3A_293 {dim = 0 : i64, kind = #tpu.reduction_kind<sum>} : vector<16xi1> -> vector<16xi32>
      %add3A_425 = arith.addi %add3A_414, %all_reduce_population_count3A_424 : vector<16xi32>
      %jit3A_426 = arith.constant 1 : i32
      %jit3A_427 = arith.constant 0 : i32
      %broadcast_in_dim3A_428 = vector.broadcast %jit3A_426 : i32 to vector<16xi32>
      %broadcast_in_dim3A_429 = vector.broadcast %jit3A_427 : i32 to vector<16xi32>
      %select_n3A_430 = arith.select %gt3A_294, %broadcast_in_dim3A_428, %broadcast_in_dim3A_429 : vector<16xi1>, vector<16xi32>
      %broadcast_in_dim3A_431 = arith.constant true
      %broadcast_in_dim3A_432 = vector.broadcast %broadcast_in_dim3A_431 : i1 to vector<16xi1>
      %masked_cumsum3A_433 = tpu.scan <sum>, %select_n3A_430 masked %broadcast_in_dim3A_432 : vector<16xi32>, vector<16xi1> -> vector<16xi32>
      %add3A_434 = arith.addi %add3A_425, %masked_cumsum3A_433 : vector<16xi32>
      tpu.vector_store_idx %arg6[%add3A_434], %get3A_258 masked %gt3A_294 : memref<32832xf32, #tpu.memory_space<vmem>>[vector<16xi32>], vector<16xf32>, vector<16xi1>
      %all_reduce_population_count3A_435 = tpu.all_reduce %gt3A_294 {dim = 0 : i64, kind = #tpu.reduction_kind<sum>} : vector<16xi1> -> vector<16xi32>
      %add3A_436 = arith.addi %add3A_425, %all_reduce_population_count3A_435 : vector<16xi32>
      %jit3A_437 = arith.constant 1 : i32
      %jit3A_438 = arith.constant 0 : i32
      %broadcast_in_dim3A_439 = vector.broadcast %jit3A_437 : i32 to vector<16xi32>
      %broadcast_in_dim3A_440 = vector.broadcast %jit3A_438 : i32 to vector<16xi32>
      %select_n3A_441 = arith.select %gt3A_295, %broadcast_in_dim3A_439, %broadcast_in_dim3A_440 : vector<16xi1>, vector<16xi32>
      %broadcast_in_dim3A_442 = arith.constant true
      %broadcast_in_dim3A_443 = vector.broadcast %broadcast_in_dim3A_442 : i1 to vector<16xi1>
      %masked_cumsum3A_444 = tpu.scan <sum>, %select_n3A_441 masked %broadcast_in_dim3A_443 : vector<16xi32>, vector<16xi1> -> vector<16xi32>
      %add3A_445 = arith.addi %add3A_436, %masked_cumsum3A_444 : vector<16xi32>
      tpu.vector_store_idx %arg6[%add3A_445], %get3A_266 masked %gt3A_295 : memref<32832xf32, #tpu.memory_space<vmem>>[vector<16xi32>], vector<16xf32>, vector<16xi1>
      %all_reduce_population_count3A_446 = tpu.all_reduce %gt3A_295 {dim = 0 : i64, kind = #tpu.reduction_kind<sum>} : vector<16xi1> -> vector<16xi32>
      %add3A_447 = arith.addi %add3A_436, %all_reduce_population_count3A_446 : vector<16xi32>
      %jit3A_448 = arith.constant 1 : i32
      %jit3A_449 = arith.constant 0 : i32
      %broadcast_in_dim3A_450 = vector.broadcast %jit3A_448 : i32 to vector<16xi32>
      %broadcast_in_dim3A_451 = vector.broadcast %jit3A_449 : i32 to vector<16xi32>
      %select_n3A_452 = arith.select %gt3A_296, %broadcast_in_dim3A_450, %broadcast_in_dim3A_451 : vector<16xi1>, vector<16xi32>
      %broadcast_in_dim3A_453 = arith.constant true
      %broadcast_in_dim3A_454 = vector.broadcast %broadcast_in_dim3A_453 : i1 to vector<16xi1>
      %masked_cumsum3A_455 = tpu.scan <sum>, %select_n3A_452 masked %broadcast_in_dim3A_454 : vector<16xi32>, vector<16xi1> -> vector<16xi32>
      %add3A_456 = arith.addi %add3A_447, %masked_cumsum3A_455 : vector<16xi32>
      tpu.vector_store_idx %arg6[%add3A_456], %get3A_274 masked %gt3A_296 : memref<32832xf32, #tpu.memory_space<vmem>>[vector<16xi32>], vector<16xf32>, vector<16xi1>
      %all_reduce_population_count3A_457 = tpu.all_reduce %gt3A_296 {dim = 0 : i64, kind = #tpu.reduction_kind<sum>} : vector<16xi1> -> vector<16xi32>
      %add3A_458 = arith.addi %add3A_447, %all_reduce_population_count3A_457 : vector<16xi32>
      %jit3A_459 = arith.constant 1 : i32
      %jit3A_460 = arith.constant 0 : i32
      %broadcast_in_dim3A_461 = vector.broadcast %jit3A_459 : i32 to vector<16xi32>
      %broadcast_in_dim3A_462 = vector.broadcast %jit3A_460 : i32 to vector<16xi32>
      %select_n3A_463 = arith.select %gt3A_297, %broadcast_in_dim3A_461, %broadcast_in_dim3A_462 : vector<16xi1>, vector<16xi32>
      %broadcast_in_dim3A_464 = arith.constant true
      %broadcast_in_dim3A_465 = vector.broadcast %broadcast_in_dim3A_464 : i1 to vector<16xi1>
      %masked_cumsum3A_466 = tpu.scan <sum>, %select_n3A_463 masked %broadcast_in_dim3A_465 : vector<16xi32>, vector<16xi1> -> vector<16xi32>
      %add3A_467 = arith.addi %add3A_458, %masked_cumsum3A_466 : vector<16xi32>
      tpu.vector_store_idx %arg6[%add3A_467], %get3A_282 masked %gt3A_297 : memref<32832xf32, #tpu.memory_space<vmem>>[vector<16xi32>], vector<16xf32>, vector<16xi1>
      %all_reduce_population_count3A_468 = tpu.all_reduce %gt3A_297 {dim = 0 : i64, kind = #tpu.reduction_kind<sum>} : vector<16xi1> -> vector<16xi32>
      %add3A_469 = arith.addi %add3A_458, %all_reduce_population_count3A_468 : vector<16xi32>
      %max3A = arith.maximumf %get3A_162, %get3A_170 : vector<16xf32>
      %max3A_470 = arith.maximumf %get3A_178, %get3A_186 : vector<16xf32>
      %max3A_471 = arith.maximumf %get3A_194, %get3A_202 : vector<16xf32>
      %max3A_472 = arith.maximumf %get3A_210, %get3A_218 : vector<16xf32>
      %max3A_473 = arith.maximumf %get3A_226, %get3A_234 : vector<16xf32>
      %max3A_474 = arith.maximumf %get3A_242, %get3A_250 : vector<16xf32>
      %max3A_475 = arith.maximumf %get3A_258, %get3A_266 : vector<16xf32>
      %max3A_476 = arith.maximumf %get3A_274, %get3A_282 : vector<16xf32>
      %max3A_477 = arith.maximumf %max3A, %max3A_470 : vector<16xf32>
      %max3A_478 = arith.maximumf %max3A_471, %max3A_472 : vector<16xf32>
      %max3A_479 = arith.maximumf %max3A_473, %max3A_474 : vector<16xf32>
      %max3A_480 = arith.maximumf %max3A_475, %max3A_476 : vector<16xf32>
      %max3A_481 = arith.maximumf %max3A_477, %max3A_478 : vector<16xf32>
      %max3A_482 = arith.maximumf %max3A_479, %max3A_480 : vector<16xf32>
      %max3A_483 = arith.maximumf %max3A_481, %max3A_482 : vector<16xf32>
      %max3A_484 = arith.maximumf %scan3A_155, %max3A_483 : vector<16xf32>
      %sub3A_485 = arith.constant 1.000000e+00 : f32
      %sub3A_486 = vector.broadcast %sub3A_485 : f32 to vector<16xf32>
      %sub3A_487 = arith.subf %max3A_483, %sub3A_486 : vector<16xf32>
      %max3A_488 = arith.maximumf %scan3A_154, %sub3A_487 : vector<16xf32>
      scf.yield %add3A_469, %max3A_488, %max3A_484 : vector<16xi32>, vector<16xf32>, vector<16xf32>
    }
    %scan3A_30 = arith.constant 128 : i32
    %slice3A = vector.extract_strided_slice %scan3A_29#0 {offsets = [0], sizes = [1], strides = [1]} : vector<16xi32> to vector<1xi32>
    %squeeze3A = vector.extract %slice3A[0] : i32 from vector<1xi32>
    %add3A_31 = arith.constant 1 : i32
    %add3A_32 = arith.addi %squeeze3A, %add3A_31 : i32
    %broadcast_in_dim3A_33 = arith.constant -3.000000e+38 : f32
    %broadcast_in_dim3A_34 = vector.broadcast %broadcast_in_dim3A_33 : f32 to vector<16xf32>
    %add3A_35 = arith.constant 0 : i32
    %add3A_36 = arith.addi %add3A_32, %add3A_35 : i32
    %swap3A = arith.index_cast %add3A_36 : i32 to index
    %swap3A_37 = tpu.vector_load %arg6[%swap3A] {strides = array<i32>} : memref<32832xf32, #tpu.memory_space<vmem>>, vector<16xf32>,
    tpu.vector_store %arg6[%swap3A], %broadcast_in_dim3A_34 {strides = array<i32>} : memref<32832xf32, #tpu.memory_space<vmem>>, vector<16xf32>,
    %add3A_38 = arith.constant 16 : i32
    %add3A_39 = arith.addi %add3A_32, %add3A_38 : i32
    %swap3A_40 = arith.index_cast %add3A_39 : i32 to index
    %swap3A_41 = tpu.vector_load %arg6[%swap3A_40] {strides = array<i32>} : memref<32832xf32, #tpu.memory_space<vmem>>, vector<16xf32>,
    tpu.vector_store %arg6[%swap3A_40], %broadcast_in_dim3A_34 {strides = array<i32>} : memref<32832xf32, #tpu.memory_space<vmem>>, vector<16xf32>,
    %add3A_42 = arith.constant 32 : i32
    %add3A_43 = arith.addi %add3A_32, %add3A_42 : i32
    %swap3A_44 = arith.index_cast %add3A_43 : i32 to index
    %swap3A_45 = tpu.vector_load %arg6[%swap3A_44] {strides = array<i32>} : memref<32832xf32, #tpu.memory_space<vmem>>, vector<16xf32>,
    tpu.vector_store %arg6[%swap3A_44], %broadcast_in_dim3A_34 {strides = array<i32>} : memref<32832xf32, #tpu.memory_space<vmem>>, vector<16xf32>,
    %add3A_46 = arith.constant 48 : i32
    %add3A_47 = arith.addi %add3A_32, %add3A_46 : i32
    %swap3A_48 = arith.index_cast %add3A_47 : i32 to index
    %swap3A_49 = tpu.vector_load %arg6[%swap3A_48] {strides = array<i32>} : memref<32832xf32, #tpu.memory_space<vmem>>, vector<16xf32>,
    tpu.vector_store %arg6[%swap3A_48], %broadcast_in_dim3A_34 {strides = array<i32>} : memref<32832xf32, #tpu.memory_space<vmem>>, vector<16xf32>,
    %add3A_50 = arith.constant 63 : i32
    %add3A_51 = arith.addi %add3A_32, %add3A_50 : i32
    %shift_right_arithmetic3A = arith.constant 6 : i32
    %shift_right_arithmetic3A_52 = arith.shrsi %add3A_51, %shift_right_arithmetic3A : i32
    %reduce_max3A = arith.constant true
    %reduce_max3A_53 = vector.broadcast %reduce_max3A : i1 to vector<16xi1>
    %reduce_max3A_54 = tpu.scan <max>, %scan3A_29#2 masked %reduce_max3A_53 : vector<16xf32>, vector<16xi1> -> vector<16xf32>
    %reduce_max3A_55 = vector.extract %reduce_max3A_54[15] : f32 from vector<16xf32>
    %broadcast_in_dim3A_56 = vector.broadcast %reduce_max3A_55 : f32 to vector<16xf32>
    %sub3A = arith.constant 1.000000e+00 : f32
    %sub3A_57 = vector.broadcast %sub3A : f32 to vector<16xf32>
    %sub3A_58 = arith.subf %broadcast_in_dim3A_56, %sub3A_57 : vector<16xf32>
    %broadcast_in_dim3A_59 = arith.constant -3.000000e+38 : f32
    %broadcast_in_dim3A_60 = vector.broadcast %broadcast_in_dim3A_59 : f32 to vector<16xf32>
    %while3A:2 = scf.while (%while3A_152 = %sub3A_58, %while3A_153 = %broadcast_in_dim3A_60) : (vector<16xf32>, vector<16xf32>) -> (vector<16xf32>, vector<16xf32>) {
      %gt3A = arith.cmpf ogt, %while3A_152, %while3A_153 : vector<16xf32>
      %reduce_and3A = arith.constant 1.000000e+00 : f32
      %reduce_and3A_154 = arith.constant 0.000000e+00 : f32
      %reduce_and3A_155 = vector.broadcast %reduce_and3A : f32 to vector<16xf32>
      %reduce_and3A_156 = vector.broadcast %reduce_and3A_154 : f32 to vector<16xf32>
      %reduce_and3A_157 = arith.select %gt3A, %reduce_and3A_155, %reduce_and3A_156 : vector<16xi1>, vector<16xf32>
      %reduce_and3A_158 = arith.constant true
      %reduce_and3A_159 = vector.broadcast %reduce_and3A_158 : i1 to vector<16xi1>
      %reduce_and3A_160 = tpu.scan <min>, %reduce_and3A_157 masked %reduce_and3A_159 : vector<16xf32>, vector<16xi1> -> vector<16xf32>
      %reduce_and3A_161 = vector.extract %reduce_and3A_160[15] : f32 from vector<16xf32>
      %reduce_and3A_162 = arith.constant 0.000000e+00 : f32
      %reduce_and3A_163 = arith.cmpf ogt, %reduce_and3A_161, %reduce_and3A_162 : f32
      scf.condition(%reduce_and3A_163) %while3A_152, %while3A_153 : vector<16xf32>, vector<16xf32>
    } do {
    ^bb0(%while3A_152: vector<16xf32>, %while3A_153: vector<16xf32>):
      %broadcast_in_dim3A_154 = arith.constant 0.000000e+00 : f32
      %broadcast_in_dim3A_155 = vector.broadcast %broadcast_in_dim3A_154 : f32 to vector<16xf32>
      %broadcast_in_dim3A_156 = arith.constant 0 : i32
      %broadcast_in_dim3A_157 = vector.broadcast %broadcast_in_dim3A_156 : i32 to vector<16xi32>
      %while3A_158 = arith.constant 0 : i32
      %while3A_159 = arith.subi %shift_right_arithmetic3A_52, %while3A_158 : i32
      %while3A_160 = arith.addi %while3A_158, %while3A_159 : i32
      %while3A_161 = arith.constant 1 : i32
      %while3A_162 = arith.divsi %while3A_159, %while3A_161 : i32
      %while3A_163 = arith.muli %while3A_162, %while3A_161 : i32
      %while3A_164 = arith.addi %while3A_158, %while3A_163 : i32
      %while3A_165 = arith.constant 1 : i32
      %while3A_166:2 = scf.for %while3A_177 = %while3A_158 to %while3A_164 step %while3A_165 iter_args(%while3A_178 = %broadcast_in_dim3A_155, %while3A_179 = %broadcast_in_dim3A_157) -> (vector<16xf32>, vector<16xi32>)  : i32 {
        %mul3A_180 = arith.constant 4 : i32
        %mul3A_181 = arith.muli %while3A_177, %mul3A_180 : i32
        %add3A_182 = arith.constant 0 : i32
        %add3A_183 = arith.addi %mul3A_181, %add3A_182 : i32
        %mul3A_184 = arith.constant 16 : i32
        %mul3A_185 = arith.muli %add3A_183, %mul3A_184 : i32
        %get3A = arith.index_cast %mul3A_185 : i32 to index
        %get3A_186 = tpu.vector_load %arg6[%get3A] {strides = array<i32>} : memref<32832xf32, #tpu.memory_space<vmem>>, vector<16xf32>,
        %sub3A_187 = arith.subf %get3A_186, %while3A_152 : vector<16xf32>
        %max3A = arith.constant 0.000000e+00 : f32
        %max3A_188 = vector.broadcast %max3A : f32 to vector<16xf32>
        %max3A_189 = arith.maximumf %sub3A_187, %max3A_188 : vector<16xf32>
        %add3A_190 = arith.addf %while3A_178, %max3A_189 : vector<16xf32>
        %gt3A_191 = arith.constant 0.000000e+00 : f32
        %gt3A_192 = vector.broadcast %gt3A_191 : f32 to vector<16xf32>
        %gt3A_193 = arith.cmpf ogt, %sub3A_187, %gt3A_192 : vector<16xf32>
        %all_reduce_population_count3A = tpu.all_reduce %gt3A_193 {dim = 0 : i64, kind = #tpu.reduction_kind<sum>} : vector<16xi1> -> vector<16xi32>
        %add3A_194 = arith.addi %while3A_179, %all_reduce_population_count3A : vector<16xi32>
        %mul3A_195 = arith.constant 4 : i32
        %mul3A_196 = arith.muli %while3A_177, %mul3A_195 : i32
        %add3A_197 = arith.constant 1 : i32
        %add3A_198 = arith.addi %mul3A_196, %add3A_197 : i32
        %mul3A_199 = arith.constant 16 : i32
        %mul3A_200 = arith.muli %add3A_198, %mul3A_199 : i32
        %get3A_201 = arith.index_cast %mul3A_200 : i32 to index
        %get3A_202 = tpu.vector_load %arg6[%get3A_201] {strides = array<i32>} : memref<32832xf32, #tpu.memory_space<vmem>>, vector<16xf32>,
        %sub3A_203 = arith.subf %get3A_202, %while3A_152 : vector<16xf32>
        %max3A_204 = arith.constant 0.000000e+00 : f32
        %max3A_205 = vector.broadcast %max3A_204 : f32 to vector<16xf32>
        %max3A_206 = arith.maximumf %sub3A_203, %max3A_205 : vector<16xf32>
        %add3A_207 = arith.addf %add3A_190, %max3A_206 : vector<16xf32>
        %gt3A_208 = arith.constant 0.000000e+00 : f32
        %gt3A_209 = vector.broadcast %gt3A_208 : f32 to vector<16xf32>
        %gt3A_210 = arith.cmpf ogt, %sub3A_203, %gt3A_209 : vector<16xf32>
        %all_reduce_population_count3A_211 = tpu.all_reduce %gt3A_210 {dim = 0 : i64, kind = #tpu.reduction_kind<sum>} : vector<16xi1> -> vector<16xi32>
        %add3A_212 = arith.addi %add3A_194, %all_reduce_population_count3A_211 : vector<16xi32>
        %mul3A_213 = arith.constant 4 : i32
        %mul3A_214 = arith.muli %while3A_177, %mul3A_213 : i32
        %add3A_215 = arith.constant 2 : i32
        %add3A_216 = arith.addi %mul3A_214, %add3A_215 : i32
        %mul3A_217 = arith.constant 16 : i32
        %mul3A_218 = arith.muli %add3A_216, %mul3A_217 : i32
        %get3A_219 = arith.index_cast %mul3A_218 : i32 to index
        %get3A_220 = tpu.vector_load %arg6[%get3A_219] {strides = array<i32>} : memref<32832xf32, #tpu.memory_space<vmem>>, vector<16xf32>,
        %sub3A_221 = arith.subf %get3A_220, %while3A_152 : vector<16xf32>
        %max3A_222 = arith.constant 0.000000e+00 : f32
        %max3A_223 = vector.broadcast %max3A_222 : f32 to vector<16xf32>
        %max3A_224 = arith.maximumf %sub3A_221, %max3A_223 : vector<16xf32>
        %add3A_225 = arith.addf %add3A_207, %max3A_224 : vector<16xf32>
        %gt3A_226 = arith.constant 0.000000e+00 : f32
        %gt3A_227 = vector.broadcast %gt3A_226 : f32 to vector<16xf32>
        %gt3A_228 = arith.cmpf ogt, %sub3A_221, %gt3A_227 : vector<16xf32>
        %all_reduce_population_count3A_229 = tpu.all_reduce %gt3A_228 {dim = 0 : i64, kind = #tpu.reduction_kind<sum>} : vector<16xi1> -> vector<16xi32>
        %add3A_230 = arith.addi %add3A_212, %all_reduce_population_count3A_229 : vector<16xi32>
        %mul3A_231 = arith.constant 4 : i32
        %mul3A_232 = arith.muli %while3A_177, %mul3A_231 : i32
        %add3A_233 = arith.constant 3 : i32
        %add3A_234 = arith.addi %mul3A_232, %add3A_233 : i32
        %mul3A_235 = arith.constant 16 : i32
        %mul3A_236 = arith.muli %add3A_234, %mul3A_235 : i32
        %get3A_237 = arith.index_cast %mul3A_236 : i32 to index
        %get3A_238 = tpu.vector_load %arg6[%get3A_237] {strides = array<i32>} : memref<32832xf32, #tpu.memory_space<vmem>>, vector<16xf32>,
        %sub3A_239 = arith.subf %get3A_238, %while3A_152 : vector<16xf32>
        %max3A_240 = arith.constant 0.000000e+00 : f32
        %max3A_241 = vector.broadcast %max3A_240 : f32 to vector<16xf32>
        %max3A_242 = arith.maximumf %sub3A_239, %max3A_241 : vector<16xf32>
        %add3A_243 = arith.addf %add3A_225, %max3A_242 : vector<16xf32>
        %gt3A_244 = arith.constant 0.000000e+00 : f32
        %gt3A_245 = vector.broadcast %gt3A_244 : f32 to vector<16xf32>
        %gt3A_246 = arith.cmpf ogt, %sub3A_239, %gt3A_245 : vector<16xf32>
        %all_reduce_population_count3A_247 = tpu.all_reduce %gt3A_246 {dim = 0 : i64, kind = #tpu.reduction_kind<sum>} : vector<16xi1> -> vector<16xi32>
        %add3A_248 = arith.addi %add3A_230, %all_reduce_population_count3A_247 : vector<16xi32>
        scf.yield %add3A_243, %add3A_248 : vector<16xf32>, vector<16xi32>
      }
      %while3A_167 = arith.constant 1 : i32
      %while3A_168:2 = scf.for %while3A_177 = %while3A_164 to %while3A_160 step %while3A_167 iter_args(%while3A_178 = %while3A_166#0, %while3A_179 = %while3A_166#1) -> (vector<16xf32>, vector<16xi32>)  : i32 {
        %mul3A_180 = arith.constant 4 : i32
        %mul3A_181 = arith.muli %while3A_177, %mul3A_180 : i32
        %add3A_182 = arith.constant 0 : i32
        %add3A_183 = arith.addi %mul3A_181, %add3A_182 : i32
        %mul3A_184 = arith.constant 16 : i32
        %mul3A_185 = arith.muli %add3A_183, %mul3A_184 : i32
        %get3A = arith.index_cast %mul3A_185 : i32 to index
        %get3A_186 = tpu.vector_load %arg6[%get3A] {strides = array<i32>} : memref<32832xf32, #tpu.memory_space<vmem>>, vector<16xf32>,
        %sub3A_187 = arith.subf %get3A_186, %while3A_152 : vector<16xf32>
        %max3A = arith.constant 0.000000e+00 : f32
        %max3A_188 = vector.broadcast %max3A : f32 to vector<16xf32>
        %max3A_189 = arith.maximumf %sub3A_187, %max3A_188 : vector<16xf32>
        %add3A_190 = arith.addf %while3A_178, %max3A_189 : vector<16xf32>
        %gt3A_191 = arith.constant 0.000000e+00 : f32
        %gt3A_192 = vector.broadcast %gt3A_191 : f32 to vector<16xf32>
        %gt3A_193 = arith.cmpf ogt, %sub3A_187, %gt3A_192 : vector<16xf32>
        %all_reduce_population_count3A = tpu.all_reduce %gt3A_193 {dim = 0 : i64, kind = #tpu.reduction_kind<sum>} : vector<16xi1> -> vector<16xi32>
        %add3A_194 = arith.addi %while3A_179, %all_reduce_population_count3A : vector<16xi32>
        %mul3A_195 = arith.constant 4 : i32
        %mul3A_196 = arith.muli %while3A_177, %mul3A_195 : i32
        %add3A_197 = arith.constant 1 : i32
        %add3A_198 = arith.addi %mul3A_196, %add3A_197 : i32
        %mul3A_199 = arith.constant 16 : i32
        %mul3A_200 = arith.muli %add3A_198, %mul3A_199 : i32
        %get3A_201 = arith.index_cast %mul3A_200 : i32 to index
        %get3A_202 = tpu.vector_load %arg6[%get3A_201] {strides = array<i32>} : memref<32832xf32, #tpu.memory_space<vmem>>, vector<16xf32>,
        %sub3A_203 = arith.subf %get3A_202, %while3A_152 : vector<16xf32>
        %max3A_204 = arith.constant 0.000000e+00 : f32
        %max3A_205 = vector.broadcast %max3A_204 : f32 to vector<16xf32>
        %max3A_206 = arith.maximumf %sub3A_203, %max3A_205 : vector<16xf32>
        %add3A_207 = arith.addf %add3A_190, %max3A_206 : vector<16xf32>
        %gt3A_208 = arith.constant 0.000000e+00 : f32
        %gt3A_209 = vector.broadcast %gt3A_208 : f32 to vector<16xf32>
        %gt3A_210 = arith.cmpf ogt, %sub3A_203, %gt3A_209 : vector<16xf32>
        %all_reduce_population_count3A_211 = tpu.all_reduce %gt3A_210 {dim = 0 : i64, kind = #tpu.reduction_kind<sum>} : vector<16xi1> -> vector<16xi32>
        %add3A_212 = arith.addi %add3A_194, %all_reduce_population_count3A_211 : vector<16xi32>
        %mul3A_213 = arith.constant 4 : i32
        %mul3A_214 = arith.muli %while3A_177, %mul3A_213 : i32
        %add3A_215 = arith.constant 2 : i32
        %add3A_216 = arith.addi %mul3A_214, %add3A_215 : i32
        %mul3A_217 = arith.constant 16 : i32
        %mul3A_218 = arith.muli %add3A_216, %mul3A_217 : i32
        %get3A_219 = arith.index_cast %mul3A_218 : i32 to index
        %get3A_220 = tpu.vector_load %arg6[%get3A_219] {strides = array<i32>} : memref<32832xf32, #tpu.memory_space<vmem>>, vector<16xf32>,
        %sub3A_221 = arith.subf %get3A_220, %while3A_152 : vector<16xf32>
        %max3A_222 = arith.constant 0.000000e+00 : f32
        %max3A_223 = vector.broadcast %max3A_222 : f32 to vector<16xf32>
        %max3A_224 = arith.maximumf %sub3A_221, %max3A_223 : vector<16xf32>
        %add3A_225 = arith.addf %add3A_207, %max3A_224 : vector<16xf32>
        %gt3A_226 = arith.constant 0.000000e+00 : f32
        %gt3A_227 = vector.broadcast %gt3A_226 : f32 to vector<16xf32>
        %gt3A_228 = arith.cmpf ogt, %sub3A_221, %gt3A_227 : vector<16xf32>
        %all_reduce_population_count3A_229 = tpu.all_reduce %gt3A_228 {dim = 0 : i64, kind = #tpu.reduction_kind<sum>} : vector<16xi1> -> vector<16xi32>
        %add3A_230 = arith.addi %add3A_212, %all_reduce_population_count3A_229 : vector<16xi32>
        %mul3A_231 = arith.constant 4 : i32
        %mul3A_232 = arith.muli %while3A_177, %mul3A_231 : i32
        %add3A_233 = arith.constant 3 : i32
        %add3A_234 = arith.addi %mul3A_232, %add3A_233 : i32
        %mul3A_235 = arith.constant 16 : i32
        %mul3A_236 = arith.muli %add3A_234, %mul3A_235 : i32
        %get3A_237 = arith.index_cast %mul3A_236 : i32 to index
        %get3A_238 = tpu.vector_load %arg6[%get3A_237] {strides = array<i32>} : memref<32832xf32, #tpu.memory_space<vmem>>, vector<16xf32>,
        %sub3A_239 = arith.subf %get3A_238, %while3A_152 : vector<16xf32>
        %max3A_240 = arith.constant 0.000000e+00 : f32
        %max3A_241 = vector.broadcast %max3A_240 : f32 to vector<16xf32>
        %max3A_242 = arith.maximumf %sub3A_239, %max3A_241 : vector<16xf32>
        %add3A_243 = arith.addf %add3A_225, %max3A_242 : vector<16xf32>
        %gt3A_244 = arith.constant 0.000000e+00 : f32
        %gt3A_245 = vector.broadcast %gt3A_244 : f32 to vector<16xf32>
        %gt3A_246 = arith.cmpf ogt, %sub3A_239, %gt3A_245 : vector<16xf32>
        %all_reduce_population_count3A_247 = tpu.all_reduce %gt3A_246 {dim = 0 : i64, kind = #tpu.reduction_kind<sum>} : vector<16xi1> -> vector<16xi32>
        %add3A_248 = arith.addi %add3A_230, %all_reduce_population_count3A_247 : vector<16xi32>
        scf.yield %add3A_243, %add3A_248 : vector<16xf32>, vector<16xi32>
      }
      %reduce_sum3A = arith.constant true
      %reduce_sum3A_169 = vector.broadcast %reduce_sum3A : i1 to vector<16xi1>
      %reduce_sum3A_170 = tpu.scan <sum>, %while3A_168#0 masked %reduce_sum3A_169 : vector<16xf32>, vector<16xi1> -> vector<16xf32>
      %reduce_sum3A_171 = vector.extract %reduce_sum3A_170[15] : f32 from vector<16xf32>
      %broadcast_in_dim3A_172 = vector.broadcast %reduce_sum3A_171 : f32 to vector<16xf32>
      %convert_element_type3A = arith.sitofp %while3A_168#1 : vector<16xi32> to vector<16xf32>
      %sub3A_173 = arith.constant 1.000000e+00 : f32
      %sub3A_174 = vector.broadcast %sub3A_173 : f32 to vector<16xf32>
      %sub3A_175 = arith.subf %broadcast_in_dim3A_172, %sub3A_174 : vector<16xf32>
      %div3A = arith.divf %sub3A_175, %convert_element_type3A : vector<16xf32>
      %add3A_176 = arith.addf %while3A_152, %div3A : vector<16xf32>
      %gt3A = arith.cmpf ogt, %add3A_176, %while3A_152 : vector<16xf32>
      %select_n3A = arith.select %gt3A, %add3A_176, %while3A_152 : vector<16xi1>, vector<16xf32>
      scf.yield %select_n3A, %while3A_152 : vector<16xf32>, vector<16xf32>
    }
    %scan3A_61 = arith.constant 0 : i32
    %scan3A_62 = arith.constant 0 : i32
    %scan3A_63 = arith.constant 128 : i32
    %scan3A_64 = arith.addi %scan3A_62, %scan3A_63 : i32
    %scan3A_65 = arith.constant 1 : i32
    scf.for %scan3A_152 = %scan3A_62 to %scan3A_64 step %scan3A_65  : i32 {
      %mul3A_153 = arith.constant 16 : i32
      %mul3A_154 = arith.muli %scan3A_152, %mul3A_153 : i32
      %add3A_155 = arith.constant 0 : i32
      %add3A_156 = arith.addi %mul3A_154, %add3A_155 : i32
      %mul3A_157 = arith.constant 16 : i32
      %mul3A_158 = arith.muli %add3A_156, %mul3A_157 : i32
      %get3A = arith.index_cast %mul3A_158 : i32 to index
      %get3A_159 = tpu.vector_load %arg4[%get3A] {strides = array<i32>} : memref<32768xf32, #tpu.memory_space<vmem>>, vector<16xf32>,
      %sub3A_160 = arith.subf %get3A_159, %while3A#0 : vector<16xf32>
      %max3A = arith.constant 0.000000e+00 : f32
      %max3A_161 = vector.broadcast %max3A : f32 to vector<16xf32>
      %max3A_162 = arith.maximumf %sub3A_160, %max3A_161 : vector<16xf32>
      %swap3A_163 = arith.index_cast %mul3A_158 : i32 to index
      %swap3A_164 = tpu.vector_load %arg4[%swap3A_163] {strides = array<i32>} : memref<32768xf32, #tpu.memory_space<vmem>>, vector<16xf32>,
      tpu.vector_store %arg4[%swap3A_163], %max3A_162 {strides = array<i32>} : memref<32768xf32, #tpu.memory_space<vmem>>, vector<16xf32>,
      %mul3A_165 = arith.constant 16 : i32
      %mul3A_166 = arith.muli %scan3A_152, %mul3A_165 : i32
      %add3A_167 = arith.constant 1 : i32
      %add3A_168 = arith.addi %mul3A_166, %add3A_167 : i32
      %mul3A_169 = arith.constant 16 : i32
      %mul3A_170 = arith.muli %add3A_168, %mul3A_169 : i32
      %get3A_171 = arith.index_cast %mul3A_170 : i32 to index
      %get3A_172 = tpu.vector_load %arg4[%get3A_171] {strides = array<i32>} : memref<32768xf32, #tpu.memory_space<vmem>>, vector<16xf32>,
      %sub3A_173 = arith.subf %get3A_172, %while3A#0 : vector<16xf32>
      %max3A_174 = arith.constant 0.000000e+00 : f32
      %max3A_175 = vector.broadcast %max3A_174 : f32 to vector<16xf32>
      %max3A_176 = arith.maximumf %sub3A_173, %max3A_175 : vector<16xf32>
      %swap3A_177 = arith.index_cast %mul3A_170 : i32 to index
      %swap3A_178 = tpu.vector_load %arg4[%swap3A_177] {strides = array<i32>} : memref<32768xf32, #tpu.memory_space<vmem>>, vector<16xf32>,
      tpu.vector_store %arg4[%swap3A_177], %max3A_176 {strides = array<i32>} : memref<32768xf32, #tpu.memory_space<vmem>>, vector<16xf32>,
      %mul3A_179 = arith.constant 16 : i32
      %mul3A_180 = arith.muli %scan3A_152, %mul3A_179 : i32
      %add3A_181 = arith.constant 2 : i32
      %add3A_182 = arith.addi %mul3A_180, %add3A_181 : i32
      %mul3A_183 = arith.constant 16 : i32
      %mul3A_184 = arith.muli %add3A_182, %mul3A_183 : i32
      %get3A_185 = arith.index_cast %mul3A_184 : i32 to index
      %get3A_186 = tpu.vector_load %arg4[%get3A_185] {strides = array<i32>} : memref<32768xf32, #tpu.memory_space<vmem>>, vector<16xf32>,
      %sub3A_187 = arith.subf %get3A_186, %while3A#0 : vector<16xf32>
      %max3A_188 = arith.constant 0.000000e+00 : f32
      %max3A_189 = vector.broadcast %max3A_188 : f32 to vector<16xf32>
      %max3A_190 = arith.maximumf %sub3A_187, %max3A_189 : vector<16xf32>
      %swap3A_191 = arith.index_cast %mul3A_184 : i32 to index
      %swap3A_192 = tpu.vector_load %arg4[%swap3A_191] {strides = array<i32>} : memref<32768xf32, #tpu.memory_space<vmem>>, vector<16xf32>,
      tpu.vector_store %arg4[%swap3A_191], %max3A_190 {strides = array<i32>} : memref<32768xf32, #tpu.memory_space<vmem>>, vector<16xf32>,
      %mul3A_193 = arith.constant 16 : i32
      %mul3A_194 = arith.muli %scan3A_152, %mul3A_193 : i32
      %add3A_195 = arith.constant 3 : i32
      %add3A_196 = arith.addi %mul3A_194, %add3A_195 : i32
      %mul3A_197 = arith.constant 16 : i32
      %mul3A_198 = arith.muli %add3A_196, %mul3A_197 : i32
      %get3A_199 = arith.index_cast %mul3A_198 : i32 to index
      %get3A_200 = tpu.vector_load %arg4[%get3A_199] {strides = array<i32>} : memref<32768xf32, #tpu.memory_space<vmem>>, vector<16xf32>,
      %sub3A_201 = arith.subf %get3A_200, %while3A#0 : vector<16xf32>
      %max3A_202 = arith.constant 0.000000e+00 : f32
      %max3A_203 = vector.broadcast %max3A_202 : f32 to vector<16xf32>
      %max3A_204 = arith.maximumf %sub3A_201, %max3A_203 : vector<16xf32>
      %swap3A_205 = arith.index_cast %mul3A_198 : i32 to index
      %swap3A_206 = tpu.vector_load %arg4[%swap3A_205] {strides = array<i32>} : memref<32768xf32, #tpu.memory_space<vmem>>, vector<16xf32>,
      tpu.vector_store %arg4[%swap3A_205], %max3A_204 {strides = array<i32>} : memref<32768xf32, #tpu.memory_space<vmem>>, vector<16xf32>,
      %mul3A_207 = arith.constant 16 : i32
      %mul3A_208 = arith.muli %scan3A_152, %mul3A_207 : i32
      %add3A_209 = arith.constant 4 : i32
      %add3A_210 = arith.addi %mul3A_208, %add3A_209 : i32
      %mul3A_211 = arith.constant 16 : i32
      %mul3A_212 = arith.muli %add3A_210, %mul3A_211 : i32
      %get3A_213 = arith.index_cast %mul3A_212 : i32 to index
      %get3A_214 = tpu.vector_load %arg4[%get3A_213] {strides = array<i32>} : memref<32768xf32, #tpu.memory_space<vmem>>, vector<16xf32>,
      %sub3A_215 = arith.subf %get3A_214, %while3A#0 : vector<16xf32>
      %max3A_216 = arith.constant 0.000000e+00 : f32
      %max3A_217 = vector.broadcast %max3A_216 : f32 to vector<16xf32>
      %max3A_218 = arith.maximumf %sub3A_215, %max3A_217 : vector<16xf32>
      %swap3A_219 = arith.index_cast %mul3A_212 : i32 to index
      %swap3A_220 = tpu.vector_load %arg4[%swap3A_219] {strides = array<i32>} : memref<32768xf32, #tpu.memory_space<vmem>>, vector<16xf32>,
      tpu.vector_store %arg4[%swap3A_219], %max3A_218 {strides = array<i32>} : memref<32768xf32, #tpu.memory_space<vmem>>, vector<16xf32>,
      %mul3A_221 = arith.constant 16 : i32
      %mul3A_222 = arith.muli %scan3A_152, %mul3A_221 : i32
      %add3A_223 = arith.constant 5 : i32
      %add3A_224 = arith.addi %mul3A_222, %add3A_223 : i32
      %mul3A_225 = arith.constant 16 : i32
      %mul3A_226 = arith.muli %add3A_224, %mul3A_225 : i32
      %get3A_227 = arith.index_cast %mul3A_226 : i32 to index
      %get3A_228 = tpu.vector_load %arg4[%get3A_227] {strides = array<i32>} : memref<32768xf32, #tpu.memory_space<vmem>>, vector<16xf32>,
      %sub3A_229 = arith.subf %get3A_228, %while3A#0 : vector<16xf32>
      %max3A_230 = arith.constant 0.000000e+00 : f32
      %max3A_231 = vector.broadcast %max3A_230 : f32 to vector<16xf32>
      %max3A_232 = arith.maximumf %sub3A_229, %max3A_231 : vector<16xf32>
      %swap3A_233 = arith.index_cast %mul3A_226 : i32 to index
      %swap3A_234 = tpu.vector_load %arg4[%swap3A_233] {strides = array<i32>} : memref<32768xf32, #tpu.memory_space<vmem>>, vector<16xf32>,
      tpu.vector_store %arg4[%swap3A_233], %max3A_232 {strides = array<i32>} : memref<32768xf32, #tpu.memory_space<vmem>>, vector<16xf32>,
      %mul3A_235 = arith.constant 16 : i32
      %mul3A_236 = arith.muli %scan3A_152, %mul3A_235 : i32
      %add3A_237 = arith.constant 6 : i32
      %add3A_238 = arith.addi %mul3A_236, %add3A_237 : i32
      %mul3A_239 = arith.constant 16 : i32
      %mul3A_240 = arith.muli %add3A_238, %mul3A_239 : i32
      %get3A_241 = arith.index_cast %mul3A_240 : i32 to index
      %get3A_242 = tpu.vector_load %arg4[%get3A_241] {strides = array<i32>} : memref<32768xf32, #tpu.memory_space<vmem>>, vector<16xf32>,
      %sub3A_243 = arith.subf %get3A_242, %while3A#0 : vector<16xf32>
      %max3A_244 = arith.constant 0.000000e+00 : f32
      %max3A_245 = vector.broadcast %max3A_244 : f32 to vector<16xf32>
      %max3A_246 = arith.maximumf %sub3A_243, %max3A_245 : vector<16xf32>
      %swap3A_247 = arith.index_cast %mul3A_240 : i32 to index
      %swap3A_248 = tpu.vector_load %arg4[%swap3A_247] {strides = array<i32>} : memref<32768xf32, #tpu.memory_space<vmem>>, vector<16xf32>,
      tpu.vector_store %arg4[%swap3A_247], %max3A_246 {strides = array<i32>} : memref<32768xf32, #tpu.memory_space<vmem>>, vector<16xf32>,
      %mul3A_249 = arith.constant 16 : i32
      %mul3A_250 = arith.muli %scan3A_152, %mul3A_249 : i32
      %add3A_251 = arith.constant 7 : i32
      %add3A_252 = arith.addi %mul3A_250, %add3A_251 : i32
      %mul3A_253 = arith.constant 16 : i32
      %mul3A_254 = arith.muli %add3A_252, %mul3A_253 : i32
      %get3A_255 = arith.index_cast %mul3A_254 : i32 to index
      %get3A_256 = tpu.vector_load %arg4[%get3A_255] {strides = array<i32>} : memref<32768xf32, #tpu.memory_space<vmem>>, vector<16xf32>,
      %sub3A_257 = arith.subf %get3A_256, %while3A#0 : vector<16xf32>
      %max3A_258 = arith.constant 0.000000e+00 : f32
      %max3A_259 = vector.broadcast %max3A_258 : f32 to vector<16xf32>
      %max3A_260 = arith.maximumf %sub3A_257, %max3A_259 : vector<16xf32>
      %swap3A_261 = arith.index_cast %mul3A_254 : i32 to index
      %swap3A_262 = tpu.vector_load %arg4[%swap3A_261] {strides = array<i32>} : memref<32768xf32, #tpu.memory_space<vmem>>, vector<16xf32>,
      tpu.vector_store %arg4[%swap3A_261], %max3A_260 {strides = array<i32>} : memref<32768xf32, #tpu.memory_space<vmem>>, vector<16xf32>,
      %mul3A_263 = arith.constant 16 : i32
      %mul3A_264 = arith.muli %scan3A_152, %mul3A_263 : i32
      %add3A_265 = arith.constant 8 : i32
      %add3A_266 = arith.addi %mul3A_264, %add3A_265 : i32
      %mul3A_267 = arith.constant 16 : i32
      %mul3A_268 = arith.muli %add3A_266, %mul3A_267 : i32
      %get3A_269 = arith.index_cast %mul3A_268 : i32 to index
      %get3A_270 = tpu.vector_load %arg4[%get3A_269] {strides = array<i32>} : memref<32768xf32, #tpu.memory_space<vmem>>, vector<16xf32>,
      %sub3A_271 = arith.subf %get3A_270, %while3A#0 : vector<16xf32>
      %max3A_272 = arith.constant 0.000000e+00 : f32
      %max3A_273 = vector.broadcast %max3A_272 : f32 to vector<16xf32>
      %max3A_274 = arith.maximumf %sub3A_271, %max3A_273 : vector<16xf32>
      %swap3A_275 = arith.index_cast %mul3A_268 : i32 to index
      %swap3A_276 = tpu.vector_load %arg4[%swap3A_275] {strides = array<i32>} : memref<32768xf32, #tpu.memory_space<vmem>>, vector<16xf32>,
      tpu.vector_store %arg4[%swap3A_275], %max3A_274 {strides = array<i32>} : memref<32768xf32, #tpu.memory_space<vmem>>, vector<16xf32>,
      %mul3A_277 = arith.constant 16 : i32
      %mul3A_278 = arith.muli %scan3A_152, %mul3A_277 : i32
      %add3A_279 = arith.constant 9 : i32
      %add3A_280 = arith.addi %mul3A_278, %add3A_279 : i32
      %mul3A_281 = arith.constant 16 : i32
      %mul3A_282 = arith.muli %add3A_280, %mul3A_281 : i32
      %get3A_283 = arith.index_cast %mul3A_282 : i32 to index
      %get3A_284 = tpu.vector_load %arg4[%get3A_283] {strides = array<i32>} : memref<32768xf32, #tpu.memory_space<vmem>>, vector<16xf32>,
      %sub3A_285 = arith.subf %get3A_284, %while3A#0 : vector<16xf32>
      %max3A_286 = arith.constant 0.000000e+00 : f32
      %max3A_287 = vector.broadcast %max3A_286 : f32 to vector<16xf32>
      %max3A_288 = arith.maximumf %sub3A_285, %max3A_287 : vector<16xf32>
      %swap3A_289 = arith.index_cast %mul3A_282 : i32 to index
      %swap3A_290 = tpu.vector_load %arg4[%swap3A_289] {strides = array<i32>} : memref<32768xf32, #tpu.memory_space<vmem>>, vector<16xf32>,
      tpu.vector_store %arg4[%swap3A_289], %max3A_288 {strides = array<i32>} : memref<32768xf32, #tpu.memory_space<vmem>>, vector<16xf32>,
      %mul3A_291 = arith.constant 16 : i32
      %mul3A_292 = arith.muli %scan3A_152, %mul3A_291 : i32
      %add3A_293 = arith.constant 10 : i32
      %add3A_294 = arith.addi %mul3A_292, %add3A_293 : i32
      %mul3A_295 = arith.constant 16 : i32
      %mul3A_296 = arith.muli %add3A_294, %mul3A_295 : i32
      %get3A_297 = arith.index_cast %mul3A_296 : i32 to index
      %get3A_298 = tpu.vector_load %arg4[%get3A_297] {strides = array<i32>} : memref<32768xf32, #tpu.memory_space<vmem>>, vector<16xf32>,
      %sub3A_299 = arith.subf %get3A_298, %while3A#0 : vector<16xf32>
      %max3A_300 = arith.constant 0.000000e+00 : f32
      %max3A_301 = vector.broadcast %max3A_300 : f32 to vector<16xf32>
      %max3A_302 = arith.maximumf %sub3A_299, %max3A_301 : vector<16xf32>
      %swap3A_303 = arith.index_cast %mul3A_296 : i32 to index
      %swap3A_304 = tpu.vector_load %arg4[%swap3A_303] {strides = array<i32>} : memref<32768xf32, #tpu.memory_space<vmem>>, vector<16xf32>,
      tpu.vector_store %arg4[%swap3A_303], %max3A_302 {strides = array<i32>} : memref<32768xf32, #tpu.memory_space<vmem>>, vector<16xf32>,
      %mul3A_305 = arith.constant 16 : i32
      %mul3A_306 = arith.muli %scan3A_152, %mul3A_305 : i32
      %add3A_307 = arith.constant 11 : i32
      %add3A_308 = arith.addi %mul3A_306, %add3A_307 : i32
      %mul3A_309 = arith.constant 16 : i32
      %mul3A_310 = arith.muli %add3A_308, %mul3A_309 : i32
      %get3A_311 = arith.index_cast %mul3A_310 : i32 to index
      %get3A_312 = tpu.vector_load %arg4[%get3A_311] {strides = array<i32>} : memref<32768xf32, #tpu.memory_space<vmem>>, vector<16xf32>,
      %sub3A_313 = arith.subf %get3A_312, %while3A#0 : vector<16xf32>
      %max3A_314 = arith.constant 0.000000e+00 : f32
      %max3A_315 = vector.broadcast %max3A_314 : f32 to vector<16xf32>
      %max3A_316 = arith.maximumf %sub3A_313, %max3A_315 : vector<16xf32>
      %swap3A_317 = arith.index_cast %mul3A_310 : i32 to index
      %swap3A_318 = tpu.vector_load %arg4[%swap3A_317] {strides = array<i32>} : memref<32768xf32, #tpu.memory_space<vmem>>, vector<16xf32>,
      tpu.vector_store %arg4[%swap3A_317], %max3A_316 {strides = array<i32>} : memref<32768xf32, #tpu.memory_space<vmem>>, vector<16xf32>,
      %mul3A_319 = arith.constant 16 : i32
      %mul3A_320 = arith.muli %scan3A_152, %mul3A_319 : i32
      %add3A_321 = arith.constant 12 : i32
      %add3A_322 = arith.addi %mul3A_320, %add3A_321 : i32
      %mul3A_323 = arith.constant 16 : i32
      %mul3A_324 = arith.muli %add3A_322, %mul3A_323 : i32
      %get3A_325 = arith.index_cast %mul3A_324 : i32 to index
      %get3A_326 = tpu.vector_load %arg4[%get3A_325] {strides = array<i32>} : memref<32768xf32, #tpu.memory_space<vmem>>, vector<16xf32>,
      %sub3A_327 = arith.subf %get3A_326, %while3A#0 : vector<16xf32>
      %max3A_328 = arith.constant 0.000000e+00 : f32
      %max3A_329 = vector.broadcast %max3A_328 : f32 to vector<16xf32>
      %max3A_330 = arith.maximumf %sub3A_327, %max3A_329 : vector<16xf32>
      %swap3A_331 = arith.index_cast %mul3A_324 : i32 to index
      %swap3A_332 = tpu.vector_load %arg4[%swap3A_331] {strides = array<i32>} : memref<32768xf32, #tpu.memory_space<vmem>>, vector<16xf32>,
      tpu.vector_store %arg4[%swap3A_331], %max3A_330 {strides = array<i32>} : memref<32768xf32, #tpu.memory_space<vmem>>, vector<16xf32>,
      %mul3A_333 = arith.constant 16 : i32
      %mul3A_334 = arith.muli %scan3A_152, %mul3A_333 : i32
      %add3A_335 = arith.constant 13 : i32
      %add3A_336 = arith.addi %mul3A_334, %add3A_335 : i32
      %mul3A_337 = arith.constant 16 : i32
      %mul3A_338 = arith.muli %add3A_336, %mul3A_337 : i32
      %get3A_339 = arith.index_cast %mul3A_338 : i32 to index
      %get3A_340 = tpu.vector_load %arg4[%get3A_339] {strides = array<i32>} : memref<32768xf32, #tpu.memory_space<vmem>>, vector<16xf32>,
      %sub3A_341 = arith.subf %get3A_340, %while3A#0 : vector<16xf32>
      %max3A_342 = arith.constant 0.000000e+00 : f32
      %max3A_343 = vector.broadcast %max3A_342 : f32 to vector<16xf32>
      %max3A_344 = arith.maximumf %sub3A_341, %max3A_343 : vector<16xf32>
      %swap3A_345 = arith.index_cast %mul3A_338 : i32 to index
      %swap3A_346 = tpu.vector_load %arg4[%swap3A_345] {strides = array<i32>} : memref<32768xf32, #tpu.memory_space<vmem>>, vector<16xf32>,
      tpu.vector_store %arg4[%swap3A_345], %max3A_344 {strides = array<i32>} : memref<32768xf32, #tpu.memory_space<vmem>>, vector<16xf32>,
      %mul3A_347 = arith.constant 16 : i32
      %mul3A_348 = arith.muli %scan3A_152, %mul3A_347 : i32
      %add3A_349 = arith.constant 14 : i32
      %add3A_350 = arith.addi %mul3A_348, %add3A_349 : i32
      %mul3A_351 = arith.constant 16 : i32
      %mul3A_352 = arith.muli %add3A_350, %mul3A_351 : i32
      %get3A_353 = arith.index_cast %mul3A_352 : i32 to index
      %get3A_354 = tpu.vector_load %arg4[%get3A_353] {strides = array<i32>} : memref<32768xf32, #tpu.memory_space<vmem>>, vector<16xf32>,
      %sub3A_355 = arith.subf %get3A_354, %while3A#0 : vector<16xf32>
      %max3A_356 = arith.constant 0.000000e+00 : f32
      %max3A_357 = vector.broadcast %max3A_356 : f32 to vector<16xf32>
      %max3A_358 = arith.maximumf %sub3A_355, %max3A_357 : vector<16xf32>
      %swap3A_359 = arith.index_cast %mul3A_352 : i32 to index
      %swap3A_360 = tpu.vector_load %arg4[%swap3A_359] {strides = array<i32>} : memref<32768xf32, #tpu.memory_space<vmem>>, vector<16xf32>,
      tpu.vector_store %arg4[%swap3A_359], %max3A_358 {strides = array<i32>} : memref<32768xf32, #tpu.memory_space<vmem>>, vector<16xf32>,
      %mul3A_361 = arith.constant 16 : i32
      %mul3A_362 = arith.muli %scan3A_152, %mul3A_361 : i32
      %add3A_363 = arith.constant 15 : i32
      %add3A_364 = arith.addi %mul3A_362, %add3A_363 : i32
      %mul3A_365 = arith.constant 16 : i32
      %mul3A_366 = arith.muli %add3A_364, %mul3A_365 : i32
      %get3A_367 = arith.index_cast %mul3A_366 : i32 to index
      %get3A_368 = tpu.vector_load %arg4[%get3A_367] {strides = array<i32>} : memref<32768xf32, #tpu.memory_space<vmem>>, vector<16xf32>,
      %sub3A_369 = arith.subf %get3A_368, %while3A#0 : vector<16xf32>
      %max3A_370 = arith.constant 0.000000e+00 : f32
      %max3A_371 = vector.broadcast %max3A_370 : f32 to vector<16xf32>
      %max3A_372 = arith.maximumf %sub3A_369, %max3A_371 : vector<16xf32>
      %swap3A_373 = arith.index_cast %mul3A_366 : i32 to index
      %swap3A_374 = tpu.vector_load %arg4[%swap3A_373] {strides = array<i32>} : memref<32768xf32, #tpu.memory_space<vmem>>, vector<16xf32>,
      tpu.vector_store %arg4[%swap3A_373], %max3A_372 {strides = array<i32>} : memref<32768xf32, #tpu.memory_space<vmem>>, vector<16xf32>,
    }
    %scan3A_66 = arith.constant 128 : i32
    %dma_start3A_67 = arith.constant 0 : i32
    %dma_start3A_68 = tpu.memref_slice %arg3[%mul3A_2, %dma_start3A_67] : memref<64x32768xf32, #tpu.memory_space<hbm>> -> memref<1x32768xf32, #tpu.memory_space<hbm>>
    %dma_start3A_69 = tpu.memref_squeeze %dma_start3A_68 : memref<1x32768xf32, #tpu.memory_space<hbm>> -> memref<32768xf32, #tpu.memory_space<hbm>>
    %dma_start3A_70 = arith.constant 0 : i32
    %dma_start3A_71 = tpu.memref_slice %arg3[%mul3A_2, %dma_start3A_70] : memref<64x32768xf32, #tpu.memory_space<hbm>> -> memref<1x32768xf32, #tpu.memory_space<hbm>>
    %dma_start3A_72 = tpu.memref_squeeze %dma_start3A_71 : memref<1x32768xf32, #tpu.memory_space<hbm>> -> memref<32768xf32, #tpu.memory_space<hbm>>
    tpu.enqueue_dma source(%arg4 : memref<32768xf32, #tpu.memory_space<vmem>>) target(%dma_start3A_72 : memref<32768xf32, #tpu.memory_space<hbm>>) target_semaphore(%arg9 : memref<!tpu.dma_semaphore, #tpu.memory_space<semaphore_mem>>)
    %dma_wait3A_73 = arith.constant 0 : i32
    %dma_wait3A_74 = tpu.memref_slice %arg2[%add3A_4, %dma_wait3A_73] : memref<64x32768xf32, #tpu.memory_space<hbm>> -> memref<1x32768xf32, #tpu.memory_space<hbm>>
    %dma_wait3A_75 = tpu.memref_squeeze %dma_wait3A_74 : memref<1x32768xf32, #tpu.memory_space<hbm>> -> memref<32768xf32, #tpu.memory_space<hbm>>
    %dma_wait3A_76 = arith.constant 0 : i32
    %dma_wait3A_77 = tpu.memref_slice %arg2[%add3A_4, %dma_wait3A_76] : memref<64x32768xf32, #tpu.memory_space<hbm>> -> memref<1x32768xf32, #tpu.memory_space<hbm>>
    %dma_wait3A_78 = tpu.memref_squeeze %dma_wait3A_77 : memref<1x32768xf32, #tpu.memory_space<hbm>> -> memref<32768xf32, #tpu.memory_space<hbm>>
    tpu.wait_dma2 semaphore(%arg8 : memref<!tpu.dma_semaphore, #tpu.memory_space<semaphore_mem>>) src(%dma_wait3A_78 : memref<32768xf32, #tpu.memory_space<hbm>>) dst(%arg5 : memref<32768xf32, #tpu.memory_space<vmem>>)
    %broadcast_in_dim3A_79 = arith.constant -1 : i32
    %broadcast_in_dim3A_80 = vector.broadcast %broadcast_in_dim3A_79 : i32 to vector<16xi32>
    %broadcast_in_dim3A_81 = arith.constant -3.000000e+38 : f32
    %broadcast_in_dim3A_82 = vector.broadcast %broadcast_in_dim3A_81 : f32 to vector<16xf32>
    %broadcast_in_dim3A_83 = arith.constant -3.000000e+38 : f32
    %broadcast_in_dim3A_84 = vector.broadcast %broadcast_in_dim3A_83 : f32 to vector<16xf32>
    %scan3A_85 = arith.constant 0 : i32
    %scan3A_86 = arith.constant 128 : i32
    %scan3A_87 = arith.addi %scan3A_85, %scan3A_86 : i32
    %scan3A_88 = arith.constant 1 : i32
    %scan3A_89:3 = scf.for %scan3A_152 = %scan3A_85 to %scan3A_87 step %scan3A_88 iter_args(%scan3A_153 = %broadcast_in_dim3A_80, %scan3A_154 = %broadcast_in_dim3A_82, %scan3A_155 = %broadcast_in_dim3A_84) -> (vector<16xi32>, vector<16xf32>, vector<16xf32>)  : i32 {
      %mul3A_156 = arith.constant 16 : i32
      %mul3A_157 = arith.muli %scan3A_152, %mul3A_156 : i32
      %add3A_158 = arith.constant 0 : i32
      %add3A_159 = arith.addi %mul3A_157, %add3A_158 : i32
      %mul3A_160 = arith.constant 16 : i32
      %mul3A_161 = arith.muli %add3A_159, %mul3A_160 : i32
      %get3A = arith.index_cast %mul3A_161 : i32 to index
      %get3A_162 = tpu.vector_load %arg5[%get3A] {strides = array<i32>} : memref<32768xf32, #tpu.memory_space<vmem>>, vector<16xf32>,
      %mul3A_163 = arith.constant 16 : i32
      %mul3A_164 = arith.muli %scan3A_152, %mul3A_163 : i32
      %add3A_165 = arith.constant 1 : i32
      %add3A_166 = arith.addi %mul3A_164, %add3A_165 : i32
      %mul3A_167 = arith.constant 16 : i32
      %mul3A_168 = arith.muli %add3A_166, %mul3A_167 : i32
      %get3A_169 = arith.index_cast %mul3A_168 : i32 to index
      %get3A_170 = tpu.vector_load %arg5[%get3A_169] {strides = array<i32>} : memref<32768xf32, #tpu.memory_space<vmem>>, vector<16xf32>,
      %mul3A_171 = arith.constant 16 : i32
      %mul3A_172 = arith.muli %scan3A_152, %mul3A_171 : i32
      %add3A_173 = arith.constant 2 : i32
      %add3A_174 = arith.addi %mul3A_172, %add3A_173 : i32
      %mul3A_175 = arith.constant 16 : i32
      %mul3A_176 = arith.muli %add3A_174, %mul3A_175 : i32
      %get3A_177 = arith.index_cast %mul3A_176 : i32 to index
      %get3A_178 = tpu.vector_load %arg5[%get3A_177] {strides = array<i32>} : memref<32768xf32, #tpu.memory_space<vmem>>, vector<16xf32>,
      %mul3A_179 = arith.constant 16 : i32
      %mul3A_180 = arith.muli %scan3A_152, %mul3A_179 : i32
      %add3A_181 = arith.constant 3 : i32
      %add3A_182 = arith.addi %mul3A_180, %add3A_181 : i32
      %mul3A_183 = arith.constant 16 : i32
      %mul3A_184 = arith.muli %add3A_182, %mul3A_183 : i32
      %get3A_185 = arith.index_cast %mul3A_184 : i32 to index
      %get3A_186 = tpu.vector_load %arg5[%get3A_185] {strides = array<i32>} : memref<32768xf32, #tpu.memory_space<vmem>>, vector<16xf32>,
      %mul3A_187 = arith.constant 16 : i32
      %mul3A_188 = arith.muli %scan3A_152, %mul3A_187 : i32
      %add3A_189 = arith.constant 4 : i32
      %add3A_190 = arith.addi %mul3A_188, %add3A_189 : i32
      %mul3A_191 = arith.constant 16 : i32
      %mul3A_192 = arith.muli %add3A_190, %mul3A_191 : i32
      %get3A_193 = arith.index_cast %mul3A_192 : i32 to index
      %get3A_194 = tpu.vector_load %arg5[%get3A_193] {strides = array<i32>} : memref<32768xf32, #tpu.memory_space<vmem>>, vector<16xf32>,
      %mul3A_195 = arith.constant 16 : i32
      %mul3A_196 = arith.muli %scan3A_152, %mul3A_195 : i32
      %add3A_197 = arith.constant 5 : i32
      %add3A_198 = arith.addi %mul3A_196, %add3A_197 : i32
      %mul3A_199 = arith.constant 16 : i32
      %mul3A_200 = arith.muli %add3A_198, %mul3A_199 : i32
      %get3A_201 = arith.index_cast %mul3A_200 : i32 to index
      %get3A_202 = tpu.vector_load %arg5[%get3A_201] {strides = array<i32>} : memref<32768xf32, #tpu.memory_space<vmem>>, vector<16xf32>,
      %mul3A_203 = arith.constant 16 : i32
      %mul3A_204 = arith.muli %scan3A_152, %mul3A_203 : i32
      %add3A_205 = arith.constant 6 : i32
      %add3A_206 = arith.addi %mul3A_204, %add3A_205 : i32
      %mul3A_207 = arith.constant 16 : i32
      %mul3A_208 = arith.muli %add3A_206, %mul3A_207 : i32
      %get3A_209 = arith.index_cast %mul3A_208 : i32 to index
      %get3A_210 = tpu.vector_load %arg5[%get3A_209] {strides = array<i32>} : memref<32768xf32, #tpu.memory_space<vmem>>, vector<16xf32>,
      %mul3A_211 = arith.constant 16 : i32
      %mul3A_212 = arith.muli %scan3A_152, %mul3A_211 : i32
      %add3A_213 = arith.constant 7 : i32
      %add3A_214 = arith.addi %mul3A_212, %add3A_213 : i32
      %mul3A_215 = arith.constant 16 : i32
      %mul3A_216 = arith.muli %add3A_214, %mul3A_215 : i32
      %get3A_217 = arith.index_cast %mul3A_216 : i32 to index
      %get3A_218 = tpu.vector_load %arg5[%get3A_217] {strides = array<i32>} : memref<32768xf32, #tpu.memory_space<vmem>>, vector<16xf32>,
      %mul3A_219 = arith.constant 16 : i32
      %mul3A_220 = arith.muli %scan3A_152, %mul3A_219 : i32
      %add3A_221 = arith.constant 8 : i32
      %add3A_222 = arith.addi %mul3A_220, %add3A_221 : i32
      %mul3A_223 = arith.constant 16 : i32
      %mul3A_224 = arith.muli %add3A_222, %mul3A_223 : i32
      %get3A_225 = arith.index_cast %mul3A_224 : i32 to index
      %get3A_226 = tpu.vector_load %arg5[%get3A_225] {strides = array<i32>} : memref<32768xf32, #tpu.memory_space<vmem>>, vector<16xf32>,
      %mul3A_227 = arith.constant 16 : i32
      %mul3A_228 = arith.muli %scan3A_152, %mul3A_227 : i32
      %add3A_229 = arith.constant 9 : i32
      %add3A_230 = arith.addi %mul3A_228, %add3A_229 : i32
      %mul3A_231 = arith.constant 16 : i32
      %mul3A_232 = arith.muli %add3A_230, %mul3A_231 : i32
      %get3A_233 = arith.index_cast %mul3A_232 : i32 to index
      %get3A_234 = tpu.vector_load %arg5[%get3A_233] {strides = array<i32>} : memref<32768xf32, #tpu.memory_space<vmem>>, vector<16xf32>,
      %mul3A_235 = arith.constant 16 : i32
      %mul3A_236 = arith.muli %scan3A_152, %mul3A_235 : i32
      %add3A_237 = arith.constant 10 : i32
      %add3A_238 = arith.addi %mul3A_236, %add3A_237 : i32
      %mul3A_239 = arith.constant 16 : i32
      %mul3A_240 = arith.muli %add3A_238, %mul3A_239 : i32
      %get3A_241 = arith.index_cast %mul3A_240 : i32 to index
      %get3A_242 = tpu.vector_load %arg5[%get3A_241] {strides = array<i32>} : memref<32768xf32, #tpu.memory_space<vmem>>, vector<16xf32>,
      %mul3A_243 = arith.constant 16 : i32
      %mul3A_244 = arith.muli %scan3A_152, %mul3A_243 : i32
      %add3A_245 = arith.constant 11 : i32
      %add3A_246 = arith.addi %mul3A_244, %add3A_245 : i32
      %mul3A_247 = arith.constant 16 : i32
      %mul3A_248 = arith.muli %add3A_246, %mul3A_247 : i32
      %get3A_249 = arith.index_cast %mul3A_248 : i32 to index
      %get3A_250 = tpu.vector_load %arg5[%get3A_249] {strides = array<i32>} : memref<32768xf32, #tpu.memory_space<vmem>>, vector<16xf32>,
      %mul3A_251 = arith.constant 16 : i32
      %mul3A_252 = arith.muli %scan3A_152, %mul3A_251 : i32
      %add3A_253 = arith.constant 12 : i32
      %add3A_254 = arith.addi %mul3A_252, %add3A_253 : i32
      %mul3A_255 = arith.constant 16 : i32
      %mul3A_256 = arith.muli %add3A_254, %mul3A_255 : i32
      %get3A_257 = arith.index_cast %mul3A_256 : i32 to index
      %get3A_258 = tpu.vector_load %arg5[%get3A_257] {strides = array<i32>} : memref<32768xf32, #tpu.memory_space<vmem>>, vector<16xf32>,
      %mul3A_259 = arith.constant 16 : i32
      %mul3A_260 = arith.muli %scan3A_152, %mul3A_259 : i32
      %add3A_261 = arith.constant 13 : i32
      %add3A_262 = arith.addi %mul3A_260, %add3A_261 : i32
      %mul3A_263 = arith.constant 16 : i32
      %mul3A_264 = arith.muli %add3A_262, %mul3A_263 : i32
      %get3A_265 = arith.index_cast %mul3A_264 : i32 to index
      %get3A_266 = tpu.vector_load %arg5[%get3A_265] {strides = array<i32>} : memref<32768xf32, #tpu.memory_space<vmem>>, vector<16xf32>,
      %mul3A_267 = arith.constant 16 : i32
      %mul3A_268 = arith.muli %scan3A_152, %mul3A_267 : i32
      %add3A_269 = arith.constant 14 : i32
      %add3A_270 = arith.addi %mul3A_268, %add3A_269 : i32
      %mul3A_271 = arith.constant 16 : i32
      %mul3A_272 = arith.muli %add3A_270, %mul3A_271 : i32
      %get3A_273 = arith.index_cast %mul3A_272 : i32 to index
      %get3A_274 = tpu.vector_load %arg5[%get3A_273] {strides = array<i32>} : memref<32768xf32, #tpu.memory_space<vmem>>, vector<16xf32>,
      %mul3A_275 = arith.constant 16 : i32
      %mul3A_276 = arith.muli %scan3A_152, %mul3A_275 : i32
      %add3A_277 = arith.constant 15 : i32
      %add3A_278 = arith.addi %mul3A_276, %add3A_277 : i32
      %mul3A_279 = arith.constant 16 : i32
      %mul3A_280 = arith.muli %add3A_278, %mul3A_279 : i32
      %get3A_281 = arith.index_cast %mul3A_280 : i32 to index
      %get3A_282 = tpu.vector_load %arg5[%get3A_281] {strides = array<i32>} : memref<32768xf32, #tpu.memory_space<vmem>>, vector<16xf32>,
      %gt3A = arith.cmpf ogt, %get3A_162, %scan3A_154 : vector<16xf32>
      %gt3A_283 = arith.cmpf ogt, %get3A_170, %scan3A_154 : vector<16xf32>
      %gt3A_284 = arith.cmpf ogt, %get3A_178, %scan3A_154 : vector<16xf32>
      %gt3A_285 = arith.cmpf ogt, %get3A_186, %scan3A_154 : vector<16xf32>
      %gt3A_286 = arith.cmpf ogt, %get3A_194, %scan3A_154 : vector<16xf32>
      %gt3A_287 = arith.cmpf ogt, %get3A_202, %scan3A_154 : vector<16xf32>
      %gt3A_288 = arith.cmpf ogt, %get3A_210, %scan3A_154 : vector<16xf32>
      %gt3A_289 = arith.cmpf ogt, %get3A_218, %scan3A_154 : vector<16xf32>
      %gt3A_290 = arith.cmpf ogt, %get3A_226, %scan3A_154 : vector<16xf32>
      %gt3A_291 = arith.cmpf ogt, %get3A_234, %scan3A_154 : vector<16xf32>
      %gt3A_292 = arith.cmpf ogt, %get3A_242, %scan3A_154 : vector<16xf32>
      %gt3A_293 = arith.cmpf ogt, %get3A_250, %scan3A_154 : vector<16xf32>
      %gt3A_294 = arith.cmpf ogt, %get3A_258, %scan3A_154 : vector<16xf32>
      %gt3A_295 = arith.cmpf ogt, %get3A_266, %scan3A_154 : vector<16xf32>
      %gt3A_296 = arith.cmpf ogt, %get3A_274, %scan3A_154 : vector<16xf32>
      %gt3A_297 = arith.cmpf ogt, %get3A_282, %scan3A_154 : vector<16xf32>
      %jit3A = arith.constant 1 : i32
      %jit3A_298 = arith.constant 0 : i32
      %broadcast_in_dim3A_299 = vector.broadcast %jit3A : i32 to vector<16xi32>
      %broadcast_in_dim3A_300 = vector.broadcast %jit3A_298 : i32 to vector<16xi32>
      %select_n3A = arith.select %gt3A, %broadcast_in_dim3A_299, %broadcast_in_dim3A_300 : vector<16xi1>, vector<16xi32>
      %broadcast_in_dim3A_301 = arith.constant true
      %broadcast_in_dim3A_302 = vector.broadcast %broadcast_in_dim3A_301 : i1 to vector<16xi1>
      %masked_cumsum3A = tpu.scan <sum>, %select_n3A masked %broadcast_in_dim3A_302 : vector<16xi32>, vector<16xi1> -> vector<16xi32>
      %add3A_303 = arith.addi %scan3A_153, %masked_cumsum3A : vector<16xi32>
      tpu.vector_store_idx %arg6[%add3A_303], %get3A_162 masked %gt3A : memref<32832xf32, #tpu.memory_space<vmem>>[vector<16xi32>], vector<16xf32>, vector<16xi1>
      %all_reduce_population_count3A = tpu.all_reduce %gt3A {dim = 0 : i64, kind = #tpu.reduction_kind<sum>} : vector<16xi1> -> vector<16xi32>
      %add3A_304 = arith.addi %scan3A_153, %all_reduce_population_count3A : vector<16xi32>
      %jit3A_305 = arith.constant 1 : i32
      %jit3A_306 = arith.constant 0 : i32
      %broadcast_in_dim3A_307 = vector.broadcast %jit3A_305 : i32 to vector<16xi32>
      %broadcast_in_dim3A_308 = vector.broadcast %jit3A_306 : i32 to vector<16xi32>
      %select_n3A_309 = arith.select %gt3A_283, %broadcast_in_dim3A_307, %broadcast_in_dim3A_308 : vector<16xi1>, vector<16xi32>
      %broadcast_in_dim3A_310 = arith.constant true
      %broadcast_in_dim3A_311 = vector.broadcast %broadcast_in_dim3A_310 : i1 to vector<16xi1>
      %masked_cumsum3A_312 = tpu.scan <sum>, %select_n3A_309 masked %broadcast_in_dim3A_311 : vector<16xi32>, vector<16xi1> -> vector<16xi32>
      %add3A_313 = arith.addi %add3A_304, %masked_cumsum3A_312 : vector<16xi32>
      tpu.vector_store_idx %arg6[%add3A_313], %get3A_170 masked %gt3A_283 : memref<32832xf32, #tpu.memory_space<vmem>>[vector<16xi32>], vector<16xf32>, vector<16xi1>
      %all_reduce_population_count3A_314 = tpu.all_reduce %gt3A_283 {dim = 0 : i64, kind = #tpu.reduction_kind<sum>} : vector<16xi1> -> vector<16xi32>
      %add3A_315 = arith.addi %add3A_304, %all_reduce_population_count3A_314 : vector<16xi32>
      %jit3A_316 = arith.constant 1 : i32
      %jit3A_317 = arith.constant 0 : i32
      %broadcast_in_dim3A_318 = vector.broadcast %jit3A_316 : i32 to vector<16xi32>
      %broadcast_in_dim3A_319 = vector.broadcast %jit3A_317 : i32 to vector<16xi32>
      %select_n3A_320 = arith.select %gt3A_284, %broadcast_in_dim3A_318, %broadcast_in_dim3A_319 : vector<16xi1>, vector<16xi32>
      %broadcast_in_dim3A_321 = arith.constant true
      %broadcast_in_dim3A_322 = vector.broadcast %broadcast_in_dim3A_321 : i1 to vector<16xi1>
      %masked_cumsum3A_323 = tpu.scan <sum>, %select_n3A_320 masked %broadcast_in_dim3A_322 : vector<16xi32>, vector<16xi1> -> vector<16xi32>
      %add3A_324 = arith.addi %add3A_315, %masked_cumsum3A_323 : vector<16xi32>
      tpu.vector_store_idx %arg6[%add3A_324], %get3A_178 masked %gt3A_284 : memref<32832xf32, #tpu.memory_space<vmem>>[vector<16xi32>], vector<16xf32>, vector<16xi1>
      %all_reduce_population_count3A_325 = tpu.all_reduce %gt3A_284 {dim = 0 : i64, kind = #tpu.reduction_kind<sum>} : vector<16xi1> -> vector<16xi32>
      %add3A_326 = arith.addi %add3A_315, %all_reduce_population_count3A_325 : vector<16xi32>
      %jit3A_327 = arith.constant 1 : i32
      %jit3A_328 = arith.constant 0 : i32
      %broadcast_in_dim3A_329 = vector.broadcast %jit3A_327 : i32 to vector<16xi32>
      %broadcast_in_dim3A_330 = vector.broadcast %jit3A_328 : i32 to vector<16xi32>
      %select_n3A_331 = arith.select %gt3A_285, %broadcast_in_dim3A_329, %broadcast_in_dim3A_330 : vector<16xi1>, vector<16xi32>
      %broadcast_in_dim3A_332 = arith.constant true
      %broadcast_in_dim3A_333 = vector.broadcast %broadcast_in_dim3A_332 : i1 to vector<16xi1>
      %masked_cumsum3A_334 = tpu.scan <sum>, %select_n3A_331 masked %broadcast_in_dim3A_333 : vector<16xi32>, vector<16xi1> -> vector<16xi32>
      %add3A_335 = arith.addi %add3A_326, %masked_cumsum3A_334 : vector<16xi32>
      tpu.vector_store_idx %arg6[%add3A_335], %get3A_186 masked %gt3A_285 : memref<32832xf32, #tpu.memory_space<vmem>>[vector<16xi32>], vector<16xf32>, vector<16xi1>
      %all_reduce_population_count3A_336 = tpu.all_reduce %gt3A_285 {dim = 0 : i64, kind = #tpu.reduction_kind<sum>} : vector<16xi1> -> vector<16xi32>
      %add3A_337 = arith.addi %add3A_326, %all_reduce_population_count3A_336 : vector<16xi32>
      %jit3A_338 = arith.constant 1 : i32
      %jit3A_339 = arith.constant 0 : i32
      %broadcast_in_dim3A_340 = vector.broadcast %jit3A_338 : i32 to vector<16xi32>
      %broadcast_in_dim3A_341 = vector.broadcast %jit3A_339 : i32 to vector<16xi32>
      %select_n3A_342 = arith.select %gt3A_286, %broadcast_in_dim3A_340, %broadcast_in_dim3A_341 : vector<16xi1>, vector<16xi32>
      %broadcast_in_dim3A_343 = arith.constant true
      %broadcast_in_dim3A_344 = vector.broadcast %broadcast_in_dim3A_343 : i1 to vector<16xi1>
      %masked_cumsum3A_345 = tpu.scan <sum>, %select_n3A_342 masked %broadcast_in_dim3A_344 : vector<16xi32>, vector<16xi1> -> vector<16xi32>
      %add3A_346 = arith.addi %add3A_337, %masked_cumsum3A_345 : vector<16xi32>
      tpu.vector_store_idx %arg6[%add3A_346], %get3A_194 masked %gt3A_286 : memref<32832xf32, #tpu.memory_space<vmem>>[vector<16xi32>], vector<16xf32>, vector<16xi1>
      %all_reduce_population_count3A_347 = tpu.all_reduce %gt3A_286 {dim = 0 : i64, kind = #tpu.reduction_kind<sum>} : vector<16xi1> -> vector<16xi32>
      %add3A_348 = arith.addi %add3A_337, %all_reduce_population_count3A_347 : vector<16xi32>
      %jit3A_349 = arith.constant 1 : i32
      %jit3A_350 = arith.constant 0 : i32
      %broadcast_in_dim3A_351 = vector.broadcast %jit3A_349 : i32 to vector<16xi32>
      %broadcast_in_dim3A_352 = vector.broadcast %jit3A_350 : i32 to vector<16xi32>
      %select_n3A_353 = arith.select %gt3A_287, %broadcast_in_dim3A_351, %broadcast_in_dim3A_352 : vector<16xi1>, vector<16xi32>
      %broadcast_in_dim3A_354 = arith.constant true
      %broadcast_in_dim3A_355 = vector.broadcast %broadcast_in_dim3A_354 : i1 to vector<16xi1>
      %masked_cumsum3A_356 = tpu.scan <sum>, %select_n3A_353 masked %broadcast_in_dim3A_355 : vector<16xi32>, vector<16xi1> -> vector<16xi32>
      %add3A_357 = arith.addi %add3A_348, %masked_cumsum3A_356 : vector<16xi32>
      tpu.vector_store_idx %arg6[%add3A_357], %get3A_202 masked %gt3A_287 : memref<32832xf32, #tpu.memory_space<vmem>>[vector<16xi32>], vector<16xf32>, vector<16xi1>
      %all_reduce_population_count3A_358 = tpu.all_reduce %gt3A_287 {dim = 0 : i64, kind = #tpu.reduction_kind<sum>} : vector<16xi1> -> vector<16xi32>
      %add3A_359 = arith.addi %add3A_348, %all_reduce_population_count3A_358 : vector<16xi32>
      %jit3A_360 = arith.constant 1 : i32
      %jit3A_361 = arith.constant 0 : i32
      %broadcast_in_dim3A_362 = vector.broadcast %jit3A_360 : i32 to vector<16xi32>
      %broadcast_in_dim3A_363 = vector.broadcast %jit3A_361 : i32 to vector<16xi32>
      %select_n3A_364 = arith.select %gt3A_288, %broadcast_in_dim3A_362, %broadcast_in_dim3A_363 : vector<16xi1>, vector<16xi32>
      %broadcast_in_dim3A_365 = arith.constant true
      %broadcast_in_dim3A_366 = vector.broadcast %broadcast_in_dim3A_365 : i1 to vector<16xi1>
      %masked_cumsum3A_367 = tpu.scan <sum>, %select_n3A_364 masked %broadcast_in_dim3A_366 : vector<16xi32>, vector<16xi1> -> vector<16xi32>
      %add3A_368 = arith.addi %add3A_359, %masked_cumsum3A_367 : vector<16xi32>
      tpu.vector_store_idx %arg6[%add3A_368], %get3A_210 masked %gt3A_288 : memref<32832xf32, #tpu.memory_space<vmem>>[vector<16xi32>], vector<16xf32>, vector<16xi1>
      %all_reduce_population_count3A_369 = tpu.all_reduce %gt3A_288 {dim = 0 : i64, kind = #tpu.reduction_kind<sum>} : vector<16xi1> -> vector<16xi32>
      %add3A_370 = arith.addi %add3A_359, %all_reduce_population_count3A_369 : vector<16xi32>
      %jit3A_371 = arith.constant 1 : i32
      %jit3A_372 = arith.constant 0 : i32
      %broadcast_in_dim3A_373 = vector.broadcast %jit3A_371 : i32 to vector<16xi32>
      %broadcast_in_dim3A_374 = vector.broadcast %jit3A_372 : i32 to vector<16xi32>
      %select_n3A_375 = arith.select %gt3A_289, %broadcast_in_dim3A_373, %broadcast_in_dim3A_374 : vector<16xi1>, vector<16xi32>
      %broadcast_in_dim3A_376 = arith.constant true
      %broadcast_in_dim3A_377 = vector.broadcast %broadcast_in_dim3A_376 : i1 to vector<16xi1>
      %masked_cumsum3A_378 = tpu.scan <sum>, %select_n3A_375 masked %broadcast_in_dim3A_377 : vector<16xi32>, vector<16xi1> -> vector<16xi32>
      %add3A_379 = arith.addi %add3A_370, %masked_cumsum3A_378 : vector<16xi32>
      tpu.vector_store_idx %arg6[%add3A_379], %get3A_218 masked %gt3A_289 : memref<32832xf32, #tpu.memory_space<vmem>>[vector<16xi32>], vector<16xf32>, vector<16xi1>
      %all_reduce_population_count3A_380 = tpu.all_reduce %gt3A_289 {dim = 0 : i64, kind = #tpu.reduction_kind<sum>} : vector<16xi1> -> vector<16xi32>
      %add3A_381 = arith.addi %add3A_370, %all_reduce_population_count3A_380 : vector<16xi32>
      %jit3A_382 = arith.constant 1 : i32
      %jit3A_383 = arith.constant 0 : i32
      %broadcast_in_dim3A_384 = vector.broadcast %jit3A_382 : i32 to vector<16xi32>
      %broadcast_in_dim3A_385 = vector.broadcast %jit3A_383 : i32 to vector<16xi32>
      %select_n3A_386 = arith.select %gt3A_290, %broadcast_in_dim3A_384, %broadcast_in_dim3A_385 : vector<16xi1>, vector<16xi32>
      %broadcast_in_dim3A_387 = arith.constant true
      %broadcast_in_dim3A_388 = vector.broadcast %broadcast_in_dim3A_387 : i1 to vector<16xi1>
      %masked_cumsum3A_389 = tpu.scan <sum>, %select_n3A_386 masked %broadcast_in_dim3A_388 : vector<16xi32>, vector<16xi1> -> vector<16xi32>
      %add3A_390 = arith.addi %add3A_381, %masked_cumsum3A_389 : vector<16xi32>
      tpu.vector_store_idx %arg6[%add3A_390], %get3A_226 masked %gt3A_290 : memref<32832xf32, #tpu.memory_space<vmem>>[vector<16xi32>], vector<16xf32>, vector<16xi1>
      %all_reduce_population_count3A_391 = tpu.all_reduce %gt3A_290 {dim = 0 : i64, kind = #tpu.reduction_kind<sum>} : vector<16xi1> -> vector<16xi32>
      %add3A_392 = arith.addi %add3A_381, %all_reduce_population_count3A_391 : vector<16xi32>
      %jit3A_393 = arith.constant 1 : i32
      %jit3A_394 = arith.constant 0 : i32
      %broadcast_in_dim3A_395 = vector.broadcast %jit3A_393 : i32 to vector<16xi32>
      %broadcast_in_dim3A_396 = vector.broadcast %jit3A_394 : i32 to vector<16xi32>
      %select_n3A_397 = arith.select %gt3A_291, %broadcast_in_dim3A_395, %broadcast_in_dim3A_396 : vector<16xi1>, vector<16xi32>
      %broadcast_in_dim3A_398 = arith.constant true
      %broadcast_in_dim3A_399 = vector.broadcast %broadcast_in_dim3A_398 : i1 to vector<16xi1>
      %masked_cumsum3A_400 = tpu.scan <sum>, %select_n3A_397 masked %broadcast_in_dim3A_399 : vector<16xi32>, vector<16xi1> -> vector<16xi32>
      %add3A_401 = arith.addi %add3A_392, %masked_cumsum3A_400 : vector<16xi32>
      tpu.vector_store_idx %arg6[%add3A_401], %get3A_234 masked %gt3A_291 : memref<32832xf32, #tpu.memory_space<vmem>>[vector<16xi32>], vector<16xf32>, vector<16xi1>
      %all_reduce_population_count3A_402 = tpu.all_reduce %gt3A_291 {dim = 0 : i64, kind = #tpu.reduction_kind<sum>} : vector<16xi1> -> vector<16xi32>
      %add3A_403 = arith.addi %add3A_392, %all_reduce_population_count3A_402 : vector<16xi32>
      %jit3A_404 = arith.constant 1 : i32
      %jit3A_405 = arith.constant 0 : i32
      %broadcast_in_dim3A_406 = vector.broadcast %jit3A_404 : i32 to vector<16xi32>
      %broadcast_in_dim3A_407 = vector.broadcast %jit3A_405 : i32 to vector<16xi32>
      %select_n3A_408 = arith.select %gt3A_292, %broadcast_in_dim3A_406, %broadcast_in_dim3A_407 : vector<16xi1>, vector<16xi32>
      %broadcast_in_dim3A_409 = arith.constant true
      %broadcast_in_dim3A_410 = vector.broadcast %broadcast_in_dim3A_409 : i1 to vector<16xi1>
      %masked_cumsum3A_411 = tpu.scan <sum>, %select_n3A_408 masked %broadcast_in_dim3A_410 : vector<16xi32>, vector<16xi1> -> vector<16xi32>
      %add3A_412 = arith.addi %add3A_403, %masked_cumsum3A_411 : vector<16xi32>
      tpu.vector_store_idx %arg6[%add3A_412], %get3A_242 masked %gt3A_292 : memref<32832xf32, #tpu.memory_space<vmem>>[vector<16xi32>], vector<16xf32>, vector<16xi1>
      %all_reduce_population_count3A_413 = tpu.all_reduce %gt3A_292 {dim = 0 : i64, kind = #tpu.reduction_kind<sum>} : vector<16xi1> -> vector<16xi32>
      %add3A_414 = arith.addi %add3A_403, %all_reduce_population_count3A_413 : vector<16xi32>
      %jit3A_415 = arith.constant 1 : i32
      %jit3A_416 = arith.constant 0 : i32
      %broadcast_in_dim3A_417 = vector.broadcast %jit3A_415 : i32 to vector<16xi32>
      %broadcast_in_dim3A_418 = vector.broadcast %jit3A_416 : i32 to vector<16xi32>
      %select_n3A_419 = arith.select %gt3A_293, %broadcast_in_dim3A_417, %broadcast_in_dim3A_418 : vector<16xi1>, vector<16xi32>
      %broadcast_in_dim3A_420 = arith.constant true
      %broadcast_in_dim3A_421 = vector.broadcast %broadcast_in_dim3A_420 : i1 to vector<16xi1>
      %masked_cumsum3A_422 = tpu.scan <sum>, %select_n3A_419 masked %broadcast_in_dim3A_421 : vector<16xi32>, vector<16xi1> -> vector<16xi32>
      %add3A_423 = arith.addi %add3A_414, %masked_cumsum3A_422 : vector<16xi32>
      tpu.vector_store_idx %arg6[%add3A_423], %get3A_250 masked %gt3A_293 : memref<32832xf32, #tpu.memory_space<vmem>>[vector<16xi32>], vector<16xf32>, vector<16xi1>
      %all_reduce_population_count3A_424 = tpu.all_reduce %gt3A_293 {dim = 0 : i64, kind = #tpu.reduction_kind<sum>} : vector<16xi1> -> vector<16xi32>
      %add3A_425 = arith.addi %add3A_414, %all_reduce_population_count3A_424 : vector<16xi32>
      %jit3A_426 = arith.constant 1 : i32
      %jit3A_427 = arith.constant 0 : i32
      %broadcast_in_dim3A_428 = vector.broadcast %jit3A_426 : i32 to vector<16xi32>
      %broadcast_in_dim3A_429 = vector.broadcast %jit3A_427 : i32 to vector<16xi32>
      %select_n3A_430 = arith.select %gt3A_294, %broadcast_in_dim3A_428, %broadcast_in_dim3A_429 : vector<16xi1>, vector<16xi32>
      %broadcast_in_dim3A_431 = arith.constant true
      %broadcast_in_dim3A_432 = vector.broadcast %broadcast_in_dim3A_431 : i1 to vector<16xi1>
      %masked_cumsum3A_433 = tpu.scan <sum>, %select_n3A_430 masked %broadcast_in_dim3A_432 : vector<16xi32>, vector<16xi1> -> vector<16xi32>
      %add3A_434 = arith.addi %add3A_425, %masked_cumsum3A_433 : vector<16xi32>
      tpu.vector_store_idx %arg6[%add3A_434], %get3A_258 masked %gt3A_294 : memref<32832xf32, #tpu.memory_space<vmem>>[vector<16xi32>], vector<16xf32>, vector<16xi1>
      %all_reduce_population_count3A_435 = tpu.all_reduce %gt3A_294 {dim = 0 : i64, kind = #tpu.reduction_kind<sum>} : vector<16xi1> -> vector<16xi32>
      %add3A_436 = arith.addi %add3A_425, %all_reduce_population_count3A_435 : vector<16xi32>
      %jit3A_437 = arith.constant 1 : i32
      %jit3A_438 = arith.constant 0 : i32
      %broadcast_in_dim3A_439 = vector.broadcast %jit3A_437 : i32 to vector<16xi32>
      %broadcast_in_dim3A_440 = vector.broadcast %jit3A_438 : i32 to vector<16xi32>
      %select_n3A_441 = arith.select %gt3A_295, %broadcast_in_dim3A_439, %broadcast_in_dim3A_440 : vector<16xi1>, vector<16xi32>
      %broadcast_in_dim3A_442 = arith.constant true
      %broadcast_in_dim3A_443 = vector.broadcast %broadcast_in_dim3A_442 : i1 to vector<16xi1>
      %masked_cumsum3A_444 = tpu.scan <sum>, %select_n3A_441 masked %broadcast_in_dim3A_443 : vector<16xi32>, vector<16xi1> -> vector<16xi32>
      %add3A_445 = arith.addi %add3A_436, %masked_cumsum3A_444 : vector<16xi32>
      tpu.vector_store_idx %arg6[%add3A_445], %get3A_266 masked %gt3A_295 : memref<32832xf32, #tpu.memory_space<vmem>>[vector<16xi32>], vector<16xf32>, vector<16xi1>
      %all_reduce_population_count3A_446 = tpu.all_reduce %gt3A_295 {dim = 0 : i64, kind = #tpu.reduction_kind<sum>} : vector<16xi1> -> vector<16xi32>
      %add3A_447 = arith.addi %add3A_436, %all_reduce_population_count3A_446 : vector<16xi32>
      %jit3A_448 = arith.constant 1 : i32
      %jit3A_449 = arith.constant 0 : i32
      %broadcast_in_dim3A_450 = vector.broadcast %jit3A_448 : i32 to vector<16xi32>
      %broadcast_in_dim3A_451 = vector.broadcast %jit3A_449 : i32 to vector<16xi32>
      %select_n3A_452 = arith.select %gt3A_296, %broadcast_in_dim3A_450, %broadcast_in_dim3A_451 : vector<16xi1>, vector<16xi32>
      %broadcast_in_dim3A_453 = arith.constant true
      %broadcast_in_dim3A_454 = vector.broadcast %broadcast_in_dim3A_453 : i1 to vector<16xi1>
      %masked_cumsum3A_455 = tpu.scan <sum>, %select_n3A_452 masked %broadcast_in_dim3A_454 : vector<16xi32>, vector<16xi1> -> vector<16xi32>
      %add3A_456 = arith.addi %add3A_447, %masked_cumsum3A_455 : vector<16xi32>
      tpu.vector_store_idx %arg6[%add3A_456], %get3A_274 masked %gt3A_296 : memref<32832xf32, #tpu.memory_space<vmem>>[vector<16xi32>], vector<16xf32>, vector<16xi1>
      %all_reduce_population_count3A_457 = tpu.all_reduce %gt3A_296 {dim = 0 : i64, kind = #tpu.reduction_kind<sum>} : vector<16xi1> -> vector<16xi32>
      %add3A_458 = arith.addi %add3A_447, %all_reduce_population_count3A_457 : vector<16xi32>
      %jit3A_459 = arith.constant 1 : i32
      %jit3A_460 = arith.constant 0 : i32
      %broadcast_in_dim3A_461 = vector.broadcast %jit3A_459 : i32 to vector<16xi32>
      %broadcast_in_dim3A_462 = vector.broadcast %jit3A_460 : i32 to vector<16xi32>
      %select_n3A_463 = arith.select %gt3A_297, %broadcast_in_dim3A_461, %broadcast_in_dim3A_462 : vector<16xi1>, vector<16xi32>
      %broadcast_in_dim3A_464 = arith.constant true
      %broadcast_in_dim3A_465 = vector.broadcast %broadcast_in_dim3A_464 : i1 to vector<16xi1>
      %masked_cumsum3A_466 = tpu.scan <sum>, %select_n3A_463 masked %broadcast_in_dim3A_465 : vector<16xi32>, vector<16xi1> -> vector<16xi32>
      %add3A_467 = arith.addi %add3A_458, %masked_cumsum3A_466 : vector<16xi32>
      tpu.vector_store_idx %arg6[%add3A_467], %get3A_282 masked %gt3A_297 : memref<32832xf32, #tpu.memory_space<vmem>>[vector<16xi32>], vector<16xf32>, vector<16xi1>
      %all_reduce_population_count3A_468 = tpu.all_reduce %gt3A_297 {dim = 0 : i64, kind = #tpu.reduction_kind<sum>} : vector<16xi1> -> vector<16xi32>
      %add3A_469 = arith.addi %add3A_458, %all_reduce_population_count3A_468 : vector<16xi32>
      %max3A = arith.maximumf %get3A_162, %get3A_170 : vector<16xf32>
      %max3A_470 = arith.maximumf %get3A_178, %get3A_186 : vector<16xf32>
      %max3A_471 = arith.maximumf %get3A_194, %get3A_202 : vector<16xf32>
      %max3A_472 = arith.maximumf %get3A_210, %get3A_218 : vector<16xf32>
      %max3A_473 = arith.maximumf %get3A_226, %get3A_234 : vector<16xf32>
      %max3A_474 = arith.maximumf %get3A_242, %get3A_250 : vector<16xf32>
      %max3A_475 = arith.maximumf %get3A_258, %get3A_266 : vector<16xf32>
      %max3A_476 = arith.maximumf %get3A_274, %get3A_282 : vector<16xf32>
      %max3A_477 = arith.maximumf %max3A, %max3A_470 : vector<16xf32>
      %max3A_478 = arith.maximumf %max3A_471, %max3A_472 : vector<16xf32>
      %max3A_479 = arith.maximumf %max3A_473, %max3A_474 : vector<16xf32>
      %max3A_480 = arith.maximumf %max3A_475, %max3A_476 : vector<16xf32>
      %max3A_481 = arith.maximumf %max3A_477, %max3A_478 : vector<16xf32>
      %max3A_482 = arith.maximumf %max3A_479, %max3A_480 : vector<16xf32>
      %max3A_483 = arith.maximumf %max3A_481, %max3A_482 : vector<16xf32>
      %max3A_484 = arith.maximumf %scan3A_155, %max3A_483 : vector<16xf32>
      %sub3A_485 = arith.constant 1.000000e+00 : f32
      %sub3A_486 = vector.broadcast %sub3A_485 : f32 to vector<16xf32>
      %sub3A_487 = arith.subf %max3A_483, %sub3A_486 : vector<16xf32>
      %max3A_488 = arith.maximumf %scan3A_154, %sub3A_487 : vector<16xf32>
      scf.yield %add3A_469, %max3A_488, %max3A_484 : vector<16xi32>, vector<16xf32>, vector<16xf32>
    }
    %scan3A_90 = arith.constant 128 : i32
    %slice3A_91 = vector.extract_strided_slice %scan3A_89#0 {offsets = [0], sizes = [1], strides = [1]} : vector<16xi32> to vector<1xi32>
    %squeeze3A_92 = vector.extract %slice3A_91[0] : i32 from vector<1xi32>
    %add3A_93 = arith.constant 1 : i32
    %add3A_94 = arith.addi %squeeze3A_92, %add3A_93 : i32
    %broadcast_in_dim3A_95 = arith.constant -3.000000e+38 : f32
    %broadcast_in_dim3A_96 = vector.broadcast %broadcast_in_dim3A_95 : f32 to vector<16xf32>
    %add3A_97 = arith.constant 0 : i32
    %add3A_98 = arith.addi %add3A_94, %add3A_97 : i32
    %swap3A_99 = arith.index_cast %add3A_98 : i32 to index
    %swap3A_100 = tpu.vector_load %arg6[%swap3A_99] {strides = array<i32>} : memref<32832xf32, #tpu.memory_space<vmem>>, vector<16xf32>,
    tpu.vector_store %arg6[%swap3A_99], %broadcast_in_dim3A_96 {strides = array<i32>} : memref<32832xf32, #tpu.memory_space<vmem>>, vector<16xf32>,
    %add3A_101 = arith.constant 16 : i32
    %add3A_102 = arith.addi %add3A_94, %add3A_101 : i32
    %swap3A_103 = arith.index_cast %add3A_102 : i32 to index
    %swap3A_104 = tpu.vector_load %arg6[%swap3A_103] {strides = array<i32>} : memref<32832xf32, #tpu.memory_space<vmem>>, vector<16xf32>,
    tpu.vector_store %arg6[%swap3A_103], %broadcast_in_dim3A_96 {strides = array<i32>} : memref<32832xf32, #tpu.memory_space<vmem>>, vector<16xf32>,
    %add3A_105 = arith.constant 32 : i32
    %add3A_106 = arith.addi %add3A_94, %add3A_105 : i32
    %swap3A_107 = arith.index_cast %add3A_106 : i32 to index
    %swap3A_108 = tpu.vector_load %arg6[%swap3A_107] {strides = array<i32>} : memref<32832xf32, #tpu.memory_space<vmem>>, vector<16xf32>,
    tpu.vector_store %arg6[%swap3A_107], %broadcast_in_dim3A_96 {strides = array<i32>} : memref<32832xf32, #tpu.memory_space<vmem>>, vector<16xf32>,
    %add3A_109 = arith.constant 48 : i32
    %add3A_110 = arith.addi %add3A_94, %add3A_109 : i32
    %swap3A_111 = arith.index_cast %add3A_110 : i32 to index
    %swap3A_112 = tpu.vector_load %arg6[%swap3A_111] {strides = array<i32>} : memref<32832xf32, #tpu.memory_space<vmem>>, vector<16xf32>,
    tpu.vector_store %arg6[%swap3A_111], %broadcast_in_dim3A_96 {strides = array<i32>} : memref<32832xf32, #tpu.memory_space<vmem>>, vector<16xf32>,
    %add3A_113 = arith.constant 63 : i32
    %add3A_114 = arith.addi %add3A_94, %add3A_113 : i32
    %shift_right_arithmetic3A_115 = arith.constant 6 : i32
    %shift_right_arithmetic3A_116 = arith.shrsi %add3A_114, %shift_right_arithmetic3A_115 : i32
    %reduce_max3A_117 = arith.constant true
    %reduce_max3A_118 = vector.broadcast %reduce_max3A_117 : i1 to vector<16xi1>
    %reduce_max3A_119 = tpu.scan <max>, %scan3A_89#2 masked %reduce_max3A_118 : vector<16xf32>, vector<16xi1> -> vector<16xf32>
    %reduce_max3A_120 = vector.extract %reduce_max3A_119[15] : f32 from vector<16xf32>
    %broadcast_in_dim3A_121 = vector.broadcast %reduce_max3A_120 : f32 to vector<16xf32>
    %sub3A_122 = arith.constant 1.000000e+00 : f32
    %sub3A_123 = vector.broadcast %sub3A_122 : f32 to vector<16xf32>
    %sub3A_124 = arith.subf %broadcast_in_dim3A_121, %sub3A_123 : vector<16xf32>
    %broadcast_in_dim3A_125 = arith.constant -3.000000e+38 : f32
    %broadcast_in_dim3A_126 = vector.broadcast %broadcast_in_dim3A_125 : f32 to vector<16xf32>
    %while3A_127:2 = scf.while (%while3A_152 = %sub3A_124, %while3A_153 = %broadcast_in_dim3A_126) : (vector<16xf32>, vector<16xf32>) -> (vector<16xf32>, vector<16xf32>) {
      %gt3A = arith.cmpf ogt, %while3A_152, %while3A_153 : vector<16xf32>
      %reduce_and3A = arith.constant 1.000000e+00 : f32
      %reduce_and3A_154 = arith.constant 0.000000e+00 : f32
      %reduce_and3A_155 = vector.broadcast %reduce_and3A : f32 to vector<16xf32>
      %reduce_and3A_156 = vector.broadcast %reduce_and3A_154 : f32 to vector<16xf32>
      %reduce_and3A_157 = arith.select %gt3A, %reduce_and3A_155, %reduce_and3A_156 : vector<16xi1>, vector<16xf32>
      %reduce_and3A_158 = arith.constant true
      %reduce_and3A_159 = vector.broadcast %reduce_and3A_158 : i1 to vector<16xi1>
      %reduce_and3A_160 = tpu.scan <min>, %reduce_and3A_157 masked %reduce_and3A_159 : vector<16xf32>, vector<16xi1> -> vector<16xf32>
      %reduce_and3A_161 = vector.extract %reduce_and3A_160[15] : f32 from vector<16xf32>
      %reduce_and3A_162 = arith.constant 0.000000e+00 : f32
      %reduce_and3A_163 = arith.cmpf ogt, %reduce_and3A_161, %reduce_and3A_162 : f32
      scf.condition(%reduce_and3A_163) %while3A_152, %while3A_153 : vector<16xf32>, vector<16xf32>
    } do {
    ^bb0(%while3A_152: vector<16xf32>, %while3A_153: vector<16xf32>):
      %broadcast_in_dim3A_154 = arith.constant 0.000000e+00 : f32
      %broadcast_in_dim3A_155 = vector.broadcast %broadcast_in_dim3A_154 : f32 to vector<16xf32>
      %broadcast_in_dim3A_156 = arith.constant 0 : i32
      %broadcast_in_dim3A_157 = vector.broadcast %broadcast_in_dim3A_156 : i32 to vector<16xi32>
      %while3A_158 = arith.constant 0 : i32
      %while3A_159 = arith.subi %shift_right_arithmetic3A_116, %while3A_158 : i32
      %while3A_160 = arith.addi %while3A_158, %while3A_159 : i32
      %while3A_161 = arith.constant 1 : i32
      %while3A_162 = arith.divsi %while3A_159, %while3A_161 : i32
      %while3A_163 = arith.muli %while3A_162, %while3A_161 : i32
      %while3A_164 = arith.addi %while3A_158, %while3A_163 : i32
      %while3A_165 = arith.constant 1 : i32
      %while3A_166:2 = scf.for %while3A_177 = %while3A_158 to %while3A_164 step %while3A_165 iter_args(%while3A_178 = %broadcast_in_dim3A_155, %while3A_179 = %broadcast_in_dim3A_157) -> (vector<16xf32>, vector<16xi32>)  : i32 {
        %mul3A_180 = arith.constant 4 : i32
        %mul3A_181 = arith.muli %while3A_177, %mul3A_180 : i32
        %add3A_182 = arith.constant 0 : i32
        %add3A_183 = arith.addi %mul3A_181, %add3A_182 : i32
        %mul3A_184 = arith.constant 16 : i32
        %mul3A_185 = arith.muli %add3A_183, %mul3A_184 : i32
        %get3A = arith.index_cast %mul3A_185 : i32 to index
        %get3A_186 = tpu.vector_load %arg6[%get3A] {strides = array<i32>} : memref<32832xf32, #tpu.memory_space<vmem>>, vector<16xf32>,
        %sub3A_187 = arith.subf %get3A_186, %while3A_152 : vector<16xf32>
        %max3A = arith.constant 0.000000e+00 : f32
        %max3A_188 = vector.broadcast %max3A : f32 to vector<16xf32>
        %max3A_189 = arith.maximumf %sub3A_187, %max3A_188 : vector<16xf32>
        %add3A_190 = arith.addf %while3A_178, %max3A_189 : vector<16xf32>
        %gt3A_191 = arith.constant 0.000000e+00 : f32
        %gt3A_192 = vector.broadcast %gt3A_191 : f32 to vector<16xf32>
        %gt3A_193 = arith.cmpf ogt, %sub3A_187, %gt3A_192 : vector<16xf32>
        %all_reduce_population_count3A = tpu.all_reduce %gt3A_193 {dim = 0 : i64, kind = #tpu.reduction_kind<sum>} : vector<16xi1> -> vector<16xi32>
        %add3A_194 = arith.addi %while3A_179, %all_reduce_population_count3A : vector<16xi32>
        %mul3A_195 = arith.constant 4 : i32
        %mul3A_196 = arith.muli %while3A_177, %mul3A_195 : i32
        %add3A_197 = arith.constant 1 : i32
        %add3A_198 = arith.addi %mul3A_196, %add3A_197 : i32
        %mul3A_199 = arith.constant 16 : i32
        %mul3A_200 = arith.muli %add3A_198, %mul3A_199 : i32
        %get3A_201 = arith.index_cast %mul3A_200 : i32 to index
        %get3A_202 = tpu.vector_load %arg6[%get3A_201] {strides = array<i32>} : memref<32832xf32, #tpu.memory_space<vmem>>, vector<16xf32>,
        %sub3A_203 = arith.subf %get3A_202, %while3A_152 : vector<16xf32>
        %max3A_204 = arith.constant 0.000000e+00 : f32
        %max3A_205 = vector.broadcast %max3A_204 : f32 to vector<16xf32>
        %max3A_206 = arith.maximumf %sub3A_203, %max3A_205 : vector<16xf32>
        %add3A_207 = arith.addf %add3A_190, %max3A_206 : vector<16xf32>
        %gt3A_208 = arith.constant 0.000000e+00 : f32
        %gt3A_209 = vector.broadcast %gt3A_208 : f32 to vector<16xf32>
        %gt3A_210 = arith.cmpf ogt, %sub3A_203, %gt3A_209 : vector<16xf32>
        %all_reduce_population_count3A_211 = tpu.all_reduce %gt3A_210 {dim = 0 : i64, kind = #tpu.reduction_kind<sum>} : vector<16xi1> -> vector<16xi32>
        %add3A_212 = arith.addi %add3A_194, %all_reduce_population_count3A_211 : vector<16xi32>
        %mul3A_213 = arith.constant 4 : i32
        %mul3A_214 = arith.muli %while3A_177, %mul3A_213 : i32
        %add3A_215 = arith.constant 2 : i32
        %add3A_216 = arith.addi %mul3A_214, %add3A_215 : i32
        %mul3A_217 = arith.constant 16 : i32
        %mul3A_218 = arith.muli %add3A_216, %mul3A_217 : i32
        %get3A_219 = arith.index_cast %mul3A_218 : i32 to index
        %get3A_220 = tpu.vector_load %arg6[%get3A_219] {strides = array<i32>} : memref<32832xf32, #tpu.memory_space<vmem>>, vector<16xf32>,
        %sub3A_221 = arith.subf %get3A_220, %while3A_152 : vector<16xf32>
        %max3A_222 = arith.constant 0.000000e+00 : f32
        %max3A_223 = vector.broadcast %max3A_222 : f32 to vector<16xf32>
        %max3A_224 = arith.maximumf %sub3A_221, %max3A_223 : vector<16xf32>
        %add3A_225 = arith.addf %add3A_207, %max3A_224 : vector<16xf32>
        %gt3A_226 = arith.constant 0.000000e+00 : f32
        %gt3A_227 = vector.broadcast %gt3A_226 : f32 to vector<16xf32>
        %gt3A_228 = arith.cmpf ogt, %sub3A_221, %gt3A_227 : vector<16xf32>
        %all_reduce_population_count3A_229 = tpu.all_reduce %gt3A_228 {dim = 0 : i64, kind = #tpu.reduction_kind<sum>} : vector<16xi1> -> vector<16xi32>
        %add3A_230 = arith.addi %add3A_212, %all_reduce_population_count3A_229 : vector<16xi32>
        %mul3A_231 = arith.constant 4 : i32
        %mul3A_232 = arith.muli %while3A_177, %mul3A_231 : i32
        %add3A_233 = arith.constant 3 : i32
        %add3A_234 = arith.addi %mul3A_232, %add3A_233 : i32
        %mul3A_235 = arith.constant 16 : i32
        %mul3A_236 = arith.muli %add3A_234, %mul3A_235 : i32
        %get3A_237 = arith.index_cast %mul3A_236 : i32 to index
        %get3A_238 = tpu.vector_load %arg6[%get3A_237] {strides = array<i32>} : memref<32832xf32, #tpu.memory_space<vmem>>, vector<16xf32>,
        %sub3A_239 = arith.subf %get3A_238, %while3A_152 : vector<16xf32>
        %max3A_240 = arith.constant 0.000000e+00 : f32
        %max3A_241 = vector.broadcast %max3A_240 : f32 to vector<16xf32>
        %max3A_242 = arith.maximumf %sub3A_239, %max3A_241 : vector<16xf32>
        %add3A_243 = arith.addf %add3A_225, %max3A_242 : vector<16xf32>
        %gt3A_244 = arith.constant 0.000000e+00 : f32
        %gt3A_245 = vector.broadcast %gt3A_244 : f32 to vector<16xf32>
        %gt3A_246 = arith.cmpf ogt, %sub3A_239, %gt3A_245 : vector<16xf32>
        %all_reduce_population_count3A_247 = tpu.all_reduce %gt3A_246 {dim = 0 : i64, kind = #tpu.reduction_kind<sum>} : vector<16xi1> -> vector<16xi32>
        %add3A_248 = arith.addi %add3A_230, %all_reduce_population_count3A_247 : vector<16xi32>
        scf.yield %add3A_243, %add3A_248 : vector<16xf32>, vector<16xi32>
      }
      %while3A_167 = arith.constant 1 : i32
      %while3A_168:2 = scf.for %while3A_177 = %while3A_164 to %while3A_160 step %while3A_167 iter_args(%while3A_178 = %while3A_166#0, %while3A_179 = %while3A_166#1) -> (vector<16xf32>, vector<16xi32>)  : i32 {
        %mul3A_180 = arith.constant 4 : i32
        %mul3A_181 = arith.muli %while3A_177, %mul3A_180 : i32
        %add3A_182 = arith.constant 0 : i32
        %add3A_183 = arith.addi %mul3A_181, %add3A_182 : i32
        %mul3A_184 = arith.constant 16 : i32
        %mul3A_185 = arith.muli %add3A_183, %mul3A_184 : i32
        %get3A = arith.index_cast %mul3A_185 : i32 to index
        %get3A_186 = tpu.vector_load %arg6[%get3A] {strides = array<i32>} : memref<32832xf32, #tpu.memory_space<vmem>>, vector<16xf32>,
        %sub3A_187 = arith.subf %get3A_186, %while3A_152 : vector<16xf32>
        %max3A = arith.constant 0.000000e+00 : f32
        %max3A_188 = vector.broadcast %max3A : f32 to vector<16xf32>
        %max3A_189 = arith.maximumf %sub3A_187, %max3A_188 : vector<16xf32>
        %add3A_190 = arith.addf %while3A_178, %max3A_189 : vector<16xf32>
        %gt3A_191 = arith.constant 0.000000e+00 : f32
        %gt3A_192 = vector.broadcast %gt3A_191 : f32 to vector<16xf32>
        %gt3A_193 = arith.cmpf ogt, %sub3A_187, %gt3A_192 : vector<16xf32>
        %all_reduce_population_count3A = tpu.all_reduce %gt3A_193 {dim = 0 : i64, kind = #tpu.reduction_kind<sum>} : vector<16xi1> -> vector<16xi32>
        %add3A_194 = arith.addi %while3A_179, %all_reduce_population_count3A : vector<16xi32>
        %mul3A_195 = arith.constant 4 : i32
        %mul3A_196 = arith.muli %while3A_177, %mul3A_195 : i32
        %add3A_197 = arith.constant 1 : i32
        %add3A_198 = arith.addi %mul3A_196, %add3A_197 : i32
        %mul3A_199 = arith.constant 16 : i32
        %mul3A_200 = arith.muli %add3A_198, %mul3A_199 : i32
        %get3A_201 = arith.index_cast %mul3A_200 : i32 to index
        %get3A_202 = tpu.vector_load %arg6[%get3A_201] {strides = array<i32>} : memref<32832xf32, #tpu.memory_space<vmem>>, vector<16xf32>,
        %sub3A_203 = arith.subf %get3A_202, %while3A_152 : vector<16xf32>
        %max3A_204 = arith.constant 0.000000e+00 : f32
        %max3A_205 = vector.broadcast %max3A_204 : f32 to vector<16xf32>
        %max3A_206 = arith.maximumf %sub3A_203, %max3A_205 : vector<16xf32>
        %add3A_207 = arith.addf %add3A_190, %max3A_206 : vector<16xf32>
        %gt3A_208 = arith.constant 0.000000e+00 : f32
        %gt3A_209 = vector.broadcast %gt3A_208 : f32 to vector<16xf32>
        %gt3A_210 = arith.cmpf ogt, %sub3A_203, %gt3A_209 : vector<16xf32>
        %all_reduce_population_count3A_211 = tpu.all_reduce %gt3A_210 {dim = 0 : i64, kind = #tpu.reduction_kind<sum>} : vector<16xi1> -> vector<16xi32>
        %add3A_212 = arith.addi %add3A_194, %all_reduce_population_count3A_211 : vector<16xi32>
        %mul3A_213 = arith.constant 4 : i32
        %mul3A_214 = arith.muli %while3A_177, %mul3A_213 : i32
        %add3A_215 = arith.constant 2 : i32
        %add3A_216 = arith.addi %mul3A_214, %add3A_215 : i32
        %mul3A_217 = arith.constant 16 : i32
        %mul3A_218 = arith.muli %add3A_216, %mul3A_217 : i32
        %get3A_219 = arith.index_cast %mul3A_218 : i32 to index
        %get3A_220 = tpu.vector_load %arg6[%get3A_219] {strides = array<i32>} : memref<32832xf32, #tpu.memory_space<vmem>>, vector<16xf32>,
        %sub3A_221 = arith.subf %get3A_220, %while3A_152 : vector<16xf32>
        %max3A_222 = arith.constant 0.000000e+00 : f32
        %max3A_223 = vector.broadcast %max3A_222 : f32 to vector<16xf32>
        %max3A_224 = arith.maximumf %sub3A_221, %max3A_223 : vector<16xf32>
        %add3A_225 = arith.addf %add3A_207, %max3A_224 : vector<16xf32>
        %gt3A_226 = arith.constant 0.000000e+00 : f32
        %gt3A_227 = vector.broadcast %gt3A_226 : f32 to vector<16xf32>
        %gt3A_228 = arith.cmpf ogt, %sub3A_221, %gt3A_227 : vector<16xf32>
        %all_reduce_population_count3A_229 = tpu.all_reduce %gt3A_228 {dim = 0 : i64, kind = #tpu.reduction_kind<sum>} : vector<16xi1> -> vector<16xi32>
        %add3A_230 = arith.addi %add3A_212, %all_reduce_population_count3A_229 : vector<16xi32>
        %mul3A_231 = arith.constant 4 : i32
        %mul3A_232 = arith.muli %while3A_177, %mul3A_231 : i32
        %add3A_233 = arith.constant 3 : i32
        %add3A_234 = arith.addi %mul3A_232, %add3A_233 : i32
        %mul3A_235 = arith.constant 16 : i32
        %mul3A_236 = arith.muli %add3A_234, %mul3A_235 : i32
        %get3A_237 = arith.index_cast %mul3A_236 : i32 to index
        %get3A_238 = tpu.vector_load %arg6[%get3A_237] {strides = array<i32>} : memref<32832xf32, #tpu.memory_space<vmem>>, vector<16xf32>,
        %sub3A_239 = arith.subf %get3A_238, %while3A_152 : vector<16xf32>
        %max3A_240 = arith.constant 0.000000e+00 : f32
        %max3A_241 = vector.broadcast %max3A_240 : f32 to vector<16xf32>
        %max3A_242 = arith.maximumf %sub3A_239, %max3A_241 : vector<16xf32>
        %add3A_243 = arith.addf %add3A_225, %max3A_242 : vector<16xf32>
        %gt3A_244 = arith.constant 0.000000e+00 : f32
        %gt3A_245 = vector.broadcast %gt3A_244 : f32 to vector<16xf32>
        %gt3A_246 = arith.cmpf ogt, %sub3A_239, %gt3A_245 : vector<16xf32>
        %all_reduce_population_count3A_247 = tpu.all_reduce %gt3A_246 {dim = 0 : i64, kind = #tpu.reduction_kind<sum>} : vector<16xi1> -> vector<16xi32>
        %add3A_248 = arith.addi %add3A_230, %all_reduce_population_count3A_247 : vector<16xi32>
        scf.yield %add3A_243, %add3A_248 : vector<16xf32>, vector<16xi32>
      }
      %reduce_sum3A = arith.constant true
      %reduce_sum3A_169 = vector.broadcast %reduce_sum3A : i1 to vector<16xi1>
      %reduce_sum3A_170 = tpu.scan <sum>, %while3A_168#0 masked %reduce_sum3A_169 : vector<16xf32>, vector<16xi1> -> vector<16xf32>
      %reduce_sum3A_171 = vector.extract %reduce_sum3A_170[15] : f32 from vector<16xf32>
      %broadcast_in_dim3A_172 = vector.broadcast %reduce_sum3A_171 : f32 to vector<16xf32>
      %convert_element_type3A = arith.sitofp %while3A_168#1 : vector<16xi32> to vector<16xf32>
      %sub3A_173 = arith.constant 1.000000e+00 : f32
      %sub3A_174 = vector.broadcast %sub3A_173 : f32 to vector<16xf32>
      %sub3A_175 = arith.subf %broadcast_in_dim3A_172, %sub3A_174 : vector<16xf32>
      %div3A = arith.divf %sub3A_175, %convert_element_type3A : vector<16xf32>
      %add3A_176 = arith.addf %while3A_152, %div3A : vector<16xf32>
      %gt3A = arith.cmpf ogt, %add3A_176, %while3A_152 : vector<16xf32>
      %select_n3A = arith.select %gt3A, %add3A_176, %while3A_152 : vector<16xi1>, vector<16xf32>
      scf.yield %select_n3A, %while3A_152 : vector<16xf32>, vector<16xf32>
    }
    %scan3A_128 = arith.constant 0 : i32
    %scan3A_129 = arith.constant 0 : i32
    %scan3A_130 = arith.constant 128 : i32
    %scan3A_131 = arith.addi %scan3A_129, %scan3A_130 : i32
    %scan3A_132 = arith.constant 1 : i32
    scf.for %scan3A_152 = %scan3A_129 to %scan3A_131 step %scan3A_132  : i32 {
      %mul3A_153 = arith.constant 16 : i32
      %mul3A_154 = arith.muli %scan3A_152, %mul3A_153 : i32
      %add3A_155 = arith.constant 0 : i32
      %add3A_156 = arith.addi %mul3A_154, %add3A_155 : i32
      %mul3A_157 = arith.constant 16 : i32
      %mul3A_158 = arith.muli %add3A_156, %mul3A_157 : i32
      %get3A = arith.index_cast %mul3A_158 : i32 to index
      %get3A_159 = tpu.vector_load %arg5[%get3A] {strides = array<i32>} : memref<32768xf32, #tpu.memory_space<vmem>>, vector<16xf32>,
      %sub3A_160 = arith.subf %get3A_159, %while3A_127#0 : vector<16xf32>
      %max3A = arith.constant 0.000000e+00 : f32
      %max3A_161 = vector.broadcast %max3A : f32 to vector<16xf32>
      %max3A_162 = arith.maximumf %sub3A_160, %max3A_161 : vector<16xf32>
      %swap3A_163 = arith.index_cast %mul3A_158 : i32 to index
      %swap3A_164 = tpu.vector_load %arg5[%swap3A_163] {strides = array<i32>} : memref<32768xf32, #tpu.memory_space<vmem>>, vector<16xf32>,
      tpu.vector_store %arg5[%swap3A_163], %max3A_162 {strides = array<i32>} : memref<32768xf32, #tpu.memory_space<vmem>>, vector<16xf32>,
      %mul3A_165 = arith.constant 16 : i32
      %mul3A_166 = arith.muli %scan3A_152, %mul3A_165 : i32
      %add3A_167 = arith.constant 1 : i32
      %add3A_168 = arith.addi %mul3A_166, %add3A_167 : i32
      %mul3A_169 = arith.constant 16 : i32
      %mul3A_170 = arith.muli %add3A_168, %mul3A_169 : i32
      %get3A_171 = arith.index_cast %mul3A_170 : i32 to index
      %get3A_172 = tpu.vector_load %arg5[%get3A_171] {strides = array<i32>} : memref<32768xf32, #tpu.memory_space<vmem>>, vector<16xf32>,
      %sub3A_173 = arith.subf %get3A_172, %while3A_127#0 : vector<16xf32>
      %max3A_174 = arith.constant 0.000000e+00 : f32
      %max3A_175 = vector.broadcast %max3A_174 : f32 to vector<16xf32>
      %max3A_176 = arith.maximumf %sub3A_173, %max3A_175 : vector<16xf32>
      %swap3A_177 = arith.index_cast %mul3A_170 : i32 to index
      %swap3A_178 = tpu.vector_load %arg5[%swap3A_177] {strides = array<i32>} : memref<32768xf32, #tpu.memory_space<vmem>>, vector<16xf32>,
      tpu.vector_store %arg5[%swap3A_177], %max3A_176 {strides = array<i32>} : memref<32768xf32, #tpu.memory_space<vmem>>, vector<16xf32>,
      %mul3A_179 = arith.constant 16 : i32
      %mul3A_180 = arith.muli %scan3A_152, %mul3A_179 : i32
      %add3A_181 = arith.constant 2 : i32
      %add3A_182 = arith.addi %mul3A_180, %add3A_181 : i32
      %mul3A_183 = arith.constant 16 : i32
      %mul3A_184 = arith.muli %add3A_182, %mul3A_183 : i32
      %get3A_185 = arith.index_cast %mul3A_184 : i32 to index
      %get3A_186 = tpu.vector_load %arg5[%get3A_185] {strides = array<i32>} : memref<32768xf32, #tpu.memory_space<vmem>>, vector<16xf32>,
      %sub3A_187 = arith.subf %get3A_186, %while3A_127#0 : vector<16xf32>
      %max3A_188 = arith.constant 0.000000e+00 : f32
      %max3A_189 = vector.broadcast %max3A_188 : f32 to vector<16xf32>
      %max3A_190 = arith.maximumf %sub3A_187, %max3A_189 : vector<16xf32>
      %swap3A_191 = arith.index_cast %mul3A_184 : i32 to index
      %swap3A_192 = tpu.vector_load %arg5[%swap3A_191] {strides = array<i32>} : memref<32768xf32, #tpu.memory_space<vmem>>, vector<16xf32>,
      tpu.vector_store %arg5[%swap3A_191], %max3A_190 {strides = array<i32>} : memref<32768xf32, #tpu.memory_space<vmem>>, vector<16xf32>,
      %mul3A_193 = arith.constant 16 : i32
      %mul3A_194 = arith.muli %scan3A_152, %mul3A_193 : i32
      %add3A_195 = arith.constant 3 : i32
      %add3A_196 = arith.addi %mul3A_194, %add3A_195 : i32
      %mul3A_197 = arith.constant 16 : i32
      %mul3A_198 = arith.muli %add3A_196, %mul3A_197 : i32
      %get3A_199 = arith.index_cast %mul3A_198 : i32 to index
      %get3A_200 = tpu.vector_load %arg5[%get3A_199] {strides = array<i32>} : memref<32768xf32, #tpu.memory_space<vmem>>, vector<16xf32>,
      %sub3A_201 = arith.subf %get3A_200, %while3A_127#0 : vector<16xf32>
      %max3A_202 = arith.constant 0.000000e+00 : f32
      %max3A_203 = vector.broadcast %max3A_202 : f32 to vector<16xf32>
      %max3A_204 = arith.maximumf %sub3A_201, %max3A_203 : vector<16xf32>
      %swap3A_205 = arith.index_cast %mul3A_198 : i32 to index
      %swap3A_206 = tpu.vector_load %arg5[%swap3A_205] {strides = array<i32>} : memref<32768xf32, #tpu.memory_space<vmem>>, vector<16xf32>,
      tpu.vector_store %arg5[%swap3A_205], %max3A_204 {strides = array<i32>} : memref<32768xf32, #tpu.memory_space<vmem>>, vector<16xf32>,
      %mul3A_207 = arith.constant 16 : i32
      %mul3A_208 = arith.muli %scan3A_152, %mul3A_207 : i32
      %add3A_209 = arith.constant 4 : i32
      %add3A_210 = arith.addi %mul3A_208, %add3A_209 : i32
      %mul3A_211 = arith.constant 16 : i32
      %mul3A_212 = arith.muli %add3A_210, %mul3A_211 : i32
      %get3A_213 = arith.index_cast %mul3A_212 : i32 to index
      %get3A_214 = tpu.vector_load %arg5[%get3A_213] {strides = array<i32>} : memref<32768xf32, #tpu.memory_space<vmem>>, vector<16xf32>,
      %sub3A_215 = arith.subf %get3A_214, %while3A_127#0 : vector<16xf32>
      %max3A_216 = arith.constant 0.000000e+00 : f32
      %max3A_217 = vector.broadcast %max3A_216 : f32 to vector<16xf32>
      %max3A_218 = arith.maximumf %sub3A_215, %max3A_217 : vector<16xf32>
      %swap3A_219 = arith.index_cast %mul3A_212 : i32 to index
      %swap3A_220 = tpu.vector_load %arg5[%swap3A_219] {strides = array<i32>} : memref<32768xf32, #tpu.memory_space<vmem>>, vector<16xf32>,
      tpu.vector_store %arg5[%swap3A_219], %max3A_218 {strides = array<i32>} : memref<32768xf32, #tpu.memory_space<vmem>>, vector<16xf32>,
      %mul3A_221 = arith.constant 16 : i32
      %mul3A_222 = arith.muli %scan3A_152, %mul3A_221 : i32
      %add3A_223 = arith.constant 5 : i32
      %add3A_224 = arith.addi %mul3A_222, %add3A_223 : i32
      %mul3A_225 = arith.constant 16 : i32
      %mul3A_226 = arith.muli %add3A_224, %mul3A_225 : i32
      %get3A_227 = arith.index_cast %mul3A_226 : i32 to index
      %get3A_228 = tpu.vector_load %arg5[%get3A_227] {strides = array<i32>} : memref<32768xf32, #tpu.memory_space<vmem>>, vector<16xf32>,
      %sub3A_229 = arith.subf %get3A_228, %while3A_127#0 : vector<16xf32>
      %max3A_230 = arith.constant 0.000000e+00 : f32
      %max3A_231 = vector.broadcast %max3A_230 : f32 to vector<16xf32>
      %max3A_232 = arith.maximumf %sub3A_229, %max3A_231 : vector<16xf32>
      %swap3A_233 = arith.index_cast %mul3A_226 : i32 to index
      %swap3A_234 = tpu.vector_load %arg5[%swap3A_233] {strides = array<i32>} : memref<32768xf32, #tpu.memory_space<vmem>>, vector<16xf32>,
      tpu.vector_store %arg5[%swap3A_233], %max3A_232 {strides = array<i32>} : memref<32768xf32, #tpu.memory_space<vmem>>, vector<16xf32>,
      %mul3A_235 = arith.constant 16 : i32
      %mul3A_236 = arith.muli %scan3A_152, %mul3A_235 : i32
      %add3A_237 = arith.constant 6 : i32
      %add3A_238 = arith.addi %mul3A_236, %add3A_237 : i32
      %mul3A_239 = arith.constant 16 : i32
      %mul3A_240 = arith.muli %add3A_238, %mul3A_239 : i32
      %get3A_241 = arith.index_cast %mul3A_240 : i32 to index
      %get3A_242 = tpu.vector_load %arg5[%get3A_241] {strides = array<i32>} : memref<32768xf32, #tpu.memory_space<vmem>>, vector<16xf32>,
      %sub3A_243 = arith.subf %get3A_242, %while3A_127#0 : vector<16xf32>
      %max3A_244 = arith.constant 0.000000e+00 : f32
      %max3A_245 = vector.broadcast %max3A_244 : f32 to vector<16xf32>
      %max3A_246 = arith.maximumf %sub3A_243, %max3A_245 : vector<16xf32>
      %swap3A_247 = arith.index_cast %mul3A_240 : i32 to index
      %swap3A_248 = tpu.vector_load %arg5[%swap3A_247] {strides = array<i32>} : memref<32768xf32, #tpu.memory_space<vmem>>, vector<16xf32>,
      tpu.vector_store %arg5[%swap3A_247], %max3A_246 {strides = array<i32>} : memref<32768xf32, #tpu.memory_space<vmem>>, vector<16xf32>,
      %mul3A_249 = arith.constant 16 : i32
      %mul3A_250 = arith.muli %scan3A_152, %mul3A_249 : i32
      %add3A_251 = arith.constant 7 : i32
      %add3A_252 = arith.addi %mul3A_250, %add3A_251 : i32
      %mul3A_253 = arith.constant 16 : i32
      %mul3A_254 = arith.muli %add3A_252, %mul3A_253 : i32
      %get3A_255 = arith.index_cast %mul3A_254 : i32 to index
      %get3A_256 = tpu.vector_load %arg5[%get3A_255] {strides = array<i32>} : memref<32768xf32, #tpu.memory_space<vmem>>, vector<16xf32>,
      %sub3A_257 = arith.subf %get3A_256, %while3A_127#0 : vector<16xf32>
      %max3A_258 = arith.constant 0.000000e+00 : f32
      %max3A_259 = vector.broadcast %max3A_258 : f32 to vector<16xf32>
      %max3A_260 = arith.maximumf %sub3A_257, %max3A_259 : vector<16xf32>
      %swap3A_261 = arith.index_cast %mul3A_254 : i32 to index
      %swap3A_262 = tpu.vector_load %arg5[%swap3A_261] {strides = array<i32>} : memref<32768xf32, #tpu.memory_space<vmem>>, vector<16xf32>,
      tpu.vector_store %arg5[%swap3A_261], %max3A_260 {strides = array<i32>} : memref<32768xf32, #tpu.memory_space<vmem>>, vector<16xf32>,
      %mul3A_263 = arith.constant 16 : i32
      %mul3A_264 = arith.muli %scan3A_152, %mul3A_263 : i32
      %add3A_265 = arith.constant 8 : i32
      %add3A_266 = arith.addi %mul3A_264, %add3A_265 : i32
      %mul3A_267 = arith.constant 16 : i32
      %mul3A_268 = arith.muli %add3A_266, %mul3A_267 : i32
      %get3A_269 = arith.index_cast %mul3A_268 : i32 to index
      %get3A_270 = tpu.vector_load %arg5[%get3A_269] {strides = array<i32>} : memref<32768xf32, #tpu.memory_space<vmem>>, vector<16xf32>,
      %sub3A_271 = arith.subf %get3A_270, %while3A_127#0 : vector<16xf32>
      %max3A_272 = arith.constant 0.000000e+00 : f32
      %max3A_273 = vector.broadcast %max3A_272 : f32 to vector<16xf32>
      %max3A_274 = arith.maximumf %sub3A_271, %max3A_273 : vector<16xf32>
      %swap3A_275 = arith.index_cast %mul3A_268 : i32 to index
      %swap3A_276 = tpu.vector_load %arg5[%swap3A_275] {strides = array<i32>} : memref<32768xf32, #tpu.memory_space<vmem>>, vector<16xf32>,
      tpu.vector_store %arg5[%swap3A_275], %max3A_274 {strides = array<i32>} : memref<32768xf32, #tpu.memory_space<vmem>>, vector<16xf32>,
      %mul3A_277 = arith.constant 16 : i32
      %mul3A_278 = arith.muli %scan3A_152, %mul3A_277 : i32
      %add3A_279 = arith.constant 9 : i32
      %add3A_280 = arith.addi %mul3A_278, %add3A_279 : i32
      %mul3A_281 = arith.constant 16 : i32
      %mul3A_282 = arith.muli %add3A_280, %mul3A_281 : i32
      %get3A_283 = arith.index_cast %mul3A_282 : i32 to index
      %get3A_284 = tpu.vector_load %arg5[%get3A_283] {strides = array<i32>} : memref<32768xf32, #tpu.memory_space<vmem>>, vector<16xf32>,
      %sub3A_285 = arith.subf %get3A_284, %while3A_127#0 : vector<16xf32>
      %max3A_286 = arith.constant 0.000000e+00 : f32
      %max3A_287 = vector.broadcast %max3A_286 : f32 to vector<16xf32>
      %max3A_288 = arith.maximumf %sub3A_285, %max3A_287 : vector<16xf32>
      %swap3A_289 = arith.index_cast %mul3A_282 : i32 to index
      %swap3A_290 = tpu.vector_load %arg5[%swap3A_289] {strides = array<i32>} : memref<32768xf32, #tpu.memory_space<vmem>>, vector<16xf32>,
      tpu.vector_store %arg5[%swap3A_289], %max3A_288 {strides = array<i32>} : memref<32768xf32, #tpu.memory_space<vmem>>, vector<16xf32>,
      %mul3A_291 = arith.constant 16 : i32
      %mul3A_292 = arith.muli %scan3A_152, %mul3A_291 : i32
      %add3A_293 = arith.constant 10 : i32
      %add3A_294 = arith.addi %mul3A_292, %add3A_293 : i32
      %mul3A_295 = arith.constant 16 : i32
      %mul3A_296 = arith.muli %add3A_294, %mul3A_295 : i32
      %get3A_297 = arith.index_cast %mul3A_296 : i32 to index
      %get3A_298 = tpu.vector_load %arg5[%get3A_297] {strides = array<i32>} : memref<32768xf32, #tpu.memory_space<vmem>>, vector<16xf32>,
      %sub3A_299 = arith.subf %get3A_298, %while3A_127#0 : vector<16xf32>
      %max3A_300 = arith.constant 0.000000e+00 : f32
      %max3A_301 = vector.broadcast %max3A_300 : f32 to vector<16xf32>
      %max3A_302 = arith.maximumf %sub3A_299, %max3A_301 : vector<16xf32>
      %swap3A_303 = arith.index_cast %mul3A_296 : i32 to index
      %swap3A_304 = tpu.vector_load %arg5[%swap3A_303] {strides = array<i32>} : memref<32768xf32, #tpu.memory_space<vmem>>, vector<16xf32>,
      tpu.vector_store %arg5[%swap3A_303], %max3A_302 {strides = array<i32>} : memref<32768xf32, #tpu.memory_space<vmem>>, vector<16xf32>,
      %mul3A_305 = arith.constant 16 : i32
      %mul3A_306 = arith.muli %scan3A_152, %mul3A_305 : i32
      %add3A_307 = arith.constant 11 : i32
      %add3A_308 = arith.addi %mul3A_306, %add3A_307 : i32
      %mul3A_309 = arith.constant 16 : i32
      %mul3A_310 = arith.muli %add3A_308, %mul3A_309 : i32
      %get3A_311 = arith.index_cast %mul3A_310 : i32 to index
      %get3A_312 = tpu.vector_load %arg5[%get3A_311] {strides = array<i32>} : memref<32768xf32, #tpu.memory_space<vmem>>, vector<16xf32>,
      %sub3A_313 = arith.subf %get3A_312, %while3A_127#0 : vector<16xf32>
      %max3A_314 = arith.constant 0.000000e+00 : f32
      %max3A_315 = vector.broadcast %max3A_314 : f32 to vector<16xf32>
      %max3A_316 = arith.maximumf %sub3A_313, %max3A_315 : vector<16xf32>
      %swap3A_317 = arith.index_cast %mul3A_310 : i32 to index
      %swap3A_318 = tpu.vector_load %arg5[%swap3A_317] {strides = array<i32>} : memref<32768xf32, #tpu.memory_space<vmem>>, vector<16xf32>,
      tpu.vector_store %arg5[%swap3A_317], %max3A_316 {strides = array<i32>} : memref<32768xf32, #tpu.memory_space<vmem>>, vector<16xf32>,
      %mul3A_319 = arith.constant 16 : i32
      %mul3A_320 = arith.muli %scan3A_152, %mul3A_319 : i32
      %add3A_321 = arith.constant 12 : i32
      %add3A_322 = arith.addi %mul3A_320, %add3A_321 : i32
      %mul3A_323 = arith.constant 16 : i32
      %mul3A_324 = arith.muli %add3A_322, %mul3A_323 : i32
      %get3A_325 = arith.index_cast %mul3A_324 : i32 to index
      %get3A_326 = tpu.vector_load %arg5[%get3A_325] {strides = array<i32>} : memref<32768xf32, #tpu.memory_space<vmem>>, vector<16xf32>,
      %sub3A_327 = arith.subf %get3A_326, %while3A_127#0 : vector<16xf32>
      %max3A_328 = arith.constant 0.000000e+00 : f32
      %max3A_329 = vector.broadcast %max3A_328 : f32 to vector<16xf32>
      %max3A_330 = arith.maximumf %sub3A_327, %max3A_329 : vector<16xf32>
      %swap3A_331 = arith.index_cast %mul3A_324 : i32 to index
      %swap3A_332 = tpu.vector_load %arg5[%swap3A_331] {strides = array<i32>} : memref<32768xf32, #tpu.memory_space<vmem>>, vector<16xf32>,
      tpu.vector_store %arg5[%swap3A_331], %max3A_330 {strides = array<i32>} : memref<32768xf32, #tpu.memory_space<vmem>>, vector<16xf32>,
      %mul3A_333 = arith.constant 16 : i32
      %mul3A_334 = arith.muli %scan3A_152, %mul3A_333 : i32
      %add3A_335 = arith.constant 13 : i32
      %add3A_336 = arith.addi %mul3A_334, %add3A_335 : i32
      %mul3A_337 = arith.constant 16 : i32
      %mul3A_338 = arith.muli %add3A_336, %mul3A_337 : i32
      %get3A_339 = arith.index_cast %mul3A_338 : i32 to index
      %get3A_340 = tpu.vector_load %arg5[%get3A_339] {strides = array<i32>} : memref<32768xf32, #tpu.memory_space<vmem>>, vector<16xf32>,
      %sub3A_341 = arith.subf %get3A_340, %while3A_127#0 : vector<16xf32>
      %max3A_342 = arith.constant 0.000000e+00 : f32
      %max3A_343 = vector.broadcast %max3A_342 : f32 to vector<16xf32>
      %max3A_344 = arith.maximumf %sub3A_341, %max3A_343 : vector<16xf32>
      %swap3A_345 = arith.index_cast %mul3A_338 : i32 to index
      %swap3A_346 = tpu.vector_load %arg5[%swap3A_345] {strides = array<i32>} : memref<32768xf32, #tpu.memory_space<vmem>>, vector<16xf32>,
      tpu.vector_store %arg5[%swap3A_345], %max3A_344 {strides = array<i32>} : memref<32768xf32, #tpu.memory_space<vmem>>, vector<16xf32>,
      %mul3A_347 = arith.constant 16 : i32
      %mul3A_348 = arith.muli %scan3A_152, %mul3A_347 : i32
      %add3A_349 = arith.constant 14 : i32
      %add3A_350 = arith.addi %mul3A_348, %add3A_349 : i32
      %mul3A_351 = arith.constant 16 : i32
      %mul3A_352 = arith.muli %add3A_350, %mul3A_351 : i32
      %get3A_353 = arith.index_cast %mul3A_352 : i32 to index
      %get3A_354 = tpu.vector_load %arg5[%get3A_353] {strides = array<i32>} : memref<32768xf32, #tpu.memory_space<vmem>>, vector<16xf32>,
      %sub3A_355 = arith.subf %get3A_354, %while3A_127#0 : vector<16xf32>
      %max3A_356 = arith.constant 0.000000e+00 : f32
      %max3A_357 = vector.broadcast %max3A_356 : f32 to vector<16xf32>
      %max3A_358 = arith.maximumf %sub3A_355, %max3A_357 : vector<16xf32>
      %swap3A_359 = arith.index_cast %mul3A_352 : i32 to index
      %swap3A_360 = tpu.vector_load %arg5[%swap3A_359] {strides = array<i32>} : memref<32768xf32, #tpu.memory_space<vmem>>, vector<16xf32>,
      tpu.vector_store %arg5[%swap3A_359], %max3A_358 {strides = array<i32>} : memref<32768xf32, #tpu.memory_space<vmem>>, vector<16xf32>,
      %mul3A_361 = arith.constant 16 : i32
      %mul3A_362 = arith.muli %scan3A_152, %mul3A_361 : i32
      %add3A_363 = arith.constant 15 : i32
      %add3A_364 = arith.addi %mul3A_362, %add3A_363 : i32
      %mul3A_365 = arith.constant 16 : i32
      %mul3A_366 = arith.muli %add3A_364, %mul3A_365 : i32
      %get3A_367 = arith.index_cast %mul3A_366 : i32 to index
      %get3A_368 = tpu.vector_load %arg5[%get3A_367] {strides = array<i32>} : memref<32768xf32, #tpu.memory_space<vmem>>, vector<16xf32>,
      %sub3A_369 = arith.subf %get3A_368, %while3A_127#0 : vector<16xf32>
      %max3A_370 = arith.constant 0.000000e+00 : f32
      %max3A_371 = vector.broadcast %max3A_370 : f32 to vector<16xf32>
      %max3A_372 = arith.maximumf %sub3A_369, %max3A_371 : vector<16xf32>
      %swap3A_373 = arith.index_cast %mul3A_366 : i32 to index
      %swap3A_374 = tpu.vector_load %arg5[%swap3A_373] {strides = array<i32>} : memref<32768xf32, #tpu.memory_space<vmem>>, vector<16xf32>,
      tpu.vector_store %arg5[%swap3A_373], %max3A_372 {strides = array<i32>} : memref<32768xf32, #tpu.memory_space<vmem>>, vector<16xf32>,
    }
    %scan3A_133 = arith.constant 128 : i32
    %dma_start3A_134 = arith.constant 0 : i32
    %dma_start3A_135 = tpu.memref_slice %arg3[%add3A_4, %dma_start3A_134] : memref<64x32768xf32, #tpu.memory_space<hbm>> -> memref<1x32768xf32, #tpu.memory_space<hbm>>
    %dma_start3A_136 = tpu.memref_squeeze %dma_start3A_135 : memref<1x32768xf32, #tpu.memory_space<hbm>> -> memref<32768xf32, #tpu.memory_space<hbm>>
    %dma_start3A_137 = arith.constant 0 : i32
    %dma_start3A_138 = tpu.memref_slice %arg3[%add3A_4, %dma_start3A_137] : memref<64x32768xf32, #tpu.memory_space<hbm>> -> memref<1x32768xf32, #tpu.memory_space<hbm>>
    %dma_start3A_139 = tpu.memref_squeeze %dma_start3A_138 : memref<1x32768xf32, #tpu.memory_space<hbm>> -> memref<32768xf32, #tpu.memory_space<hbm>>
    tpu.enqueue_dma source(%arg5 : memref<32768xf32, #tpu.memory_space<vmem>>) target(%dma_start3A_139 : memref<32768xf32, #tpu.memory_space<hbm>>) target_semaphore(%arg10 : memref<!tpu.dma_semaphore, #tpu.memory_space<semaphore_mem>>)
    %dma_wait3A_140 = arith.constant 0 : i32
    %dma_wait3A_141 = tpu.memref_slice %arg3[%mul3A_2, %dma_wait3A_140] : memref<64x32768xf32, #tpu.memory_space<hbm>> -> memref<1x32768xf32, #tpu.memory_space<hbm>>
    %dma_wait3A_142 = tpu.memref_squeeze %dma_wait3A_141 : memref<1x32768xf32, #tpu.memory_space<hbm>> -> memref<32768xf32, #tpu.memory_space<hbm>>
    %dma_wait3A_143 = arith.constant 0 : i32
    %dma_wait3A_144 = tpu.memref_slice %arg3[%mul3A_2, %dma_wait3A_143] : memref<64x32768xf32, #tpu.memory_space<hbm>> -> memref<1x32768xf32, #tpu.memory_space<hbm>>
    %dma_wait3A_145 = tpu.memref_squeeze %dma_wait3A_144 : memref<1x32768xf32, #tpu.memory_space<hbm>> -> memref<32768xf32, #tpu.memory_space<hbm>>
    tpu.wait_dma2 semaphore(%arg9 : memref<!tpu.dma_semaphore, #tpu.memory_space<semaphore_mem>>) src(%arg4 : memref<32768xf32, #tpu.memory_space<vmem>>) dst(%dma_wait3A_145 : memref<32768xf32, #tpu.memory_space<hbm>>)
    %dma_wait3A_146 = arith.constant 0 : i32
    %dma_wait3A_147 = tpu.memref_slice %arg3[%add3A_4, %dma_wait3A_146] : memref<64x32768xf32, #tpu.memory_space<hbm>> -> memref<1x32768xf32, #tpu.memory_space<hbm>>
    %dma_wait3A_148 = tpu.memref_squeeze %dma_wait3A_147 : memref<1x32768xf32, #tpu.memory_space<hbm>> -> memref<32768xf32, #tpu.memory_space<hbm>>
    %dma_wait3A_149 = arith.constant 0 : i32
    %dma_wait3A_150 = tpu.memref_slice %arg3[%add3A_4, %dma_wait3A_149] : memref<64x32768xf32, #tpu.memory_space<hbm>> -> memref<1x32768xf32, #tpu.memory_space<hbm>>
    %dma_wait3A_151 = tpu.memref_squeeze %dma_wait3A_150 : memref<1x32768xf32, #tpu.memory_space<hbm>> -> memref<32768xf32, #tpu.memory_space<hbm>>
    tpu.wait_dma2 semaphore(%arg10 : memref<!tpu.dma_semaphore, #tpu.memory_space<semaphore_mem>>) src(%arg5 : memref<32768xf32, #tpu.memory_space<vmem>>) dst(%dma_wait3A_151 : memref<32768xf32, #tpu.memory_space<hbm>>)
    return
  }
}

</mosaic_0001>

<sc_bundles>
// kernel: kernel.3.cloned.1.call-start
scs
__scs_entry_jumppad:
0x0: {  	(pc) =	sbr.rel $0x88, $3  }
0x1: {  	(tag) =	ssettag $0x0;
	lr =	simm.s32 $0x1  }
0x2: {  	[smem:$0x3FA0] =	sst lr;
	_ =	strace $0xD0000000  }
0x3: {  	_ = 	snop  }
0x4: {  	_ = 	snop  }
0x5: {  	_ = 	snop  }
0x6: {  	_ = 	snop  }
0x7: {  	_ = 	snop  }
__scs_overlays_trampoline_lowered:
0x8: {  	[smem:$0x3FAF] =	sst s0  }
0x9: {  	[smem:$0x3FB0] =	sst s1  }
0xa: {  	[smem:$0x3FB1] =	sst s2  }
0xb: {  	[smem:$0x3FB2] =	sst s3  }
0xc: {  	[smem:$0x3FB3] =	sst s4  }
0xd: {  	[smem:$0x3FB4] =	sst s5  }
0xe: {  	[smem:$0x3FB5] =	sst s6  }
0xf: {  	[smem:$0x3FB6] =	sst s7  }
0x10: {  	[smem:$0x3FB7] =	sst s8  }
0x11: {  	[smem:$0x3FB8] =	sst s9;
	s0 =	simm.s32 @!p0 $0x0  }
0x12: {  	s1 =	sld [smem:$0x3F9E];
	s0 =	simm.s32 @p0 $0x1  }
0x13: {  	[smem:$0x3FB9] =	sst s0;
	s0 =	simm.s32 @!p1 $0x0  }
0x14: {  	s2 =	sld [smem:$0x3F9D];
	s0 =	simm.s32 @p1 $0x1  }
0x15: {  	[smem:$0x3FBA] =	sst s0;
	s0 =	simm.s32 @!p2 $0x0  }
0x16: {  	s3 =	sld [smem:$0x3FDB];
	s0 =	simm.s32 @p2 $0x1  }
0x17: {  	s4 =	simm.s32 $0x1BF5;
	[smem:$0x3FBC] =	sst s0  }
0x18: {  	s0 =	sld [smem:$0x3F9F];
	_ =	swait.ge [sflag:s4], $0x0  }
0x19: {  	s7 =	sld [smem:$0x3FA0]  }
0x1a: {  	s8 =	sadd.s32 $0xFFFFE003, lr  }
0x1b: {  	s9 =	sadd.s32 $0xFFFFFEF7, lr;
	s5 =	simm.s32 $0xFFFFFFFF;
	p2 =	slt.u32 s8, $0xFFFFF086  }
0x1c: {  	p1 =	slt.u32 s9, $0xF7A;
	s5 =	simm.s32 @!p2 $0x0  }
0x1d: {  	s5 =	simm.s32 @p1 $0x1;
	p0 =	seq.s32 s7, s2  }
0x1e: {  	s7 =	smul.u32 @!p0 $0xF7A, s2;
	p2 =	seq.s32 @!p0 s5, $0x0  }
0x1f: {  	s9 =	smul.u32 $0xF7A, s1;
	s8 =	simm.s32 @!p0 $0x1BF5;
	p2 =	por !p2, p0  }
0x20: {  	[sflag:s8] =	ssyncset.s32 @!p0 $0xFFFFF086;
	s6 =	sadd.s32 @!p0 s3, s7;
	s7 =	simm.s32 @!p0 $0x108  }
0x21: {  	s3 =	sadd.s32 s3, s9;
	s6 =	sadd.s32 @!p0 $0x88, s6;
	s7 =	simm.s32 @p2 $0x1082  }
0x22: {  	[simem:s7], [sflag:s8] =	dma.local @!p0 [hbm:s6], $0xF7A  }
0x23: {  	s9 =	sor.u32 $0xD0000000, s2;
	s6 =	simm.s32 $0x108;
	_ =	swait.ge @!p0 [sflag:s8], $0x0  }
0x24: {  	s3 =	sadd.s32 $0x88, s3;
	s6 =	simm.s32 @!p1 $0x1082;
	[sflag:s4] =	ssyncset.s32 $0xFFFFF086  }
0x25: {  	[simem:s6], [sflag:s4] =	dma.local [hbm:s3], $0xF7A  }
0x26: {  	[smem:$0x3FA0] =	sst s1;
	(tag) =	ssettag s2;
	_ =	strace s9  }
0x27: {  	s1 =	sld [smem:$0x3FB0]  }
0x28: {  	s2 =	sld [smem:$0x3FB1]  }
0x29: {  	s4 =	sld [smem:$0x3FB3]  }
0x2a: {  	p0 =	seq.s32 s5, $0x0;
	s5 =	sld [smem:$0x3FB4]  }
0x2b: {  	s6 =	sld [smem:$0x3FB5]  }
0x2c: {  	s7 =	sld [smem:$0x3FB6]  }
0x2d: {  	s3 =	simm.s32 $0x108;
	s8 =	sld [smem:$0x3FB7]  }
0x2e: {  	s3 =	simm.s32 @!p0 $0x1082;
	s9 =	sld [smem:$0x3FB8]  }
0x2f: {  	lr =	sadd.s32 s0, s3;
	s0 =	sld [smem:$0x3FAF]  }
0x30: {  	s3 =	sld [smem:$0x3FB2]  }
0x31: {  	[smem:$0x3FBB] =	sst s10  }
0x32: {  	s10 =	sld [smem:$0x3FB9];
	_ =	sdelay $0x3  }
0x33: {  	p0 =	seq.s32 s10, $0x1;
	s10 =	sld [smem:$0x3FBB];
	_ =	sdelay $0x3  }
0x34: {  	[smem:$0x3FBB] =	sst s10  }
0x35: {  	s10 =	sld [smem:$0x3FBA];
	_ =	sdelay $0x3  }
0x36: {  	p1 =	seq.s32 s10, $0x1;
	s10 =	sld [smem:$0x3FBB];
	_ =	sdelay $0x3  }
0x37: {  	[smem:$0x3FBB] =	sst s10  }
0x38: {  	s10 =	sld [smem:$0x3FBC]  }
0x39: {  	_ = 	snop;
	(pc) =	sbr.ind lr, $3  }
0x3a: {  	_ = 	snop  }
0x3b: {  	_ = 	snop  }
0x3c: {  	p2 =	seq.s32 s10, $0x1;
	s10 =	sld [smem:$0x3FBB]  }
0x3d: {  	_ =	shalt  }
0x3e: {  	_ =	shalt  }
0x3f: {  	_ =	shalt  }
0x40: {  	_ =	shalt  }
0x41: {  	_ =	shalt  }
0x42: {  	_ =	shalt  }
0x43: {  	_ =	shalt  }
0x44: {  	_ =	shalt  }
0x45: {  	_ =	shalt  }
0x46: {  	_ =	shalt  }
0x47: {  	_ =	shalt  }
0x48: {  	_ =	shalt  }
0x49: {  	_ =	shalt  }
0x4a: {  	_ =	shalt  }
0x4b: {  	_ =	shalt  }
0x4c: {  	_ =	shalt  }
0x4d: {  	_ =	shalt  }
0x4e: {  	_ =	shalt  }
0x4f: {  	_ =	shalt  }
0x50: {  	_ =	shalt  }
0x51: {  	_ =	shalt  }
0x52: {  	_ =	shalt  }
0x53: {  	_ =	shalt  }
0x54: {  	_ =	shalt  }
0x55: {  	_ =	shalt  }
0x56: {  	_ =	shalt  }
0x57: {  	_ =	shalt  }
0x58: {  	_ =	shalt  }
0x59: {  	_ =	shalt  }
0x5a: {  	_ =	shalt  }
0x5b: {  	_ =	shalt  }
0x5c: {  	_ =	shalt  }
0x5d: {  	_ =	shalt  }
0x5e: {  	_ =	shalt  }
0x5f: {  	_ =	shalt  }
0x60: {  	_ =	shalt  }
0x61: {  	_ =	shalt  }
0x62: {  	_ =	shalt  }
0x63: {  	_ =	shalt  }
0x64: {  	_ =	shalt  }
0x65: {  	_ =	shalt  }
0x66: {  	_ =	shalt  }
0x67: {  	_ =	shalt  }
0x68: {  	_ =	shalt  }
0x69: {  	_ =	shalt  }
0x6a: {  	_ =	shalt  }
0x6b: {  	_ =	shalt  }
0x6c: {  	_ =	shalt  }
0x6d: {  	_ =	shalt  }
0x6e: {  	_ =	shalt  }
0x6f: {  	_ =	shalt  }
0x70: {  	_ =	shalt  }
0x71: {  	_ =	shalt  }
0x72: {  	_ =	shalt  }
0x73: {  	_ =	shalt  }
0x74: {  	_ =	shalt  }
0x75: {  	_ =	shalt  }
0x76: {  	_ =	shalt  }
0x77: {  	_ =	shalt  }
0x78: {  	_ =	shalt  }
0x79: {  	_ =	shalt  }
0x7a: {  	_ =	shalt  }
0x7b: {  	_ =	shalt  }
0x7c: {  	_ =	shalt  }
0x7d: {  	_ =	shalt  }
0x7e: {  	_ =	shalt  }
0x7f: {  	_ =	shalt  }
0x80: {  	_ =	shalt  }
0x81: {  	_ =	shalt  }
0x82: {  	_ =	shalt  }
0x83: {  	_ =	shalt  }
0x84: {  	_ =	shalt  }
0x85: {  	_ =	shalt  }
0x86: {  	_ =	shalt  }
0x87: {  	_ =	shalt  }
.Lfunc_end0:
.L_simem_size_0:
called_computation_lowered:
.L_overlay_start_0:
0x88: {  	s2 =	sld [smem:$0x3FD9]  }
0x89: {  	s3 =	sld [smem:$0x3FFE];
	_ =	sdelay $0x1  }
0x8a: {  	s1 =	srdreg.scid  }
0x8b: {  	s0 =	sand.u32 $0x1, s1  }
0x8c: {  	s18 =	sshll.u32 s0, $0xA;
	s2 =	sadd.s32 s3, s2  }
0x8d: {  	s2 =	sadd.s32 s2, s18  }
0x8e: {  	[smem:$0x3FC7] =	sst s2  }
0x8f: {  	_ = 	snop  }
0x90: {  	s2 =	sld [smem:$0x3FC9]  }
0x91: {  	s19 =	sld [smem:$0x3FD0];
	(tm) =	ssettm $0x1  }
0x92: {  	s4 =	sld [smem:$0x3FFB];
	_ =	sdelay $0x3  }
0x93: {  	_ =	strace s4  }
0x94: {  	s4 =	sld [smem:$0x3FFC];
	_ =	sdelay $0x3  }
0x95: {  	_ =	strace s4  }
0x96: {  	s4 =	sld [smem:$0x3FFD];
	_ =	sdelay $0x3  }
0x97: {  	_ =	strace s4  }
0x98: {  	_ =	strace $0x8FFFFFFF  }
0x99: {  	s20 =	sld [smem:$0x3FDB];
	_ =	sdelay $0x1  }
0x9a: {  	s5 =	simm.s32 $_scs_section_size  }
0x9b: {  	s6 =	simm.s32 $_size__tile_overlayer_lowered;
	s7 =	simm.s32 $_tile_overlayer_lowered  }
0x9c: {  	s23 =	simm.s32 $0x1BFF;
	s22 =	sshll.u32 s7, $0x1;
	s4 =	sadd.s32 s5, s20  }
0x9d: {  	s8 =	simm.s32 $0x0;
	s21 =	sshll.u32 s6, $0x1;
	s6 =	sadd.s32 s22, s4  }
0x9e: {  	[timem:s8], [sflag:s23] =	dma.local [hbm:s6], s21  }
0x9f: {  	_ =	swait.ge [sflag:s23], s21  }
0xa0: {  	s5 =	ssub.s32 $0x0, s21;
	[sflag:s23] =	ssyncset.done $0x0  }
0xa1: {  	[sflag:s23] =	ssyncadd.s32 s5;
	_ =	sdelay $0x1  }
0xa2: {  	s24 =	simm.s32 $0x1B8B  }
0xa3: {  	_ =	swait.ge [sflag:s24], $0x1  }
0xa4: {  	[sflag:s24] =	ssyncset.done $0x0  }
0xa5: {  	s25 =	simm.s32 $0x1B8E;
	[sflag:s24] =	ssyncadd.s32 $0xFFFFFFFF  }
0xa6: {  	s26 =	simm.s32 $execute0_lowered;
	[smem:$0x3FD2] =	sst s25  }
0xa7: {  	s5 =	sshll.u32 s26, $0x1;
	_ =	strace $0x80000046;
	[dreg:$0x1] =	wrdreg $0xFFFFFFFF  }
0xa8: {  	s28 =	simm.s32 $_size_execute0_lowered;
	s4 =	sadd.s32 s4, s5;
	[dreg:$0x0] =	wrdreg $0x0  }
0xa9: {  	s5 =	sshll.u32 s28, $0x1;
	[dreg:$0x2] =	wrdreg s4  }
0xaa: {  	[dreg:$0x3] =	wrdreg s5  }
0xab: {  	[dreg:$0x4] =	wrdreg $0xC0  }
0xac: {  	_ =	task [dreg:s8], $0x5FFFF  }
0xad: {  	[dreg:$0x1] =	wrdreg $0xFFFFFFFF  }
0xae: {  	[dreg:$0x0] =	wrdreg $0x60  }
0xaf: {  	[dreg:$0x2] =	wrdreg s2  }
0xb0: {  	[dreg:$0x3] =	wrdreg s19  }
0xb1: {  	[dreg:$0x4] =	wrdreg $0x9  }
0xb2: {  	_ =	task.clear_ibuf [dreg:s8], $0x5FFFF;
	_ =	strace $0x90000046  }
0xb3: {  	s29 =	simm.s32 $0x9;
	_ =	strace $0x80000048  }
0xb4: {  	_ =	swait.ge [sflag:s29], $0x1  }
0xb5: {  	[sflag:s29] =	ssyncadd.s32 $0xFFFFFFFF  }
0xb6: {  	_ =	strace $0x90000048  }
0xb7: {  	_ =	sfence  }
0xb8: {  	s30 =	sld [smem:$0x0];
	_ =	sdelay $0x2  }
0xb9: {  	s31 =	sshll.u32 s1, $0xD;
	s1 =	sshrl.u32 s1, $0x2  }
0xba: {  	s3 =	sand.u32 $0x4000, s31;
	s1 =	sadd.s32 s1, s30  }
0xbb: {  	s0 =	sor.u32 s3, s0;
	s1 =	sshll.u32 s1, $0x11  }
0xbc: {  	s0 =	sor.u32 s1, s0  }
0xbd: {  	s0 =	sadd.s32 $0x8F2B, s0  }
0xbe: {  	[sflag:s0] =	ssyncadd.remote.s32 $0x1  }
0xbf: {  	_ =	sfence.sel $0xFFFF  }
0xc0: {  	[dreg:$0x0] =	wrdreg $0xFFFFFFFF;
	(pc) =	sbr.abs _section_cstart, $3  }
0xc1: {  	[dreg:$0x1] =	wrdreg $0xFFFFFFFF  }
0xc2: {  	_ =	task.clear_ibuf [dreg:s8], $0x2FFFF;
	_ =	strace $0x9FFFFFFF  }
0xc3: {  	(tm) =	ssettm $0x7FFFFFFF  }
tec
execute0_lowered:
.L_overlay_start_1:
0x0: {  	(tag) =	ssettag $0x1  }
0x1: {  	s4 =	rddreg [dreg:$0x0]  }
0x2: {  	s6 =	rddreg [dreg:$0x1]  }
0x3: {  	s2 =	srdreg.scid;
	s1 =	stileid.u32  }
0x4: {  	s0 =	rddreg [dreg:$0x2];
	s9 =	simm.s32 $0x400;
	s10 =	simm.s32 $0x8000  }
0x5: {  	s11 =	simm.s32 $0x1;
	s12 =	simm.s32 $0x10000;
	s13 =	simm.s32 $0x2  }
0x6: {  	s14 =	simm.s32 $0x3;
	s15 =	simm.s32 $0x4;
	s16 =	simm.s32 $0x0  }
0x7: {  	s3 =	sand.u32 $0x1, s2;
	s29 =	sshll.u32 s1, $0x6;
	s7 =	sshll.u32 s1, $0xE  }
0x8: {  	s2 =	simm.s32 $0x0;
	s5 =	sshll.u32 s3, $0x5;
	s8 =	sand.u32 $0x40, s29  }
0x9: {  	s7 =	sand.u32 $0x38000, s7;
	[smem:$0x7FF] =	sst s2;
	s3 =	ssub.s32 $0x2, s3  }
0xa: {  	s5 =	sor.u32 s5, s8;
	_ =	strace $0x80000047;
	s30 =	sshrl.u32 s3, $0x1  }
0xb: {  	s8 =	simm.s32 $0x80;
	s5 =	sor.u32 s7, s5;
	s7 =	ssub.s32 s3, s30  }
0xc: {  	s31 =	sor.u32 $0x10, s5;
	s3 =	sadd.s32 s4, s5;
	s5 =	sadd.s32 s6, s5  }
0xd: {  	v0 =	vimm.s32 $0x0;
	v1 =	vimm.f32 $-3.000000010e+38;
	v2 =	vimm.f32 $0.0e+00;
	s7 =	smax.u32 s7, $0x1;
	s4 =	sadd.s32 s4, s31;
	s6 =	sadd.s32 s6, s31  }
.LBB2_1:
0xe: {  	[tilespmem:s2], [sflag:$0x1] =	stream.strided.gather [hbm4b:s3+s8], $0x8000, s9, s8, $0x38;
	[tilespmem:$0x18080] =	vst v63  }
0xf: {  	_ = 	snop  }
0x10: {  	[tilespmem:s10], [sflag:$0x2] =	stream.strided.gather [hbm4b:s4+s8], $0x8000, s9, s8, $0x38;
	[tilespmem:$0x18080] =	vst v63  }
0x11: {  	_ =	swait.ge [sflag:s11], $0x8000  }
0x12: {  	[sflag:s11] =	ssyncset.done $0x0  }
0x13: {  	s17 =	simm.s32 $0x0;
	[sflag:s11] =	ssyncadd.s32 $0xFFFF8000  }
0x14: {  	v4 =	vld [tilespmem:s17+$0x80]  }
0x15: {  	v5 =	vld [tilespmem:s17+$0x70]  }
0x16: {  	v7 =	vld [tilespmem:s17+$0x60]  }
0x17: {  	v9 =	vld [tilespmem:s17+$0x50]  }
0x18: {  	v3 =	vld [tilespmem:s17+$0x40]  }
0x19: {  	v14 =	vld [tilespmem:s17+$0x30]  }
0x1a: {  	v18 =	vld [tilespmem:s17+$0x10]  }
0x1b: {  	v19 =	vld [tilespmem:s17+$0x0]  }
0x1c: {  	v25 =	vld [tilespmem:s17+$0x20]  }
0x1d: {  	v6 =	vld [tilespmem:s17+$0xB0]  }
0x1e: {  	v8 =	vld [tilespmem:s17+$0xA0]  }
0x1f: {  	v15 =	vimm.s32 $0xFFFFFFFF;
	v10 =	vmax.f32 v7, v5  }
0x20: {  	vm10 =	vgt.f32 v3, v1;
	v11 =	vmax.f32 v3, v9;
	vm0 =	vgt.f32 v9, v1  }
0x21: {  	vm11 =	vgt.f32 v14, v1;
	vm1 =	vgt.f32 v7, v1;
	vm13 =	vgt.f32 v18, v1  }
0x22: {  	vm2 =	vgt.f32 v5, v1;
	vm14 =	vgt.f32 v19, v1;
	vm12 =	vgt.f32 v25, v1  }
0x23: {  	vm3 =	vgt.f32 v4, v1;
	v24 =	vmax.f32 v8, v6;
	v29 =	vmax.f32 v25, v14  }
0x24: {  	vm6 =	vgt.f32 v8, v1;
	vm8 =	vgt.f32 v6, v1;
	v13 =	vsel vm10, $0x1, v0  }
0x25: {  	v17 =	vmax.f32 v11, v10;
	v10 =	vld [tilespmem:s17+$0x90];
	v11 =	vsel vm0, $0x1, v0;
	v16 =	vsel vm1, $0x1, v0  }
0x26: {  	v21 =	vmpcnt.ones.xlane vm1;
	v20 =	vsel vm2, $0x1, v0;
	v12 =	vsel vm14, $0x1, v0;
	(xrf0) =	vadd.scan.msk.s32 $0xffff, v11  }
0x27: {  	v22 =	vsel vm13, $0x1, v0;
	v26 =	vmpcnt.ones.xlane vm14;
	v27 =	vmpcnt.ones.xlane vm12;
	(xrf0) =	vadd.scan.msk.s32 $0xffff, v12  }
0x28: {  	v23 =	vsel vm12, $0x1, v0;
	v30 =	vmpcnt.ones.xlane vm2;
	v31 =	vmpcnt.ones.xlane vm0;
	v11 =	vld [tilespmem:s17+$0xD0];
	(xrf0) =	vadd.scan.msk.s32 $0xffff, v22  }
0x29: {  	v32 =	vmpcnt.ones.xlane vm3;
	v38 =	vsel vm6, $0x1, v0;
	v22 =	vsel vm11, $0x1, v0;
	(xrf0) =	vadd.scan.msk.s32 $0xffff, v23  }
0x2a: {  	v12 =	vld [tilespmem:s17+$0xC0];
	v26 =	vadd.s32 v15, v26;
	v23 =	vmax.f32 v19, v18;
	v28 =	vmax.f32 v4, v10;
	(xrf0) =	vadd.scan.msk.s32 $0xffff, v22  }
0x2b: {  	vm4 =	vgt.f32 v10, v1;
	v22 =	vmpcnt.ones.xlane vm10;
	(xrf0) =	vadd.scan.msk.s32 $0xffff, v13;
	v13 =	vmpcnt.ones.xlane vm13  }
0x2c: {  	v23 =	vmax.f32 v23, v29;
	v29 =	vmpcnt.ones.xlane vm11;
	v33 =	vsel vm4, $0x1, v0;
	v34, _, _ =	vpop (xrf0);
	(xrf0) =	vadd.scan.msk.s32 $0xffff, v16  }
0x2d: {  	vm5 =	vgt.f32 v11, v1;
	v16 =	vsel vm3, $0x1, v0;
	v35, _, _ =	vpop (xrf0);
	(xrf0) =	vadd.scan.msk.s32 $0xffff, v20;
	v20 =	vadd.s32 v26, v13;
	v13 =	vld [tilespmem:s17+$0xE0]  }
0x2e: {  	v17 =	vmax.f32 v23, v17;
	v37, _, _ =	vpop (xrf0);
	(xrf0) =	vadd.scan.msk.s32 $0xffff, v16;
	v16 =	vmax.f32 v28, v24;
	v28 =	vadd.s32 v15, v35  }
0x2f: {  	v36 =	vsel vm5, $0x1, v0;
	vm7 =	vgt.f32 v12, v1;
	v24, _, _ =	vpop (xrf0);
	(xrf0) =	vadd.scan.msk.s32 $0xffff, v33;
	v26 =	vadd.s32 v37, v26  }
0x30: {  	v62 =	vsel vm7, $0x1, v0;
	v23 =	vadd.s32 v20, v27;
	v15, _, _ =	vpop (xrf0);
	(xrf0) =	vadd.scan.msk.s32 $0xffff, v38;
	v59 =	vadd.s32 v24, v20  }
0x31: {  	v24 =	vadd.s32 v23, v29;
	v20, _, _ =	vpop (xrf0);
	v60 =	vadd.s32 v15, v23;
	v23 =	vsel vm8, $0x1, v0;
	(xrf0) =	vadd.scan.msk.s32 $0xffff, v36  }
0x32: {  	v15 =	vld [tilespmem:s17+$0xF0];
	v22 =	vadd.s32 v24, v22;
	v61 =	vadd.s32 v20, v24;
	v27, _, _ =	vpop (xrf0);
	(xrf0) =	vadd.scan.msk.s32 $0xffff, v23;
	vm9 =	vgt.f32 v13, v1  }
0x33: {  	v20 =	vadd.s32 v34, v22;
	v23 =	vmpcnt.ones.xlane vm4;
	v63, _, _ =	vpop (xrf0);
	[tilespmem:v28+s12+$0x0] =	vst.idx.msk vm14, v19;
	v19 =	vadd.s32 v22, v31  }
0x34: {  	v24 =	vmpcnt.ones.xlane vm6;
	v29 =	vsel vm9, $0x1, v0;
	v28, _, _ =	vpop (xrf0);
	[tilespmem:v26+s12+$0x0] =	vst.idx.msk vm13, v18;
	v18 =	vadd.s32 v19, v21  }
0x35: {  	(xrf0) =	vadd.scan.msk.s32 $0xffff, v62;
	v21 =	vadd.s32 v27, v19;
	v31, _, _ =	vpop (xrf0);
	v22 =	vadd.s32 v63, v18;
	v18 =	vadd.s32 v18, v30  }
0x36: {  	[tilespmem:v59+s12+$0x0] =	vst.idx.msk vm12, v25;
	v25 =	vmpcnt.ones.xlane vm5;
	v27, _, _ =	vpop (xrf0);
	v19 =	vadd.s32 v28, v18;
	v32 =	vadd.s32 v18, v32  }
0x37: {  	[tilespmem:v60+s12+$0x0] =	vst.idx.msk vm11, v14;
	v28 =	vmpcnt.ones.xlane vm8;
	vm11 =	vgt.f32 v15, v1;
	v14 =	vimm.f32 $-3.000000010e+38;
	v26, _, _ =	vpop (xrf0)  }
0x38: {  	s17 =	simm.s32 $0x400;
	v18 =	vadd.s32 v31, v32;
	[tilespmem:v61+s12+$0x0] =	vst.idx.msk vm10, v3;
	v31 =	vmpcnt.ones.xlane vm7;
	v3 =	vimm.f32 $-3.000000010e+38;
	v30, _, _ =	vpop (xrf0)  }
.LBB2_2:
0x39: {  	p0 =	sne.s32 s17, $0x1FC00;
	v33 =	vmax.f32 v12, v11;
	v34 =	vmax.f32 v13, v15;
	(xrf0) =	vadd.scan.msk.s32 $0xffff, v29;
	s18 =	smov.u32 s17;
	s17 =	sadd.s32 $0x400, s17  }
0x3a: {  	v35 =	vadd.s32 v32, v23;
	v29 =	vsel vm11, $0x1, v0;
	v32 =	vmax.f32 v33, v34  }
0x3b: {  	[tilespmem:v20+s12+$0x0] =	vst.idx.msk vm0, v9;
	v9 =	vadd.s32 v27, v35;
	v20 =	vadd.s32 v35, v24;
	v23, _, _ =	vpop (xrf0);
	(xrf0) =	vadd.scan.msk.s32 $0xffff, v29  }
0x3c: {  	[tilespmem:v21+s12+$0x0] =	vst.idx.msk vm1, v7;
	v7 =	vadd.s32 v30, v20;
	v20 =	vadd.s32 v20, v28  }
0x3d: {  	[tilespmem:v22+s12+$0x0] =	vst.idx.msk vm2, v5;
	v5 =	vadd.s32 v23, v20;
	v20 =	vadd.s32 v20, v31  }
0x3e: {  	v16 =	vmax.f32 v16, v32;
	[tilespmem:v19+s12+$0x0] =	vst.idx.msk vm3, v4;
	v4 =	vadd.s32 v26, v20;
	v19 =	vmpcnt.ones.xlane vm9  }
0x3f: {  	v16 =	vmax.f32 v17, v16;
	[tilespmem:v18+s12+$0x0] =	vst.idx.msk vm4, v10;
	v18 =	vadd.s32 v20, v25;
	v17, _, _ =	vpop (xrf0)  }
0x40: {  	v3 =	vmax.f32 v3, v16;
	[tilespmem:v9+s12+$0x0] =	vst.idx.msk vm6, v8;
	v8 =	vadd.s32 v17, v18;
	v9 =	vadd.f32 $-1.000000000e+00, v16  }
0x41: {  	[tilespmem:v7+s12+$0x0] =	vst.idx.msk vm8, v6;
	v6 =	vadd.s32 v18, v19;
	v7 =	vmpcnt.ones.xlane vm11;
	v10, _, _ =	vpop (xrf0)  }
0x42: {  	[tilespmem:v5+s12+$0x0] =	vst.idx.msk vm7, v12;
	v5 =	vadd.s32 v10, v6;
	v14 =	vmax.f32 v14, v9  }
0x43: {  	[tilespmem:v4+s12+$0x0] =	vst.idx.msk vm5, v11;
	v17 =	vadd.s32 v6, v7;
	_ =	sdelay $0x1  }
0x44: {  	[tilespmem:v8+s12+$0x0] =	vst.idx.msk vm9, v13;
	_ =	sdelay $0x1  }
0x45: {  	s18 =	sshra.s32 s18, $0x2;
	[tilespmem:v5+s12+$0x0] =	vst.idx.msk vm11, v15  }
0x46: {  	v4 =	vld [tilespmem:s18+$0x80]  }
0x47: {  	v5 =	vld [tilespmem:s18+$0x70]  }
0x48: {  	v7 =	vld [tilespmem:s18+$0x60]  }
0x49: {  	v9 =	vld [tilespmem:s18+$0x50]  }
0x4a: {  	v18 =	vld [tilespmem:s18+$0x40]  }
0x4b: {  	v19 =	vld [tilespmem:s18+$0x30]  }
0x4c: {  	v22 =	vld [tilespmem:s18+$0x20]  }
0x4d: {  	v21 =	vld [tilespmem:s18+$0x10];
	v10 =	vmax.f32 v7, v5  }
0x4e: {  	v24 =	vld [tilespmem:s18+$0x0]  }
0x4f: {  	v6 =	vld [tilespmem:s18+$0xB0];
	vm10 =	vgt.f32 v18, v14;
	v11 =	vmax.f32 v18, v9  }
0x50: {  	vm0 =	vgt.f32 v9, v14;
	v8 =	vld [tilespmem:s18+$0xA0];
	v13 =	vsel vm10, $0x1, v0;
	v15 =	vmax.f32 v11, v10  }
0x51: {  	vm1 =	vgt.f32 v7, v14;
	vm11 =	vgt.f32 v19, v14;
	v11 =	vsel vm0, $0x1, v0;
	v10 =	vld [tilespmem:s18+$0x90]  }
0x52: {  	vm2 =	vgt.f32 v5, v14;
	v16 =	vsel vm1, $0x1, v0;
	vm12 =	vgt.f32 v21, v14  }
0x53: {  	v20 =	vsel vm2, $0x1, v0;
	v25 =	vmpcnt.ones.xlane vm1;
	vm14 =	vgt.f32 v24, v14  }
0x54: {  	vm3 =	vgt.f32 v4, v14;
	vm13 =	vgt.f32 v22, v14;
	v12 =	vsel vm14, $0x1, v0;
	(xrf0) =	vadd.scan.msk.s32 $0xffff, v11  }
0x55: {  	v26 =	vsel vm13, $0x1, v0;
	v23 =	vsel vm12, $0x1, v0;
	v27 =	vmax.f32 v8, v6;
	(xrf0) =	vadd.scan.msk.s32 $0xffff, v12  }
0x56: {  	v29 =	vmpcnt.ones.xlane vm13;
	v28 =	vmpcnt.ones.xlane vm14;
	v11 =	vld [tilespmem:s18+$0xD0];
	v30 =	vmax.f32 v4, v10;
	(xrf0) =	vadd.scan.msk.s32 $0xffff, v23  }
0x57: {  	v31 =	vmpcnt.ones.xlane vm2;
	v32 =	vmax.f32 v22, v19;
	v23 =	vsel vm11, $0x1, v0;
	v12 =	vld [tilespmem:s18+$0xC0];
	(xrf0) =	vadd.scan.msk.s32 $0xffff, v26  }
0x58: {  	v33 =	vmax.f32 v24, v21;
	vm4 =	vgt.f32 v10, v14;
	v26 =	vmpcnt.ones.xlane vm0;
	(xrf0) =	vadd.scan.msk.s32 $0xffff, v23  }
0x59: {  	v34 =	vmpcnt.ones.xlane vm3;
	v32 =	vmax.f32 v33, v32;
	v23 =	vmpcnt.ones.xlane vm10;
	(xrf0) =	vadd.scan.msk.s32 $0xffff, v13  }
0x5a: {  	v33 =	vmpcnt.ones.xlane vm11;
	v35 =	vsel vm4, $0x1, v0;
	v13 =	vmpcnt.ones.xlane vm12;
	v36, _, _ =	vpop (xrf0);
	(xrf0) =	vadd.scan.msk.s32 $0xffff, v16  }
0x5b: {  	v28 =	vadd.s32 v17, v28;
	v16 =	vsel vm3, $0x1, v0;
	vm5 =	vgt.f32 v11, v14;
	v37, _, _ =	vpop (xrf0);
	(xrf0) =	vadd.scan.msk.s32 $0xffff, v20  }
0x5c: {  	vm6 =	vgt.f32 v8, v14;
	v20 =	vadd.s32 v28, v13;
	v38 =	vsel vm5, $0x1, v0;
	v39, _, _ =	vpop (xrf0);
	(xrf0) =	vadd.scan.msk.s32 $0xffff, v16  }
0x5d: {  	v40 =	vsel vm6, $0x1, v0;
	vm7 =	vgt.f32 v12, v14;
	v16 =	vmax.f32 v30, v27;
	v13 =	vld [tilespmem:s18+$0xE0];
	v27, _, _ =	vpop (xrf0);
	(xrf0) =	vadd.scan.msk.s32 $0xffff, v35  }
0x5e: {  	v30 =	vadd.s32 v17, v37;
	v17 =	vmax.f32 v32, v15;
	v28 =	vadd.s32 v39, v28;
	v15, _, _ =	vpop (xrf0);
	(xrf0) =	vadd.scan.msk.s32 $0xffff, v40  }
0x5f: {  	vm8 =	vgt.f32 v6, v14;
	v32 =	vadd.s32 v27, v20;
	v20 =	vadd.s32 v20, v29;
	v27, _, _ =	vpop (xrf0)  }
0x60: {  	v29 =	vsel vm8, $0x1, v0;
	v35 =	vadd.s32 v15, v20;
	v20 =	vadd.s32 v20, v33;
	v33, _, _ =	vpop (xrf0);
	(xrf0) =	vadd.scan.msk.s32 $0xffff, v38  }
0x61: {  	v37 =	vadd.s32 v27, v20;
	v27 =	vadd.s32 v20, v23;
	v38 =	vsel vm7, $0x1, v0;
	v15 =	vld [tilespmem:s18+$0xF0];
	v39, _, _ =	vpop (xrf0);
	(xrf0) =	vadd.scan.msk.s32 $0xffff, v29  }
0x62: {  	v23 =	vmpcnt.ones.xlane vm4;
	v20 =	vadd.s32 v36, v27;
	vm9 =	vgt.f32 v13, v14;
	v36, _, _ =	vpop (xrf0)  }
.Ltmp0:
0x63: {  	v26 =	vadd.s32 v27, v26;
	[tilespmem:v30+s12+$0x0] =	vst.idx.msk vm14, v24;
	v24 =	vmpcnt.ones.xlane vm6;
	v29 =	vsel vm9, $0x1, v0;
	v30, _, _ =	vpop (xrf0);
	(pc) =	sbr.rel @p0 .LBB2_2-.Ltmp0, $4  }
0x64: {  	v25 =	vadd.s32 v26, v25;
	[tilespmem:v28+s12+$0x0] =	vst.idx.msk vm12, v21;
	v21 =	vadd.s32 v33, v26;
	v27, _, _ =	vpop (xrf0);
	(xrf0) =	vadd.scan.msk.s32 $0xffff, v38  }
0x65: {  	v31 =	vadd.s32 v25, v31;
	[tilespmem:v32+s12+$0x0] =	vst.idx.msk vm13, v22;
	v22 =	vadd.s32 v39, v25;
	v25 =	vmpcnt.ones.xlane vm5  }
0x66: {  	v28 =	vmpcnt.ones.xlane vm8;
	v32 =	vadd.s32 v31, v34;
	[tilespmem:v35+s12+$0x0] =	vst.idx.msk vm11, v19;
	v19 =	vadd.s32 v36, v31;
	v26, _, _ =	vpop (xrf0)  }
0x67: {  	vm11 =	vgt.f32 v15, v14;
	v31 =	vmpcnt.ones.xlane vm7;
	[tilespmem:v37+s12+$0x0] =	vst.idx.msk vm10, v18;
	v18 =	vadd.s32 v30, v32;
	v30, _, _ =	vpop (xrf0)  }
0x68: {  	v14 =	vmax.f32 v12, v11;
	v33 =	vmax.f32 v13, v15  }
0x69: {  	v14 =	vmax.f32 v14, v33  }
0x6a: {  	v14 =	vmax.f32 v16, v14  }
0x6b: {  	(xrf0) =	vadd.scan.msk.s32 $0xffff, v29;
	v51 =	vsel vm11, $0x1, v0;
	v14 =	vmax.f32 v17, v14  }
0x6c: {  	(xrf0) =	vadd.scan.msk.s32 $0xffff, v51;
	v3 =	vmax.f32 v3, v14  }
0x6d: {  	(xrf0) =	vmax.scan.msk.f32 $0xffff, v3;
	_ =	sdelay $0x2  }
0x6e: {  	v52, _, _ =	vpop (xrf0)  }
0x6f: {  	v53, _, _ =	vpop (xrf0)  }
0x70: {  	v54, _, _ =	vpop (xrf0)  }
0x71: {  	v3, _, _ =	vpop (xrf0)  }
0x72: {  	v3 =	vadd.f32 $-1.000000000e+00, v3;
	_ =	sdelay $0x1  }
0x73: {  	v3 =	vbroadcast v3, $0xF;
	_ =	sdelay $0x1  }
0x74: {  	vm10 =	vgt.f32 v3, $-3.000000010e+38  }
0x75: {  	v23 =	vadd.s32 v32, v23;
	v55 =	vsel vm10, $0x3F800000, v2  }
0x76: {  	v24 =	vadd.s32 v23, v24;
	(xrf0) =	vmin.scan.msk.f32 $0xffff, v55  }
0x77: {  	v28 =	vadd.s32 v24, v28  }
0x78: {  	v57 =	vmpcnt.ones.xlane vm9;
	v56 =	vadd.s32 v28, v31  }
0x79: {  	v58 =	vmpcnt.ones.xlane vm11;
	v25 =	vadd.s32 v56, v25  }
0x7a: {  	v31 =	vadd.s32 v25, v57  }
0x7b: {  	v32 =	vadd.s32 v31, v58  }
0x7c: {  	(v2sf) =	vpush v32, $0x0;
	v59, _, _ =	vpop (xrf0)  }
0x7d: {  	(v2sf) =	vpush v59, $0xF;
	_ =	sdelay $0x6  }
0x7e: {  	[tilespmem:v20+s12+$0x0] =	vst.idx.msk vm0, v9;
	v60 =	vadd.s32 v27, v23  }
0x7f: {  	[tilespmem:v21+s12+$0x0] =	vst.idx.msk vm1, v7;
	v61 =	vadd.s32 v30, v24  }
0x80: {  	[tilespmem:v22+s12+$0x0] =	vst.idx.msk vm2, v5;
	v5 =	vadd.s32 v52, v28  }
0x81: {  	[tilespmem:v19+s12+$0x0] =	vst.idx.msk vm3, v4;
	v4 =	vadd.s32 v26, v56  }
0x82: {  	[tilespmem:v18+s12+$0x0] =	vst.idx.msk vm4, v10;
	v62 =	vadd.s32 v53, v25  }
0x83: {  	[tilespmem:v60+s12+$0x0] =	vst.idx.msk vm6, v8;
	v63 =	vadd.s32 v54, v31  }
0x84: {  	[tilespmem:v61+s12+$0x0] =	vst.idx.msk vm8, v6  }
0x85: {  	[tilespmem:v5+s12+$0x0] =	vst.idx.msk vm7, v12;
	s17 =	spop (v2sf)  }
0x86: {  	[tilespmem:v4+s12+$0x0] =	vst.idx.msk vm5, v11;
	s18 =	spop (v2sf)  }
0x87: {  	[tilespmem:v62+s12+$0x0] =	vst.idx.msk vm9, v13;
	p0 =	sgt.f32 s18, $0.0e+00  }
.Ltmp1:
0x88: {  	[tilespmem:v63+s12+$0x0] =	vst.idx.msk vm11, v15;
	(pc) =	sbr.rel @!p0 .LBB2_15-.Ltmp1, $4  }
0x89: {  	[tilespmem:s17+$0x10001] =	vst v1  }
0x8a: {  	[tilespmem:s17+$0x10011] =	vst v1  }
0x8b: {  	[tilespmem:s17+$0x10021] =	vst v1  }
0x8c: {  	[tilespmem:s17+$0x10031] =	vst v1  }
.Ltmp2:
0x8d: {  	(pc) =	sbr.rel .LBB2_5-.Ltmp2, $3  }
0x8e: {  	_ =	sdelay $0x1  }
0x8f: {  	s17 =	sadd.s32 $0x40, s17  }
0x90: {  	s17 =	sshra.s32 s17, $0x6  }
.LBB2_6:
0x91: {  	v5 =	vimm.f32 $0.0e+00  }
.LBB2_14:
0x92: {  	(xrf2) =	vadd.scan.msk.f32 $0xffff, v4;
	_ =	sdelay $0x4  }
0x93: {  	(erf) = vrcp.f32 v5;
	_ =	sdelay $0x4  }
0x94: {  	v4, _, _ =	vpop (xrf2)  }
0x95: {  	v4 =	vadd.f32 $-1.000000000e+00, v4;
	_ =	sdelay $0x1  }
0x96: {  	v4 =	vbroadcast v4, $0xF  }
0x97: {  	v5 =	vpop (erf)  }
0x98: {  	v4 =	vmul.f32 v4, v5;
	_ =	sdelay $0x1  }
0x99: {  	v4 =	vadd.f32 v4, v3;
	_ =	sdelay $0x1  }
0x9a: {  	vm0 =	vgt.f32 v4, v3  }
0x9b: {  	v5 =	vsel vm0, $0x3F800000, v2  }
0x9c: {  	(xrf0) =	vmin.scan.msk.f32 $0xffff, v5;
	_ =	sdelay $0x5  }
0x9d: {  	v5, _, _ =	vpop (xrf0)  }
0x9e: {  	(v2sf) =	vpush v5, $0xF;
	_ =	sdelay $0xe  }
0x9f: {  	s18 =	spop (v2sf)  }
0xa0: {  	p0 =	sgt.f32 s18, $0.0e+00  }
.Ltmp3:
0xa1: {  	_ = 	snop;
	(pc) =	sbr.rel @!p0 .LBB2_15-.Ltmp3, $2  }
0xa2: {  	_ =	sdelay $0x2  }
0xa3: {  	v3 =	vsel vm0, v4, v3  }
.LBB2_5:
0xa4: {  	p0 =	slt.s32 s17, $0x1  }
.Ltmp4:
0xa5: {  	_ = 	snop;
	(pc) =	sbr.rel @p0 .LBB2_6-.Ltmp4, $2  }
0xa6: {  	_ =	sdelay $0x2  }
0xa7: {  	v4 =	vimm.f32 $0.0e+00  }
0xa8: {  	p1 =	sne.s32 s17, $0x1  }
.Ltmp5:
0xa9: {  	_ = 	snop;
	(pc) =	sbr.rel @!p1 .LBB2_8-.Ltmp5, $4  }
0xaa: {  	_ = 	snop  }
0xab: {  	s18 =	simm.s32 $0x10020  }
0xac: {  	v10 =	vld [tilespmem:s18+$0x10]  }
0xad: {  	v5 =	vimm.s32 $0x0;
	s19 =	sadd.s32 $0xFFFFFFFF, s17;
	p0 =	por $0x0, $0x0;
	v6 =	vld [tilespmem:s18+$0xFFFFFFE0]  }
0xae: {  	v7 =	vld [tilespmem:s18+$0x0]  }
0xaf: {  	v9 =	vld [tilespmem:s18+$0xFFFFFFF0];
	_ =	sdelay $0x1  }
0xb0: {  	p1 =	sne.s32 s19, $0x1  }
.Ltmp6:
0xb1: {  	_ = 	snop;
	(pc) =	sbr.rel @!p1 .LBB2_10-.Ltmp6, $4  }
0xb2: {  	v11 =	vsub.f32 v6, v3  }
0xb3: {  	s18 =	simm.s32 $0x10060;
	v8 =	vsub.f32 v7, v3;
	v13 =	vsub.f32 v9, v3  }
0xb4: {  	v9 =	vld [tilespmem:s18+$0x10];
	v7 =	vsub.f32 v10, v3;
	v6 =	vmax.f32 v11, $0.0e+00;
	vm0 =	vgt.f32 v11, $0.0e+00  }
0xb5: {  	s19 =	sadd.s32 $0xFFFFFFFF, s19;
	p0 =	por $0x1, $0x1;
	v11 =	vimm.s32 $0x0;
	v14 =	vadd.f32 v6, v4;
	v6 =	vld [tilespmem:s18+$0xFFFFFFE0];
	v12 =	vmax.f32 v8, $0.0e+00  }
.LBB2_11:
0xb6: {  	p1 =	sne.s32 s19, $0x1;
	v10 =	vld [tilespmem:s18+$0x0];
	v15 =	vmpcnt.ones.xlane vm0;
	v16 =	vmax.f32 v13, $0.0e+00;
	vm0 =	vgt.f32 v13, $0.0e+00  }
0xb7: {  	v13 =	vld [tilespmem:s18+$0xFFFFFFF0];
	v14 =	vadd.f32 v16, v14;
	v16 =	vmpcnt.ones.xlane vm0;
	vm0 =	vgt.f32 v8, $0.0e+00  }
0xb8: {  	v8 =	vadd.s32 v11, v15;
	v11 =	vmpcnt.ones.xlane vm0;
	vm0 =	vgt.f32 v7, $0.0e+00  }
.Ltmp7:
0xb9: {  	v8 =	vadd.s32 v16, v8;
	v12 =	vadd.f32 v12, v14;
	v14 =	vmpcnt.ones.xlane vm0;
	(pc) =	sbr.rel @p1 .LBB2_11-.Ltmp7, $4  }
0xba: {  	v7 =	vmax.f32 v7, $0.0e+00;
	v15 =	vsub.f32 v6, v3;
	v6 =	vadd.s32 v11, v8  }
0xbb: {  	s18 =	sadd.s32 $0x40, s18;
	v8 =	vsub.f32 v10, v3;
	v10 =	vadd.f32 v7, v12;
	v11 =	vadd.s32 v14, v6  }
0xbc: {  	v7 =	vsub.f32 v9, v3;
	v12 =	vmax.f32 v15, $0.0e+00;
	v13 =	vsub.f32 v13, v3;
	v9 =	vld [tilespmem:s18+$0x10]  }
0xbd: {  	s19 =	sadd.s32 $0xFFFFFFFF, s19;
	vm0 =	vgt.f32 v15, $0.0e+00;
	v6 =	vld [tilespmem:s18+$0xFFFFFFE0];
	v14 =	vadd.f32 v12, v10;
	v12 =	vmax.f32 v8, $0.0e+00  }
0xbe: {  	_ =	sdelay $0x2  }
0xbf: {  	v10 =	vmov v9  }
.LBB2_13:
0xc0: {  	v9 =	vmpcnt.ones.xlane @p0 vm0;
	v15 =	vmax.f32 @p0 v13, $0.0e+00  }
0xc1: {  	vm0 =	vgt.f32 @p0 v13, $0.0e+00;
	v6 =	vsub.f32 v6, v3;
	v14 =	vadd.f32 @p0 v15, v14  }
0xc2: {  	v60 =	vld [tilespmem:s18+$0xFFFFFFF0];
	v10 =	vsub.f32 v10, v3;
	v15 =	vmpcnt.ones.xlane @p0 vm0;
	vm0 =	vgt.f32 @p0 v8, $0.0e+00  }
0xc3: {  	v59 =	vld [tilespmem:s18+$0x0];
	v9 =	vadd.s32 @p0 v11, v9;
	v11 =	vmpcnt.ones.xlane @p0 vm0;
	v12 =	vadd.f32 @p0 v12, v14  }
0xc4: {  	vm0 =	vgt.f32 @p0 v7, $0.0e+00;
	v7 =	vmax.f32 @p0 v7, $0.0e+00;
	v62 =	vmax.f32 v6, $0.0e+00  }
0xc5: {  	vm12 =	vgt.f32 v6, $0.0e+00;
	vm15 =	vgt.f32 v10, $0.0e+00;
	v7 =	vadd.f32 @p0 v7, v12  }
0xc6: {  	v9 =	vadd.s32 @p0 v15, v9;
	v14 =	vmpcnt.ones.xlane @p0 vm0;
	v6 =	vmpcnt.ones.xlane vm12  }
0xc7: {  	v9 =	vadd.s32 @p0 v11, v9;
	v8 =	vsub.f32 v60, v3;
	v4 =	vpsel p0, v7, v4  }
0xc8: {  	v61 =	vsub.f32 v59, v3;
	v9 =	vadd.s32 @p0 v14, v9;
	v4 =	vadd.f32 v62, v4  }
0xc9: {  	v5 =	vpsel p0, v9, v5;
	v7 =	vmax.f32 v8, $0.0e+00;
	vm13 =	vgt.f32 v8, $0.0e+00  }
0xca: {  	vm14 =	vgt.f32 v61, $0.0e+00;
	v4 =	vadd.f32 v7, v4;
	v7 =	vmpcnt.ones.xlane vm13  }
.Ltmp8:
0xcb: {  	v5 =	vadd.s32 v5, v6;
	v63 =	vmax.f32 v61, $0.0e+00;
	v6 =	vmpcnt.ones.xlane vm14;
	(pc) =	sbr.rel .LBB2_14-.Ltmp8, $4  }
0xcc: {  	v5 =	vadd.s32 v7, v5;
	v7 =	vmpcnt.ones.xlane vm15;
	v4 =	vadd.f32 v63, v4  }
0xcd: {  	v5 =	vadd.s32 v6, v5;
	v6 =	vmax.f32 v10, $0.0e+00  }
0xce: {  	v5 =	vadd.s32 v7, v5;
	v4 =	vadd.f32 v6, v4  }
0xcf: {  	v5 =	vcvt.s32.f32 v5  }
.LBB2_8:
.Ltmp9:
0xd0: {  	(pc) =	sbr.rel .LBB2_13-.Ltmp9, $2  }
0xd1: {  	_ =	sdelay $0x2  }
0xd2: {  	v11 =	vimm.s32 $0x0  }
.LBB2_10:
.Ltmp10:
0xd3: {  	(pc) =	sbr.rel .LBB2_13-.Ltmp10, $2  }
0xd4: {  	_ =	sdelay $0x2  }
0xd5: {  	v11 =	vimm.s32 $0x0;
	v10 =	vmov v9  }
.LBB2_15:
0xd6: {  	s17 =	simm.s32 $0x0  }
0xd7: {  	v4 =	vld [tilespmem:s17+$0x0]  }
0xd8: {  	v5 =	vld [tilespmem:s17+$0x10];
	_ =	sdelay $0x1  }
0xd9: {  	v6 =	vld [tilespmem:s17+$0x20]  }
0xda: {  	v7 =	vld [tilespmem:s17+$0x30]  }
0xdb: {  	v4 =	vsub.f32 v4, v3  }
0xdc: {  	v8 =	vld [tilespmem:s17+$0x40];
	v5 =	vsub.f32 v5, v3  }
0xdd: {  	v9 =	vld [tilespmem:s17+$0x50];
	v4 =	vmax.f32 v4, $0.0e+00  }
0xde: {  	v5 =	vmax.f32 v5, $0.0e+00;
	[tilespmem:s17+$0x0] =	vst v4;
	v4 =	vsub.f32 v6, v3  }
0xdf: {  	v10 =	vld [tilespmem:s17+$0x60];
	[tilespmem:s17+$0x10] =	vst v5;
	v5 =	vsub.f32 v7, v3  }
0xe0: {  	v11 =	vld [tilespmem:s17+$0x70];
	v4 =	vmax.f32 v4, $0.0e+00  }
0xe1: {  	v12 =	vld [tilespmem:s17+$0x80];
	v6 =	vmax.f32 v5, $0.0e+00;
	[tilespmem:s17+$0x20] =	vst v4;
	v4 =	vsub.f32 v8, v3  }
0xe2: {  	v13 =	vld [tilespmem:s17+$0x90];
	[tilespmem:s17+$0x30] =	vst v6;
	v6 =	vsub.f32 v9, v3  }
0xe3: {  	v5 =	vld [tilespmem:s17+$0xA0];
	v7 =	vmax.f32 v4, $0.0e+00  }
0xe4: {  	v4 =	vld [tilespmem:s17+$0xB0];
	v8 =	vmax.f32 v6, $0.0e+00;
	[tilespmem:s17+$0x40] =	vst v7;
	v7 =	vsub.f32 v10, v3  }
0xe5: {  	v6 =	vld [tilespmem:s17+$0xC0];
	[tilespmem:s17+$0x50] =	vst v8;
	v8 =	vsub.f32 v11, v3  }
0xe6: {  	v10 =	vsub.f32 v12, v3;
	v9 =	vmax.f32 v7, $0.0e+00;
	v7 =	vld [tilespmem:s17+$0xD0]  }
0xe7: {  	s18 =	simm.s32 $0x400;
	v11 =	vmax.f32 v8, $0.0e+00;
	v8 =	vld [tilespmem:s17+$0xE0];
	[tilespmem:s17+$0x60] =	vst v9;
	v9 =	vsub.f32 v13, v3  }
.LBB2_16:
0xe8: {  	s19 =	sshra.s32 s18, $0x2;
	p0 =	sne.s32 s18, $0x1FC00;
	[tilespmem:s17+$0x70] =	vst v11;
	v10 =	vmax.f32 v10, $0.0e+00;
	v5 =	vsub.f32 v5, v3;
	v11 =	vld [tilespmem:s17+$0xF0]  }
0xe9: {  	v12 =	vld [tilespmem:s19+$0x0];
	[tilespmem:s17+$0x80] =	vst v10;
	v9 =	vmax.f32 v9, $0.0e+00;
	v4 =	vsub.f32 v4, v3  }
0xea: {  	v10 =	vld [tilespmem:s19+$0x10];
	[tilespmem:s17+$0x90] =	vst v9;
	v5 =	vmax.f32 v5, $0.0e+00;
	v6 =	vsub.f32 v6, v3  }
0xeb: {  	v9 =	vld [tilespmem:s19+$0x20];
	[tilespmem:s17+$0xA0] =	vst v5;
	v4 =	vmax.f32 v4, $0.0e+00;
	v5 =	vsub.f32 v7, v3  }
0xec: {  	v7 =	vld [tilespmem:s19+$0x30];
	[tilespmem:s17+$0xB0] =	vst v4;
	v4 =	vmax.f32 v6, $0.0e+00;
	v6 =	vsub.f32 v8, v3  }
0xed: {  	v8 =	vld [tilespmem:s19+$0x40];
	[tilespmem:s17+$0xC0] =	vst v4;
	v4 =	vmax.f32 v5, $0.0e+00;
	v5 =	vsub.f32 v11, v3  }
0xee: {  	v11 =	vsub.f32 v12, v3;
	v12 =	vld [tilespmem:s19+$0x50];
	[tilespmem:s17+$0xD0] =	vst v4;
	v4 =	vmax.f32 v6, $0.0e+00  }
0xef: {  	v6 =	vsub.f32 v10, v3;
	v10 =	vld [tilespmem:s19+$0x60];
	[tilespmem:s17+$0xE0] =	vst v4;
	v4 =	vmax.f32 v5, $0.0e+00  }
0xf0: {  	v5 =	vmax.f32 v11, $0.0e+00;
	v9 =	vsub.f32 v9, v3;
	v11 =	vld [tilespmem:s19+$0x70];
	[tilespmem:s17+$0xF0] =	vst v4;
	s17 =	smov.u32 s19  }
0xf1: {  	[tilespmem:s17+$0x0] =	vst v5;
	v4 =	vmax.f32 v6, $0.0e+00;
	v5 =	vsub.f32 v7, v3;
	v7 =	vld [tilespmem:s17+$0x80]  }
0xf2: {  	[tilespmem:s17+$0x10] =	vst v4;
	v4 =	vmax.f32 v9, $0.0e+00;
	v6 =	vsub.f32 v8, v3;
	v8 =	vld [tilespmem:s17+$0x90]  }
.Ltmp11:
0xf3: {  	[tilespmem:s17+$0x20] =	vst v4;
	v4 =	vmax.f32 v5, $0.0e+00;
	v9 =	vsub.f32 v12, v3;
	v5 =	vld [tilespmem:s17+$0xA0];
	(pc) =	sbr.rel @p0 .LBB2_16-.Ltmp11, $4  }
0xf4: {  	[tilespmem:s17+$0x30] =	vst v4;
	v6 =	vmax.f32 v6, $0.0e+00;
	v10 =	vsub.f32 v10, v3;
	v4 =	vld [tilespmem:s17+$0xB0]  }
0xf5: {  	[tilespmem:s17+$0x40] =	vst v6;
	v9 =	vmax.f32 v9, $0.0e+00;
	v11 =	vsub.f32 v11, v3;
	v6 =	vld [tilespmem:s17+$0xC0]  }
0xf6: {  	[tilespmem:s17+$0x50] =	vst v9;
	v9 =	vmax.f32 v10, $0.0e+00;
	v10 =	vsub.f32 v7, v3;
	v7 =	vld [tilespmem:s17+$0xD0]  }
0xf7: {  	s18 =	sadd.s32 $0x400, s18;
	[tilespmem:s17+$0x60] =	vst v9;
	v11 =	vmax.f32 v11, $0.0e+00;
	v9 =	vsub.f32 v8, v3;
	v8 =	vld [tilespmem:s17+$0xE0]  }
0xf8: {  	[tilespmem:s17+$0x70] =	vst v11;
	v10 =	vmax.f32 v10, $0.0e+00;
	v5 =	vsub.f32 v5, v3;
	v11 =	vld [tilespmem:s17+$0xF0]  }
0xf9: {  	[tilespmem:s17+$0x80] =	vst v10;
	v9 =	vmax.f32 v9, $0.0e+00;
	v4 =	vsub.f32 v4, v3  }
0xfa: {  	[tilespmem:s17+$0x90] =	vst v9;
	v5 =	vmax.f32 v5, $0.0e+00;
	v6 =	vsub.f32 v6, v3  }
0xfb: {  	[tilespmem:s17+$0xA0] =	vst v5;
	v4 =	vmax.f32 v4, $0.0e+00;
	v5 =	vsub.f32 v7, v3  }
0xfc: {  	[tilespmem:s17+$0xB0] =	vst v4;
	v4 =	vmax.f32 v6, $0.0e+00;
	v6 =	vsub.f32 v8, v3  }
0xfd: {  	[tilespmem:s17+$0xC0] =	vst v4;
	v4 =	vmax.f32 v5, $0.0e+00;
	v3 =	vsub.f32 v11, v3  }
0xfe: {  	[tilespmem:s17+$0xD0] =	vst v4;
	v4 =	vmax.f32 v6, $0.0e+00  }
0xff: {  	[tilespmem:s17+$0xE0] =	vst v4;
	v3 =	vmax.f32 v3, $0.0e+00  }
0x100: {  	s30 =	simm.s32 $0x0;
	[tilespmem:s17+$0xF0] =	vst v3  }
0x101: {  	[hbm4b:s5+s8] =	stream.strided.scatter [tilespmem:s30], [sflag:$0x3], $0x8000, s9, s8, $0x38;
	[tilespmem:$0x18080] =	vst v63  }
0x102: {  	_ =	swait.ge [sflag:s13], $0x8000  }
0x103: {  	[sflag:s13] =	ssyncset.done $0x0  }
0x104: {  	s31 =	simm.s32 $0x0;
	[sflag:s13] =	ssyncadd.s32 $0xFFFF8000  }
0x105: {  	v4 =	vld [tilespmem:s31+$0x8080]  }
0x106: {  	v5 =	vld [tilespmem:s31+$0x8070]  }
0x107: {  	v7 =	vld [tilespmem:s31+$0x8060]  }
0x108: {  	v9 =	vld [tilespmem:s31+$0x8050]  }
0x109: {  	v14 =	vld [tilespmem:s31+$0x8040]  }
0x10a: {  	v18 =	vld [tilespmem:s31+$0x8030]  }
0x10b: {  	v19 =	vld [tilespmem:s31+$0x8010]  }
0x10c: {  	v21 =	vld [tilespmem:s31+$0x8000]  }
0x10d: {  	v22 =	vld [tilespmem:s31+$0x8020]  }
0x10e: {  	v6 =	vld [tilespmem:s31+$0x80B0]  }
0x10f: {  	v8 =	vld [tilespmem:s31+$0x80A0]  }
0x110: {  	v15 =	vimm.s32 $0xFFFFFFFF;
	v3 =	vimm.f32 $-3.000000010e+38  }
0x111: {  	v10 =	vmax.f32 v7, v5;
	vm10 =	vgt.f32 v14, v3;
	v11 =	vmax.f32 v14, v9  }
0x112: {  	vm0 =	vgt.f32 v9, v3;
	vm11 =	vgt.f32 v18, v3;
	vm1 =	vgt.f32 v7, v3  }
0x113: {  	vm12 =	vgt.f32 v19, v3;
	vm2 =	vgt.f32 v5, v3;
	vm14 =	vgt.f32 v21, v3  }
0x114: {  	vm13 =	vgt.f32 v22, v3;
	vm3 =	vgt.f32 v4, v3;
	v26 =	vmax.f32 v8, v6  }
0x115: {  	v31 =	vmax.f32 v22, v18;
	v17 =	vmax.f32 v11, v10;
	v11 =	vsel vm0, $0x1, v0  }
0x116: {  	v32 =	vmax.f32 v21, v19;
	vm6 =	vgt.f32 v8, v3;
	v12 =	vsel vm14, $0x1, v0;
	(xrf0) =	vadd.scan.msk.s32 $0xffff, v11  }
0x117: {  	vm8 =	vgt.f32 v6, v3;
	v13 =	vsel vm10, $0x1, v0;
	v23 =	vsel vm12, $0x1, v0;
	(xrf0) =	vadd.scan.msk.s32 $0xffff, v12  }
0x118: {  	v10 =	vld [tilespmem:s31+$0x8090];
	v16 =	vsel vm1, $0x1, v0;
	v25 =	vmpcnt.ones.xlane vm1;
	v24 =	vsel vm13, $0x1, v0;
	(xrf0) =	vadd.scan.msk.s32 $0xffff, v23  }
0x119: {  	v20 =	vsel vm2, $0x1, v0;
	v27 =	vmpcnt.ones.xlane vm14;
	v23 =	vsel vm11, $0x1, v0;
	(xrf0) =	vadd.scan.msk.s32 $0xffff, v24  }
0x11a: {  	v28 =	vmpcnt.ones.xlane vm13;
	v30 =	vmpcnt.ones.xlane vm2;
	v31 =	vmax.f32 v32, v31;
	(xrf0) =	vadd.scan.msk.s32 $0xffff, v23  }
0x11b: {  	v56 =	vmpcnt.ones.xlane vm11;
	v39 =	vsel vm6, $0x1, v0;
	v57 =	vsel vm8, $0x1, v0;
	v11 =	vld [tilespmem:s31+$0x80D0];
	(xrf0) =	vadd.scan.msk.s32 $0xffff, v13  }
0x11c: {  	v17 =	vmax.f32 v31, v17;
	v27 =	vadd.s32 v15, v27;
	v13 =	vmpcnt.ones.xlane vm12;
	v35, _, _ =	vpop (xrf0)  }
0x11d: {  	v12 =	vld [tilespmem:s31+$0x80C0];
	v24 =	vmpcnt.ones.xlane vm0;
	v29 =	vmax.f32 v4, v10;
	vm4 =	vgt.f32 v10, v3;
	(xrf0) =	vadd.scan.msk.s32 $0xffff, v16;
	v36, _, _ =	vpop (xrf0)  }
0x11e: {  	v23 =	vmpcnt.ones.xlane vm10;
	v16 =	vsel vm3, $0x1, v0;
	(xrf0) =	vadd.scan.msk.s32 $0xffff, v20;
	v20 =	vadd.s32 v27, v13;
	v38, _, _ =	vpop (xrf0)  }
0x11f: {  	v34 =	vsel vm4, $0x1, v0;
	(xrf0) =	vadd.scan.msk.s32 $0xffff, v16;
	v16 =	vmax.f32 v29, v26;
	v29 =	vadd.s32 v15, v36;
	v26, _, _ =	vpop (xrf0)  }
0x120: {  	vm5 =	vgt.f32 v11, v3;
	v13 =	vld [tilespmem:s31+$0x80E0];
	v28 =	vadd.s32 v20, v28;
	(xrf0) =	vadd.scan.msk.s32 $0xffff, v34;
	v27 =	vadd.s32 v38, v27;
	v15, _, _ =	vpop (xrf0)  }
0x121: {  	v37 =	vsel vm5, $0x1, v0;
	(xrf0) =	vadd.scan.msk.s32 $0xffff, v39;
	v31 =	vadd.s32 v26, v20;
	v26 =	vadd.s32 v28, v56;
	v20, _, _ =	vpop (xrf0)  }
0x122: {  	vm7 =	vgt.f32 v12, v3;
	(xrf0) =	vadd.scan.msk.s32 $0xffff, v37;
	v58 =	vadd.s32 v20, v26;
	v26 =	vadd.s32 v26, v23  }
0x123: {  	v28 =	vadd.s32 v15, v28;
	v59, _, _ =	vpop (xrf0);
	(xrf0) =	vadd.scan.msk.s32 $0xffff, v57;
	v20 =	vadd.s32 v35, v26;
	v26 =	vadd.s32 v26, v24  }
0x124: {  	v33 =	vmpcnt.ones.xlane vm3;
	v60 =	vsel vm7, $0x1, v0;
	v15 =	vld [tilespmem:s31+$0x80F0];
	v61, _, _ =	vpop (xrf0);
	[tilespmem:v29+s12+$0x0] =	vst.idx.msk vm14, v21;
	v25 =	vadd.s32 v26, v25  }
0x125: {  	vm9 =	vgt.f32 v13, v3;
	v23 =	vmpcnt.ones.xlane vm4;
	v62, _, _ =	vpop (xrf0);
	[tilespmem:v27+s12+$0x0] =	vst.idx.msk vm12, v19;
	v27 =	vadd.s32 v25, v30  }
0x126: {  	v24 =	vmpcnt.ones.xlane vm6;
	v29 =	vsel vm9, $0x1, v0;
	(xrf0) =	vadd.scan.msk.s32 $0xffff, v60;
	v21 =	vadd.s32 v59, v26;
	v63, _, _ =	vpop (xrf0)  }
0x127: {  	[tilespmem:v31+s12+$0x0] =	vst.idx.msk vm13, v22;
	v22 =	vadd.s32 v61, v25;
	v25 =	vmpcnt.ones.xlane vm5;
	v31 =	vmpcnt.ones.xlane vm7;
	v26, _, _ =	vpop (xrf0)  }
0x128: {  	v19 =	vadd.s32 v62, v27;
	[tilespmem:v28+s12+$0x0] =	vst.idx.msk vm11, v18;
	v32 =	vadd.s32 v27, v33;
	v28 =	vmpcnt.ones.xlane vm8;
	v27, _, _ =	vpop (xrf0)  }
0x129: {  	s17 =	simm.s32 $0x400;
	vm11 =	vgt.f32 v15, v3;
	[tilespmem:v58+s12+$0x0] =	vst.idx.msk vm10, v14;
	v18 =	vadd.s32 v63, v32;
	v14 =	vimm.f32 $-3.000000010e+38;
	v30, _, _ =	vpop (xrf0)  }
.LBB2_18:
0x12a: {  	p0 =	sne.s32 s17, $0x1FC00;
	v33 =	vmax.f32 v12, v11;
	v34 =	vmax.f32 v13, v15;
	(xrf0) =	vadd.scan.msk.s32 $0xffff, v29;
	s18 =	smov.u32 s17;
	s17 =	sadd.s32 $0x400, s17  }
0x12b: {  	v35 =	vadd.s32 v32, v23;
	v29 =	vsel vm11, $0x1, v0;
	v32 =	vmax.f32 v33, v34  }
0x12c: {  	[tilespmem:v20+s12+$0x0] =	vst.idx.msk vm0, v9;
	v9 =	vadd.s32 v26, v35;
	v20 =	vadd.s32 v35, v24;
	v23, _, _ =	vpop (xrf0);
	(xrf0) =	vadd.scan.msk.s32 $0xffff, v29  }
0x12d: {  	[tilespmem:v21+s12+$0x0] =	vst.idx.msk vm1, v7;
	v7 =	vadd.s32 v30, v20;
	v20 =	vadd.s32 v20, v28  }
0x12e: {  	[tilespmem:v22+s12+$0x0] =	vst.idx.msk vm2, v5;
	v5 =	vadd.s32 v23, v20;
	v20 =	vadd.s32 v20, v31  }
0x12f: {  	v16 =	vmax.f32 v16, v32;
	[tilespmem:v19+s12+$0x0] =	vst.idx.msk vm3, v4;
	v4 =	vadd.s32 v27, v20;
	v19 =	vmpcnt.ones.xlane vm9  }
0x130: {  	v16 =	vmax.f32 v17, v16;
	[tilespmem:v18+s12+$0x0] =	vst.idx.msk vm4, v10;
	v18 =	vadd.s32 v20, v25;
	v17, _, _ =	vpop (xrf0)  }
0x131: {  	v3 =	vmax.f32 v3, v16;
	[tilespmem:v9+s12+$0x0] =	vst.idx.msk vm6, v8;
	v8 =	vadd.s32 v17, v18;
	v9 =	vadd.f32 $-1.000000000e+00, v16  }
0x132: {  	[tilespmem:v7+s12+$0x0] =	vst.idx.msk vm8, v6;
	v6 =	vadd.s32 v18, v19;
	v7 =	vmpcnt.ones.xlane vm11;
	v10, _, _ =	vpop (xrf0)  }
0x133: {  	[tilespmem:v5+s12+$0x0] =	vst.idx.msk vm7, v12;
	v5 =	vadd.s32 v10, v6;
	v14 =	vmax.f32 v14, v9  }
0x134: {  	[tilespmem:v4+s12+$0x0] =	vst.idx.msk vm5, v11;
	v17 =	vadd.s32 v6, v7;
	_ =	sdelay $0x1  }
0x135: {  	[tilespmem:v8+s12+$0x0] =	vst.idx.msk vm9, v13;
	_ =	sdelay $0x1  }
0x136: {  	s18 =	sshra.s32 s18, $0x2;
	[tilespmem:v5+s12+$0x0] =	vst.idx.msk vm11, v15  }
0x137: {  	v4 =	vld [tilespmem:s18+$0x8080]  }
0x138: {  	v5 =	vld [tilespmem:s18+$0x8070]  }
0x139: {  	v7 =	vld [tilespmem:s18+$0x8060]  }
0x13a: {  	v9 =	vld [tilespmem:s18+$0x8050]  }
0x13b: {  	v18 =	vld [tilespmem:s18+$0x8040]  }
0x13c: {  	v19 =	vld [tilespmem:s18+$0x8030]  }
0x13d: {  	v22 =	vld [tilespmem:s18+$0x8020]  }
0x13e: {  	v21 =	vld [tilespmem:s18+$0x8010];
	v10 =	vmax.f32 v7, v5  }
0x13f: {  	v24 =	vld [tilespmem:s18+$0x8000]  }
0x140: {  	v6 =	vld [tilespmem:s18+$0x80B0];
	vm10 =	vgt.f32 v18, v14;
	v11 =	vmax.f32 v18, v9  }
0x141: {  	vm0 =	vgt.f32 v9, v14;
	v8 =	vld [tilespmem:s18+$0x80A0];
	v13 =	vsel vm10, $0x1, v0;
	v15 =	vmax.f32 v11, v10  }
0x142: {  	vm1 =	vgt.f32 v7, v14;
	vm11 =	vgt.f32 v19, v14;
	v11 =	vsel vm0, $0x1, v0;
	v10 =	vld [tilespmem:s18+$0x8090]  }
0x143: {  	vm2 =	vgt.f32 v5, v14;
	v16 =	vsel vm1, $0x1, v0;
	vm12 =	vgt.f32 v21, v14  }
0x144: {  	v20 =	vsel vm2, $0x1, v0;
	v25 =	vmpcnt.ones.xlane vm1;
	vm14 =	vgt.f32 v24, v14  }
0x145: {  	vm3 =	vgt.f32 v4, v14;
	vm13 =	vgt.f32 v22, v14;
	v12 =	vsel vm14, $0x1, v0;
	(xrf0) =	vadd.scan.msk.s32 $0xffff, v11  }
0x146: {  	v26 =	vsel vm13, $0x1, v0;
	v23 =	vsel vm12, $0x1, v0;
	v27 =	vmax.f32 v8, v6;
	(xrf0) =	vadd.scan.msk.s32 $0xffff, v12  }
0x147: {  	v29 =	vmpcnt.ones.xlane vm13;
	v28 =	vmpcnt.ones.xlane vm14;
	v11 =	vld [tilespmem:s18+$0x80D0];
	v30 =	vmax.f32 v4, v10;
	(xrf0) =	vadd.scan.msk.s32 $0xffff, v23  }
0x148: {  	v31 =	vmpcnt.ones.xlane vm2;
	v32 =	vmax.f32 v22, v19;
	v23 =	vsel vm11, $0x1, v0;
	v12 =	vld [tilespmem:s18+$0x80C0];
	(xrf0) =	vadd.scan.msk.s32 $0xffff, v26  }
0x149: {  	v33 =	vmax.f32 v24, v21;
	vm4 =	vgt.f32 v10, v14;
	v26 =	vmpcnt.ones.xlane vm0;
	(xrf0) =	vadd.scan.msk.s32 $0xffff, v23  }
0x14a: {  	v34 =	vmpcnt.ones.xlane vm3;
	v32 =	vmax.f32 v33, v32;
	v23 =	vmpcnt.ones.xlane vm10;
	(xrf0) =	vadd.scan.msk.s32 $0xffff, v13  }
0x14b: {  	v33 =	vmpcnt.ones.xlane vm11;
	v35 =	vsel vm4, $0x1, v0;
	v13 =	vmpcnt.ones.xlane vm12;
	v36, _, _ =	vpop (xrf0);
	(xrf0) =	vadd.scan.msk.s32 $0xffff, v16  }
0x14c: {  	v28 =	vadd.s32 v17, v28;
	v16 =	vsel vm3, $0x1, v0;
	vm5 =	vgt.f32 v11, v14;
	v37, _, _ =	vpop (xrf0);
	(xrf0) =	vadd.scan.msk.s32 $0xffff, v20  }
0x14d: {  	vm6 =	vgt.f32 v8, v14;
	v20 =	vadd.s32 v28, v13;
	v38 =	vsel vm5, $0x1, v0;
	v39, _, _ =	vpop (xrf0);
	(xrf0) =	vadd.scan.msk.s32 $0xffff, v16  }
0x14e: {  	v40 =	vsel vm6, $0x1, v0;
	vm7 =	vgt.f32 v12, v14;
	v16 =	vmax.f32 v30, v27;
	v13 =	vld [tilespmem:s18+$0x80E0];
	v27, _, _ =	vpop (xrf0);
	(xrf0) =	vadd.scan.msk.s32 $0xffff, v35  }
0x14f: {  	v30 =	vadd.s32 v17, v37;
	v17 =	vmax.f32 v32, v15;
	v28 =	vadd.s32 v39, v28;
	v15, _, _ =	vpop (xrf0);
	(xrf0) =	vadd.scan.msk.s32 $0xffff, v40  }
0x150: {  	vm8 =	vgt.f32 v6, v14;
	v27 =	vadd.s32 v27, v20;
	v20 =	vadd.s32 v20, v29;
	v29, _, _ =	vpop (xrf0)  }
0x151: {  	v40 =	vsel vm8, $0x1, v0;
	v32 =	vadd.s32 v15, v20;
	v20 =	vadd.s32 v20, v33;
	v35, _, _ =	vpop (xrf0);
	(xrf0) =	vadd.scan.msk.s32 $0xffff, v38  }
0x152: {  	v37 =	vadd.s32 v29, v20;
	v29 =	vadd.s32 v20, v23;
	v38 =	vsel vm7, $0x1, v0;
	v15 =	vld [tilespmem:s18+$0x80F0];
	v39, _, _ =	vpop (xrf0);
	(xrf0) =	vadd.scan.msk.s32 $0xffff, v40  }
0x153: {  	v23 =	vmpcnt.ones.xlane vm4;
	v20 =	vadd.s32 v36, v29;
	vm9 =	vgt.f32 v13, v14;
	v33, _, _ =	vpop (xrf0)  }
.Ltmp12:
0x154: {  	v36 =	vadd.s32 v29, v26;
	[tilespmem:v30+s12+$0x0] =	vst.idx.msk vm14, v24;
	v24 =	vmpcnt.ones.xlane vm6;
	v29 =	vsel vm9, $0x1, v0;
	v30, _, _ =	vpop (xrf0);
	(pc) =	sbr.rel @p0 .LBB2_18-.Ltmp12, $4  }
0x155: {  	v25 =	vadd.s32 v36, v25;
	[tilespmem:v28+s12+$0x0] =	vst.idx.msk vm12, v21;
	v21 =	vadd.s32 v35, v36;
	v26, _, _ =	vpop (xrf0);
	(xrf0) =	vadd.scan.msk.s32 $0xffff, v38  }
0x156: {  	v31 =	vadd.s32 v25, v31;
	[tilespmem:v27+s12+$0x0] =	vst.idx.msk vm13, v22;
	v22 =	vadd.s32 v39, v25;
	v25 =	vmpcnt.ones.xlane vm5  }
0x157: {  	v28 =	vmpcnt.ones.xlane vm8;
	[tilespmem:v32+s12+$0x0] =	vst.idx.msk vm11, v19;
	v19 =	vadd.s32 v33, v31;
	v32 =	vadd.s32 v31, v34;
	v27, _, _ =	vpop (xrf0)  }
0x158: {  	vm11 =	vgt.f32 v15, v14;
	v31 =	vmpcnt.ones.xlane vm7;
	[tilespmem:v37+s12+$0x0] =	vst.idx.msk vm10, v18;
	v18 =	vadd.s32 v30, v32;
	v30, _, _ =	vpop (xrf0)  }
0x159: {  	v14 =	vmax.f32 v12, v11;
	v33 =	vmax.f32 v13, v15  }
0x15a: {  	v14 =	vmax.f32 v14, v33  }
0x15b: {  	v14 =	vmax.f32 v16, v14  }
0x15c: {  	(xrf0) =	vadd.scan.msk.s32 $0xffff, v29;
	v51 =	vsel vm11, $0x1, v0;
	v14 =	vmax.f32 v17, v14  }
0x15d: {  	(xrf0) =	vadd.scan.msk.s32 $0xffff, v51;
	v3 =	vmax.f32 v3, v14  }
0x15e: {  	(xrf0) =	vmax.scan.msk.f32 $0xffff, v3;
	_ =	sdelay $0x2  }
0x15f: {  	v52, _, _ =	vpop (xrf0)  }
0x160: {  	v53, _, _ =	vpop (xrf0)  }
0x161: {  	v54, _, _ =	vpop (xrf0)  }
0x162: {  	v3, _, _ =	vpop (xrf0)  }
0x163: {  	v3 =	vadd.f32 $-1.000000000e+00, v3;
	_ =	sdelay $0x1  }
0x164: {  	v3 =	vbroadcast v3, $0xF;
	_ =	sdelay $0x1  }
0x165: {  	vm10 =	vgt.f32 v3, $-3.000000010e+38  }
0x166: {  	v23 =	vadd.s32 v32, v23;
	v55 =	vsel vm10, $0x3F800000, v2  }
0x167: {  	v24 =	vadd.s32 v23, v24;
	(xrf0) =	vmin.scan.msk.f32 $0xffff, v55  }
0x168: {  	v28 =	vadd.s32 v24, v28  }
0x169: {  	v57 =	vmpcnt.ones.xlane vm9;
	v56 =	vadd.s32 v28, v31  }
0x16a: {  	v58 =	vmpcnt.ones.xlane vm11;
	v25 =	vadd.s32 v56, v25  }
0x16b: {  	v31 =	vadd.s32 v25, v57  }
0x16c: {  	v32 =	vadd.s32 v31, v58  }
0x16d: {  	(v2sf) =	vpush v32, $0x0;
	v59, _, _ =	vpop (xrf0)  }
0x16e: {  	(v2sf) =	vpush v59, $0xF;
	_ =	sdelay $0x6  }
0x16f: {  	[tilespmem:v20+s12+$0x0] =	vst.idx.msk vm0, v9;
	v60 =	vadd.s32 v26, v23  }
0x170: {  	[tilespmem:v21+s12+$0x0] =	vst.idx.msk vm1, v7;
	v61 =	vadd.s32 v30, v24  }
0x171: {  	[tilespmem:v22+s12+$0x0] =	vst.idx.msk vm2, v5;
	v5 =	vadd.s32 v52, v28  }
0x172: {  	[tilespmem:v19+s12+$0x0] =	vst.idx.msk vm3, v4;
	v4 =	vadd.s32 v27, v56  }
0x173: {  	[tilespmem:v18+s12+$0x0] =	vst.idx.msk vm4, v10;
	v62 =	vadd.s32 v53, v25  }
0x174: {  	[tilespmem:v60+s12+$0x0] =	vst.idx.msk vm6, v8;
	v63 =	vadd.s32 v54, v31  }
0x175: {  	[tilespmem:v61+s12+$0x0] =	vst.idx.msk vm8, v6  }
0x176: {  	[tilespmem:v5+s12+$0x0] =	vst.idx.msk vm7, v12;
	s17 =	spop (v2sf)  }
0x177: {  	[tilespmem:v4+s12+$0x0] =	vst.idx.msk vm5, v11;
	s18 =	spop (v2sf)  }
0x178: {  	[tilespmem:v62+s12+$0x0] =	vst.idx.msk vm9, v13;
	p0 =	sgt.f32 s18, $0.0e+00  }
.Ltmp13:
0x179: {  	[tilespmem:v63+s12+$0x0] =	vst.idx.msk vm11, v15;
	(pc) =	sbr.rel @!p0 .LBB2_31-.Ltmp13, $4  }
0x17a: {  	[tilespmem:s17+$0x10001] =	vst v1  }
0x17b: {  	[tilespmem:s17+$0x10011] =	vst v1  }
0x17c: {  	[tilespmem:s17+$0x10021] =	vst v1  }
0x17d: {  	[tilespmem:s17+$0x10031] =	vst v1  }
.Ltmp14:
0x17e: {  	(pc) =	sbr.rel .LBB2_21-.Ltmp14, $3  }
0x17f: {  	_ =	sdelay $0x1  }
0x180: {  	s17 =	sadd.s32 $0x40, s17  }
0x181: {  	s17 =	sshra.s32 s17, $0x6  }
.LBB2_22:
0x182: {  	v5 =	vimm.f32 $0.0e+00  }
.LBB2_30:
0x183: {  	(xrf2) =	vadd.scan.msk.f32 $0xffff, v4;
	_ =	sdelay $0x4  }
0x184: {  	(erf) = vrcp.f32 v5;
	_ =	sdelay $0x4  }
0x185: {  	v4, _, _ =	vpop (xrf2)  }
0x186: {  	v4 =	vadd.f32 $-1.000000000e+00, v4;
	_ =	sdelay $0x1  }
0x187: {  	v4 =	vbroadcast v4, $0xF  }
0x188: {  	v5 =	vpop (erf)  }
0x189: {  	v4 =	vmul.f32 v4, v5;
	_ =	sdelay $0x1  }
0x18a: {  	v4 =	vadd.f32 v4, v3;
	_ =	sdelay $0x1  }
0x18b: {  	vm0 =	vgt.f32 v4, v3  }
0x18c: {  	v5 =	vsel vm0, $0x3F800000, v2  }
0x18d: {  	(xrf0) =	vmin.scan.msk.f32 $0xffff, v5;
	_ =	sdelay $0x5  }
0x18e: {  	v5, _, _ =	vpop (xrf0)  }
0x18f: {  	(v2sf) =	vpush v5, $0xF;
	_ =	sdelay $0xe  }
0x190: {  	s18 =	spop (v2sf)  }
0x191: {  	p0 =	sgt.f32 s18, $0.0e+00  }
.Ltmp15:
0x192: {  	_ = 	snop;
	(pc) =	sbr.rel @!p0 .LBB2_31-.Ltmp15, $2  }
0x193: {  	_ =	sdelay $0x2  }
0x194: {  	v3 =	vsel vm0, v4, v3  }
.LBB2_21:
0x195: {  	p0 =	slt.s32 s17, $0x1  }
.Ltmp16:
0x196: {  	_ = 	snop;
	(pc) =	sbr.rel @p0 .LBB2_22-.Ltmp16, $2  }
0x197: {  	_ =	sdelay $0x2  }
0x198: {  	v4 =	vimm.f32 $0.0e+00  }
0x199: {  	p1 =	sne.s32 s17, $0x1  }
.Ltmp17:
0x19a: {  	_ = 	snop;
	(pc) =	sbr.rel @!p1 .LBB2_24-.Ltmp17, $4  }
0x19b: {  	_ = 	snop  }
0x19c: {  	s18 =	simm.s32 $0x10020  }
0x19d: {  	v10 =	vld [tilespmem:s18+$0x10]  }
0x19e: {  	v5 =	vimm.s32 $0x0;
	s19 =	sadd.s32 $0xFFFFFFFF, s17;
	p0 =	por $0x0, $0x0;
	v6 =	vld [tilespmem:s18+$0xFFFFFFE0]  }
0x19f: {  	v7 =	vld [tilespmem:s18+$0x0]  }
0x1a0: {  	v9 =	vld [tilespmem:s18+$0xFFFFFFF0];
	_ =	sdelay $0x1  }
0x1a1: {  	p1 =	sne.s32 s19, $0x1  }
.Ltmp18:
0x1a2: {  	_ = 	snop;
	(pc) =	sbr.rel @!p1 .LBB2_26-.Ltmp18, $4  }
0x1a3: {  	v11 =	vsub.f32 v6, v3  }
0x1a4: {  	s18 =	simm.s32 $0x10060;
	v8 =	vsub.f32 v7, v3;
	v13 =	vsub.f32 v9, v3  }
0x1a5: {  	v9 =	vld [tilespmem:s18+$0x10];
	v7 =	vsub.f32 v10, v3;
	v6 =	vmax.f32 v11, $0.0e+00;
	vm0 =	vgt.f32 v11, $0.0e+00  }
0x1a6: {  	s19 =	sadd.s32 $0xFFFFFFFF, s19;
	p0 =	por $0x1, $0x1;
	v11 =	vimm.s32 $0x0;
	v14 =	vadd.f32 v6, v4;
	v6 =	vld [tilespmem:s18+$0xFFFFFFE0];
	v12 =	vmax.f32 v8, $0.0e+00  }
.LBB2_27:
0x1a7: {  	p1 =	sne.s32 s19, $0x1;
	v10 =	vld [tilespmem:s18+$0x0];
	v15 =	vmpcnt.ones.xlane vm0;
	v16 =	vmax.f32 v13, $0.0e+00;
	vm0 =	vgt.f32 v13, $0.0e+00  }
0x1a8: {  	v13 =	vld [tilespmem:s18+$0xFFFFFFF0];
	v14 =	vadd.f32 v16, v14;
	v16 =	vmpcnt.ones.xlane vm0;
	vm0 =	vgt.f32 v8, $0.0e+00  }
0x1a9: {  	v8 =	vadd.s32 v11, v15;
	v11 =	vmpcnt.ones.xlane vm0;
	vm0 =	vgt.f32 v7, $0.0e+00  }
.Ltmp19:
0x1aa: {  	v8 =	vadd.s32 v16, v8;
	v12 =	vadd.f32 v12, v14;
	v14 =	vmpcnt.ones.xlane vm0;
	(pc) =	sbr.rel @p1 .LBB2_27-.Ltmp19, $4  }
0x1ab: {  	v7 =	vmax.f32 v7, $0.0e+00;
	v15 =	vsub.f32 v6, v3;
	v6 =	vadd.s32 v11, v8  }
0x1ac: {  	s18 =	sadd.s32 $0x40, s18;
	v8 =	vsub.f32 v10, v3;
	v10 =	vadd.f32 v7, v12;
	v11 =	vadd.s32 v14, v6  }
0x1ad: {  	v7 =	vsub.f32 v9, v3;
	v12 =	vmax.f32 v15, $0.0e+00;
	v13 =	vsub.f32 v13, v3;
	v9 =	vld [tilespmem:s18+$0x10]  }
0x1ae: {  	s19 =	sadd.s32 $0xFFFFFFFF, s19;
	vm0 =	vgt.f32 v15, $0.0e+00;
	v6 =	vld [tilespmem:s18+$0xFFFFFFE0];
	v14 =	vadd.f32 v12, v10;
	v12 =	vmax.f32 v8, $0.0e+00  }
0x1af: {  	_ =	sdelay $0x2  }
0x1b0: {  	v10 =	vmov v9  }
.LBB2_29:
0x1b1: {  	v9 =	vmpcnt.ones.xlane @p0 vm0;
	v15 =	vmax.f32 @p0 v13, $0.0e+00  }
0x1b2: {  	vm0 =	vgt.f32 @p0 v13, $0.0e+00;
	v6 =	vsub.f32 v6, v3;
	v14 =	vadd.f32 @p0 v15, v14  }
0x1b3: {  	v60 =	vld [tilespmem:s18+$0xFFFFFFF0];
	v10 =	vsub.f32 v10, v3;
	v15 =	vmpcnt.ones.xlane @p0 vm0;
	vm0 =	vgt.f32 @p0 v8, $0.0e+00  }
0x1b4: {  	v59 =	vld [tilespmem:s18+$0x0];
	v9 =	vadd.s32 @p0 v11, v9;
	v11 =	vmpcnt.ones.xlane @p0 vm0;
	v12 =	vadd.f32 @p0 v12, v14  }
0x1b5: {  	vm0 =	vgt.f32 @p0 v7, $0.0e+00;
	v7 =	vmax.f32 @p0 v7, $0.0e+00;
	v62 =	vmax.f32 v6, $0.0e+00  }
0x1b6: {  	vm12 =	vgt.f32 v6, $0.0e+00;
	vm15 =	vgt.f32 v10, $0.0e+00;
	v7 =	vadd.f32 @p0 v7, v12  }
0x1b7: {  	v9 =	vadd.s32 @p0 v15, v9;
	v14 =	vmpcnt.ones.xlane @p0 vm0;
	v6 =	vmpcnt.ones.xlane vm12  }
0x1b8: {  	v9 =	vadd.s32 @p0 v11, v9;
	v8 =	vsub.f32 v60, v3;
	v4 =	vpsel p0, v7, v4  }
0x1b9: {  	v61 =	vsub.f32 v59, v3;
	v9 =	vadd.s32 @p0 v14, v9;
	v4 =	vadd.f32 v62, v4  }
0x1ba: {  	v5 =	vpsel p0, v9, v5;
	v7 =	vmax.f32 v8, $0.0e+00;
	vm13 =	vgt.f32 v8, $0.0e+00  }
0x1bb: {  	vm14 =	vgt.f32 v61, $0.0e+00;
	v4 =	vadd.f32 v7, v4;
	v7 =	vmpcnt.ones.xlane vm13  }
.Ltmp20:
0x1bc: {  	v5 =	vadd.s32 v5, v6;
	v63 =	vmax.f32 v61, $0.0e+00;
	v6 =	vmpcnt.ones.xlane vm14;
	(pc) =	sbr.rel .LBB2_30-.Ltmp20, $4  }
0x1bd: {  	v5 =	vadd.s32 v7, v5;
	v7 =	vmpcnt.ones.xlane vm15;
	v4 =	vadd.f32 v63, v4  }
0x1be: {  	v5 =	vadd.s32 v6, v5;
	v6 =	vmax.f32 v10, $0.0e+00  }
0x1bf: {  	v5 =	vadd.s32 v7, v5;
	v4 =	vadd.f32 v6, v4  }
0x1c0: {  	v5 =	vcvt.s32.f32 v5  }
.LBB2_24:
.Ltmp21:
0x1c1: {  	(pc) =	sbr.rel .LBB2_29-.Ltmp21, $2  }
0x1c2: {  	_ =	sdelay $0x2  }
0x1c3: {  	v11 =	vimm.s32 $0x0  }
.LBB2_26:
.Ltmp22:
0x1c4: {  	(pc) =	sbr.rel .LBB2_29-.Ltmp22, $2  }
0x1c5: {  	_ =	sdelay $0x2  }
0x1c6: {  	v11 =	vimm.s32 $0x0;
	v10 =	vmov v9  }
.LBB2_31:
0x1c7: {  	s17 =	simm.s32 $0x0  }
0x1c8: {  	v4 =	vld [tilespmem:s17+$0x8000]  }
0x1c9: {  	v5 =	vld [tilespmem:s17+$0x8010];
	_ =	sdelay $0x1  }
0x1ca: {  	v6 =	vld [tilespmem:s17+$0x8020]  }
0x1cb: {  	v7 =	vld [tilespmem:s17+$0x8030]  }
0x1cc: {  	v4 =	vsub.f32 v4, v3  }
0x1cd: {  	v8 =	vld [tilespmem:s17+$0x8040];
	v5 =	vsub.f32 v5, v3  }
0x1ce: {  	v9 =	vld [tilespmem:s17+$0x8050];
	v4 =	vmax.f32 v4, $0.0e+00  }
0x1cf: {  	v5 =	vmax.f32 v5, $0.0e+00;
	[tilespmem:s17+$0x8000] =	vst v4;
	v4 =	vsub.f32 v6, v3  }
0x1d0: {  	v10 =	vld [tilespmem:s17+$0x8060];
	[tilespmem:s17+$0x8010] =	vst v5;
	v5 =	vsub.f32 v7, v3  }
0x1d1: {  	v11 =	vld [tilespmem:s17+$0x8070];
	v4 =	vmax.f32 v4, $0.0e+00  }
0x1d2: {  	v12 =	vld [tilespmem:s17+$0x8080];
	v6 =	vmax.f32 v5, $0.0e+00;
	[tilespmem:s17+$0x8020] =	vst v4;
	v4 =	vsub.f32 v8, v3  }
0x1d3: {  	v13 =	vld [tilespmem:s17+$0x8090];
	[tilespmem:s17+$0x8030] =	vst v6;
	v6 =	vsub.f32 v9, v3  }
0x1d4: {  	v5 =	vld [tilespmem:s17+$0x80A0];
	v7 =	vmax.f32 v4, $0.0e+00  }
0x1d5: {  	v4 =	vld [tilespmem:s17+$0x80B0];
	v8 =	vmax.f32 v6, $0.0e+00;
	[tilespmem:s17+$0x8040] =	vst v7;
	v7 =	vsub.f32 v10, v3  }
0x1d6: {  	v6 =	vld [tilespmem:s17+$0x80C0];
	[tilespmem:s17+$0x8050] =	vst v8;
	v8 =	vsub.f32 v11, v3  }
0x1d7: {  	v10 =	vsub.f32 v12, v3;
	v9 =	vmax.f32 v7, $0.0e+00;
	v7 =	vld [tilespmem:s17+$0x80D0]  }
0x1d8: {  	s18 =	simm.s32 $0x400;
	v11 =	vmax.f32 v8, $0.0e+00;
	v8 =	vld [tilespmem:s17+$0x80E0];
	[tilespmem:s17+$0x8060] =	vst v9;
	v9 =	vsub.f32 v13, v3  }
.LBB2_32:
0x1d9: {  	s19 =	sshra.s32 s18, $0x2;
	p0 =	sne.s32 s18, $0x1FC00;
	[tilespmem:s17+$0x8070] =	vst v11;
	v10 =	vmax.f32 v10, $0.0e+00;
	v5 =	vsub.f32 v5, v3;
	v11 =	vld [tilespmem:s17+$0x80F0]  }
0x1da: {  	v12 =	vld [tilespmem:s19+$0x8000];
	[tilespmem:s17+$0x8080] =	vst v10;
	v9 =	vmax.f32 v9, $0.0e+00;
	v4 =	vsub.f32 v4, v3  }
0x1db: {  	v10 =	vld [tilespmem:s19+$0x8010];
	[tilespmem:s17+$0x8090] =	vst v9;
	v5 =	vmax.f32 v5, $0.0e+00;
	v6 =	vsub.f32 v6, v3  }
0x1dc: {  	v9 =	vld [tilespmem:s19+$0x8020];
	[tilespmem:s17+$0x80A0] =	vst v5;
	v4 =	vmax.f32 v4, $0.0e+00;
	v5 =	vsub.f32 v7, v3  }
0x1dd: {  	v7 =	vld [tilespmem:s19+$0x8030];
	[tilespmem:s17+$0x80B0] =	vst v4;
	v4 =	vmax.f32 v6, $0.0e+00;
	v6 =	vsub.f32 v8, v3  }
0x1de: {  	v8 =	vld [tilespmem:s19+$0x8040];
	[tilespmem:s17+$0x80C0] =	vst v4;
	v4 =	vmax.f32 v5, $0.0e+00;
	v5 =	vsub.f32 v11, v3  }
0x1df: {  	v11 =	vsub.f32 v12, v3;
	v12 =	vld [tilespmem:s19+$0x8050];
	[tilespmem:s17+$0x80D0] =	vst v4;
	v4 =	vmax.f32 v6, $0.0e+00  }
0x1e0: {  	v6 =	vsub.f32 v10, v3;
	v10 =	vld [tilespmem:s19+$0x8060];
	[tilespmem:s17+$0x80E0] =	vst v4;
	v4 =	vmax.f32 v5, $0.0e+00  }
0x1e1: {  	v5 =	vmax.f32 v11, $0.0e+00;
	v9 =	vsub.f32 v9, v3;
	v11 =	vld [tilespmem:s19+$0x8070];
	[tilespmem:s17+$0x80F0] =	vst v4;
	s17 =	smov.u32 s19  }
0x1e2: {  	[tilespmem:s17+$0x8000] =	vst v5;
	v4 =	vmax.f32 v6, $0.0e+00;
	v5 =	vsub.f32 v7, v3;
	v7 =	vld [tilespmem:s17+$0x8080]  }
0x1e3: {  	[tilespmem:s17+$0x8010] =	vst v4;
	v4 =	vmax.f32 v9, $0.0e+00;
	v6 =	vsub.f32 v8, v3;
	v8 =	vld [tilespmem:s17+$0x8090]  }
.Ltmp23:
0x1e4: {  	[tilespmem:s17+$0x8020] =	vst v4;
	v4 =	vmax.f32 v5, $0.0e+00;
	v9 =	vsub.f32 v12, v3;
	v5 =	vld [tilespmem:s17+$0x80A0];
	(pc) =	sbr.rel @p0 .LBB2_32-.Ltmp23, $4  }
0x1e5: {  	[tilespmem:s17+$0x8030] =	vst v4;
	v6 =	vmax.f32 v6, $0.0e+00;
	v10 =	vsub.f32 v10, v3;
	v4 =	vld [tilespmem:s17+$0x80B0]  }
0x1e6: {  	[tilespmem:s17+$0x8040] =	vst v6;
	v9 =	vmax.f32 v9, $0.0e+00;
	v11 =	vsub.f32 v11, v3;
	v6 =	vld [tilespmem:s17+$0x80C0]  }
0x1e7: {  	[tilespmem:s17+$0x8050] =	vst v9;
	v9 =	vmax.f32 v10, $0.0e+00;
	v10 =	vsub.f32 v7, v3;
	v7 =	vld [tilespmem:s17+$0x80D0]  }
0x1e8: {  	s18 =	sadd.s32 $0x400, s18;
	[tilespmem:s17+$0x8060] =	vst v9;
	v11 =	vmax.f32 v11, $0.0e+00;
	v9 =	vsub.f32 v8, v3;
	v8 =	vld [tilespmem:s17+$0x80E0]  }
0x1e9: {  	[tilespmem:s17+$0x8070] =	vst v11;
	v10 =	vmax.f32 v10, $0.0e+00;
	v5 =	vsub.f32 v5, v3;
	v58 =	vld [tilespmem:s17+$0x80F0]  }
0x1ea: {  	[tilespmem:s17+$0x8080] =	vst v10;
	v9 =	vmax.f32 v9, $0.0e+00;
	v4 =	vsub.f32 v4, v3  }
0x1eb: {  	[tilespmem:s17+$0x8090] =	vst v9;
	v5 =	vmax.f32 v5, $0.0e+00;
	v6 =	vsub.f32 v6, v3  }
0x1ec: {  	[tilespmem:s17+$0x80A0] =	vst v5;
	v4 =	vmax.f32 v4, $0.0e+00;
	v59 =	vsub.f32 v7, v3  }
0x1ed: {  	[tilespmem:s17+$0x80B0] =	vst v4;
	v60 =	vmax.f32 v6, $0.0e+00;
	v61 =	vsub.f32 v8, v3  }
0x1ee: {  	[tilespmem:s17+$0x80C0] =	vst v60;
	v62 =	vmax.f32 v59, $0.0e+00;
	v3 =	vsub.f32 v58, v3  }
0x1ef: {  	[tilespmem:s17+$0x80D0] =	vst v62;
	v63 =	vmax.f32 v61, $0.0e+00  }
0x1f0: {  	[tilespmem:s17+$0x80E0] =	vst v63;
	v3 =	vmax.f32 v3, $0.0e+00  }
0x1f1: {  	s16 =	sadd.s32 $0x1, s16;
	[tilespmem:s17+$0x80F0] =	vst v3  }
0x1f2: {  	[hbm4b:s6+s8] =	stream.strided.scatter [tilespmem:s10], [sflag:$0x4], $0x8000, s9, s8, $0x38;
	[tilespmem:$0x18080] =	vst v63  }
0x1f3: {  	p0 =	sne.s32 s16, s7;
	_ =	swait.ge [sflag:s14], $0x8000  }
.Ltmp24:
0x1f4: {  	[sflag:s14] =	ssyncset.done $0x0;
	(pc) =	sbr.rel @p0 .LBB2_1-.Ltmp24, $4  }
0x1f5: {  	[sflag:s14] =	ssyncadd.s32 $0xFFFF8000  }
0x1f6: {  	_ =	swait.ge [sflag:s15], $0x8000  }
0x1f7: {  	[sflag:s15] =	ssyncset.done $0x0  }
0x1f8: {  	[sflag:s15] =	ssyncadd.s32 $0xFFFF8000  }
0x1f9: {  	_ =	sfence.sel $0x180000  }
0x1fa: {  	[bflag:$0x0] =	sbarrier.arrive $0xFFFF  }
0x1fb: {  	p0 =	sne.s32 s1, $0x0;
	_ =	strace $0x90000047  }
0x1fc: {  	s0 =	sadd.s32 @!p0 $0x100000, s0;
	[bflag:$0x2] =	sbarrier.arrive $0xFFFF  }
0x1fd: {  	[sflag:s0] =	ssyncadd.tile.s32 @!p0 $0x1;
	_ =	shalt  }
.Lfunc_end2:
_tile_overlayer_lowered:
.L_overlay_start_2:
0x1fe: {  	(tag) =	ssettag $0x2  }
0x1ff: {  	s0 =	rddreg [dreg:$0x0];
	s2 =	stileid.u32  }
0x200: {  	s1 =	rddreg [dreg:$0x1];
	p0 =	sne.s32 s2, $0x0  }
0x201: {  	s3 =	rddreg [dreg:$0x2];
	[bflag:$0x3] =	sbarrier.arrive $0xFFFF;
	s2 =	simm.s32 @!p0 $0x1C05  }
0x202: {  	[timem:s3], [sflag:s2] =	dma.local @!p0 [hbm:s0], s1  }
0x203: {  	s0 =	simm.s32 @!p0 $0x5  }
0x204: {  	_ =	swait.ge @!p0 [sflag:s0], s1  }
0x205: {  	s1 =	ssub.s32 @!p0 $0x0, s1;
	[sflag:s0] =	ssyncset.done @!p0 $0x0  }
0x206: {  	[sflag:s0] =	ssyncadd.s32 @!p0 s1  }
0x207: {  	[bflag:$0x3] =	sbarrier.arrive $0xFFFF  }
0x208: {  	_ =	shalt  }

</sc_bundles>
